<compile_context>
chip_gen: v7x
topology: tpu7x:2x2x1
jax: 0.10.2.dev20260603
libtpu: 0.0.44.dev20260713+nightly
codegen_flags: <defaults>
</compile_context>

<pallas_src>
import dataclasses
import functools

import jax
import jax.numpy as jnp
from jax import lax
from jax.experimental import pallas as pl
from jax.experimental.pallas import tpu as pltpu
from jax.experimental.pallas import tpu_sc as plsc

N_NODES = 10000
N_EDGES = 320000
D = 128
N_GRAPHS = 200
K = 30
KS = 5

NC = 2
NS = 16
NPT = N_NODES // (NC * NS) + (16 - (N_NODES // (NC * NS)) % 16) % 16
PP = 6144
ZB = 96

_mesh = plsc.VectorSubcoreMesh(core_axis_name="c", subcore_axis_name="s")

_sc_params = pltpu.CompilerParams()
for _f, _v in (("needs_layout_passes", False), ("use_tc_tiling_on_sc", False)):
    if _f in pltpu.CompilerParams.__dataclass_fields__:
        _sc_params = dataclasses.replace(_sc_params, **{_f: _v})


def _sel_body(score_hbm, ngi_hbm, st_hbm, h_hbm, out_hbm,
              score_v, ngi_v, st_v, hbuf, zbuf, didx_v, sem):
    c = lax.axis_index("c")
    s = lax.axis_index("s")
    wid = c * NS + s
    pltpu.sync_copy(score_hbm, score_v)
    pltpu.sync_copy(ngi_hbm, ngi_v)
    pltpu.sync_copy(st_hbm, st_v)

    @pl.loop(0, ZB)
    def _(i):
        for cc in range(D // 16):
            zbuf[i, pl.ds(cc * 16, 16)] = jnp.zeros((16,), jnp.float32)

    half = c * PP
    for k in range(PP // NS // ZB):
        pltpu.sync_copy(zbuf, out_hbm.at[pl.ds(half + (s * (PP // NS)) + k * ZB, ZB)])
    plsc.subcore_barrier()

    nbase = wid * NPT
    for k in range(NPT // 80):
        @pl.when(nbase + k * 80 < N_NODES)
        def _():
            pltpu.sync_copy(h_hbm.at[pl.ds(nbase + k * 80, 80)],
                            hbuf.at[pl.ds(k * 80, 80)])

    iota = lax.iota(jnp.int32, 16)
    trash = half + PP - 1

    @pl.loop(0, NPT // 16)
    def _(l):
        gbase = nbase + l * 16

        @pl.when(gbase < N_NODES)
        def _():
            @pl.loop(0, 16)
            def _(ll):
                ni = gbase + ll
                nsplat = jnp.full((16,), ni, jnp.int32)
                s_i = plsc.load_gather(score_v, [nsplat])
                g_i = plsc.load_gather(ngi_v, [nsplat])
                st_i = plsc.load_gather(st_v, [g_i])
                en_i = plsc.load_gather(st_v, [g_i + 1])
                st_s = jnp.max(st_i)
                q0 = st_s // 16
                nch = (jnp.max(en_i) + 15) // 16 - q0

                def body(q, racc):
                    off = (q0 + q) * 16
                    ch = score_v[pl.ds(off, 16)]
                    vidx = iota + off
                    valid = (vidx >= st_i) & (vidx < en_i)
                    win = (ch > s_i) | ((ch == s_i) & (vidx < nsplat))
                    cnt = plsc.all_reduce_population_count(valid & win)
                    return racc + cnt

                rank = lax.fori_loop(0, nch, body, jnp.zeros((16,), jnp.int32))
                din = jnp.where(rank < K, (c * PP) + g_i * K + rank,
                                jnp.full((16,), trash, jnp.int32))
                plsc.store_scatter(didx_v.at[0], [jnp.full((16,), ll, jnp.int32)],
                                   din, mask=iota == ll)

            pltpu.sync_copy(hbuf.at[pl.ds(l * 16, 16)], out_hbm.at[didx_v.at[0]])


@functools.partial(
    pl.kernel,
    out_type=jax.ShapeDtypeStruct((NC * PP, D), jnp.float32),
    mesh=_mesh,
    scratch_types=[
        pltpu.VMEM((N_NODES,), jnp.float32),
        pltpu.VMEM((N_NODES,), jnp.int32),
        pltpu.VMEM((208,), jnp.int32),
        pltpu.VMEM((NPT, D), jnp.float32),
        pltpu.VMEM((ZB, D), jnp.float32),
        pltpu.VMEM((1, 16), jnp.int32),
        pltpu.SemaphoreType.DMA,
    ],
    compiler_params=_sc_params,
)
def _sc_select(*args):
    _sel_body(*args)


def _head_body(flat_ref, w1_ref, b1_ref, w2_ref, b2_ref, o_ref):
    hid = jnp.maximum(flat_ref[...] @ w1_ref[...] + b1_ref[...][None, :], 0.0)
    o_ref[...] = hid @ w2_ref[...] + b2_ref[...][None, :]


def _head(flat, d1_w, d1_b, d2_w, d2_b):
    return pl.pallas_call(
        _head_body,
        out_shape=jax.ShapeDtypeStruct((flat.shape[0], d2_w.shape[1]), flat.dtype),
    )(flat, d1_w, d1_b, d2_w, d2_b)


def _gcn(h, row, col, norm, W, b):
    m = h @ W
    msg = m[row] * norm[:, None]
    out = jax.ops.segment_sum(msg, col, num_segments=N_NODES)
    return jax.nn.relu(out + b)


def kernel(x, edge_index, edge_weight, node_graph_index, W1, b1, W2, b2, W3, b3,
           conv_w, conv_b, d1_w, d1_b, d2_w, d2_b):
    loop = jnp.arange(N_NODES, dtype=edge_index.dtype)
    row = jnp.concatenate([edge_index[0], loop])
    col = jnp.concatenate([edge_index[1], loop])
    w = jnp.concatenate([edge_weight, jnp.ones((N_NODES,), dtype=edge_weight.dtype)])
    deg = jax.ops.segment_sum(w, row, num_segments=N_NODES)
    dis = deg ** -0.5
    norm = dis[row] * w * dis[col]
    h = _gcn(x, row, col, norm, W1, b1)
    h = _gcn(h, row, col, norm, W2, b2)
    h = _gcn(h, row, col, norm, W3, b3)

    score = h[:, -1]
    starts = jnp.searchsorted(node_graph_index,
                              jnp.arange(201, dtype=jnp.int32)).astype(jnp.int32)
    st_pad = jnp.zeros((208,), jnp.int32).at[:201].set(starts)
    pooledp = _sc_select(score, node_graph_index, st_pad, h)
    pooled = (pooledp[:N_GRAPHS * K] + pooledp[PP:PP + N_GRAPHS * K]
              ).reshape(N_GRAPHS, K, D)

    conv = jax.lax.conv_general_dilated(
        pooled, conv_w, window_strides=(1,), padding='VALID',
        dimension_numbers=('NWC', 'WIO', 'NWC'))
    conv = jax.nn.relu(conv + conv_b)
    flat = conv.reshape(N_GRAPHS, -1)
    return _head(flat, d1_w, d1_b, d2_w, d2_b)

# --- scband reference (transcript-rebuilt; emitter-appended) ---
"""Pipeline reference for scband-sort-pool-model-85555748536925 (READ-ONLY COPY).

The authoritative reference and input builder live on the scoring server;
editing this copy changes nothing except your own understanding.
"""

import jax, jax.numpy as jnp
import numpy as np

N_NODES = 10000
N_EDGES = 320000
D = 128
N_GRAPHS = 200
K = 30
KS = 5
NUM_CLASSES = 2


def setup_inputs(seed: int = 0):
    key = jax.random.key(seed)
    ks = jax.random.split(key, 12)
    x = jax.random.normal(ks[0], (N_NODES, D), dtype=jnp.float32)
    edge_index = jax.random.randint(ks[1], (2, N_EDGES), 0, N_NODES, dtype=jnp.int32)
    edge_weight = jax.random.uniform(ks[2], (N_EDGES,), dtype=jnp.float32)
    node_graph_index = jnp.sort(jax.random.randint(ks[3], (N_NODES,), 0, N_GRAPHS, dtype=jnp.int32))
    W1 = jax.random.normal(ks[4], (D, 128), dtype=jnp.float32) * (1.0 / np.sqrt(D))
    b1 = jnp.zeros((128,), dtype=jnp.float32)
    W2 = jax.random.normal(ks[5], (128, 128), dtype=jnp.float32) * (1.0 / np.sqrt(128))
    b2 = jnp.zeros((128,), dtype=jnp.float32)
    W3 = jax.random.normal(ks[6], (128, 128), dtype=jnp.float32) * (1.0 / np.sqrt(128))
    b3 = jnp.zeros((128,), dtype=jnp.float32)
    conv_w = jax.random.normal(ks[7], (KS, 128, 128), dtype=jnp.float32) * (1.0 / np.sqrt(KS * 128))
    conv_b = jnp.zeros((128,), dtype=jnp.float32)
    flat_dim = (K - KS + 1) * 128
    d1_w = jax.random.normal(ks[8], (flat_dim, 128), dtype=jnp.float32) * (1.0 / np.sqrt(flat_dim))
    d1_b = jnp.zeros((128,), dtype=jnp.float32)
    d2_w = jax.random.normal(ks[9], (128, NUM_CLASSES), dtype=jnp.float32) * (1.0 / np.sqrt(128))
    d2_b = jnp.zeros((NUM_CLASSES,), dtype=jnp.float32)
    return {"x": x, "edge_index": edge_index, "edge_weight": edge_weight, "node_graph_index": node_graph_index,
            "W1": W1, "b1": b1, "W2": W2, "b2": b2, "W3": W3, "b3": b3,
            "conv_w": conv_w, "conv_b": conv_b, "d1_w": d1_w, "d1_b": d1_b, "d2_w": d2_w, "d2_b": d2_b}


def _gcn(h, row, col, norm, W, b):
    m = h @ W
    msg = m[row] * norm[:, None]
    out = jax.ops.segment_sum(msg, col, num_segments=N_NODES)
    return jax.nn.relu(out + b)


def reference(x, edge_index, edge_weight, node_graph_index, W1, b1, W2, b2, W3, b3, conv_w, conv_b, d1_w, d1_b, d2_w, d2_b):
    loop = jnp.arange(N_NODES, dtype=edge_index.dtype)
    row = jnp.concatenate([edge_index[0], loop])
    col = jnp.concatenate([edge_index[1], loop])
    w = jnp.concatenate([edge_weight, jnp.ones((N_NODES,), dtype=edge_weight.dtype)])
    # gcn_norm with self-loops (deg >= 1 because self-loop weight is 1)
    deg = jax.ops.segment_sum(w, row, num_segments=N_NODES)
    dis = deg ** -0.5
    norm = dis[row] * w * dis[col]
    h = _gcn(x, row, col, norm, W1, b1)
    h = _gcn(h, row, col, norm, W2, b2)
    h = _gcn(h, row, col, norm, W3, b3)
    # SortPool: sort nodes within each graph by last feature channel (descending), keep top-K, zero-pad
    score = h[:, -1]
    order = jnp.lexsort((-score, node_graph_index))
    g_sorted = node_graph_index[order]
    counts = jnp.bincount(node_graph_index, length=N_GRAPHS)
    starts = jnp.cumsum(counts) - counts
    pos = jnp.arange(N_NODES, dtype=jnp.int32) - starts[g_sorted].astype(jnp.int32)
    mask = (pos < K).astype(h.dtype)
    h_sorted = h[order] * mask[:, None]
    pos_c = jnp.minimum(pos, K - 1)
    pooled = jnp.zeros((N_GRAPHS, K, h.shape[-1]), dtype=h.dtype).at[g_sorted, pos_c].add(h_sorted)
    # Conv1D(128, kernel=5, valid) + relu
    conv = jax.lax.conv_general_dilated(pooled, conv_w, window_strides=(1,), padding='VALID', dimension_numbers=('NWC', 'WIO', 'NWC'))
    conv = jax.nn.relu(conv + conv_b)
    flat = conv.reshape(N_GRAPHS, -1)
    hid = jax.nn.relu(flat @ d1_w + d1_b)
    out = hid @ d2_w + d2_b
    return out

if __name__ == "__main__":
    import jax
    _d = setup_inputs()
    print(jax.jit(kernel)(*tuple(_d.values())))

</pallas_src>

<mosaic_0001>
#map = affine_map<(d0, d1) -> (0)>
#map1 = affine_map<(d0, d1) -> (0, 0)>
module attributes {stable_mosaic.version = 14 : i64} {
  func.func @_sc_select(%arg0: i32, %arg1: i32, %arg2: memref<10000xf32, #tpu.memory_space<hbm>>, %arg3: memref<10000xi32, #tpu.memory_space<hbm>>, %arg4: memref<208xi32, #tpu.memory_space<hbm>>, %arg5: memref<10000x128xf32, #tpu.memory_space<hbm>>, %arg6: memref<12288x128xf32, #tpu.memory_space<hbm>>, %arg7: memref<10000xf32, #tpu.memory_space<vmem>>, %arg8: memref<10000xi32, #tpu.memory_space<vmem>>, %arg9: memref<208xi32, #tpu.memory_space<vmem>>, %arg10: memref<320x128xf32, #tpu.memory_space<vmem>>, %arg11: memref<96x128xf32, #tpu.memory_space<vmem>>, %arg12: memref<1x16xi32, #tpu.memory_space<vmem>>, %arg13: memref<!tpu.dma_semaphore, #tpu.memory_space<semaphore_mem>>) attributes {dimension_semantics = [#tpu.dimension_semantics<core_parallel>, #tpu.dimension_semantics<subcore_parallel>], iteration_bounds = array<i64: 2, 16>, scalar_prefetch = 0 : i64, scratch_operands = 7 : i64, tpu.core_type = #tpu.core_type<sc_vector_subcore>, window_params = [{transform_indices = #map}, {transform_indices = #map}, {transform_indices = #map}, {transform_indices = #map1}, {transform_indices = #map1}]} {
    %mul3A = arith.constant 16 : i32
    %mul3A_0 = arith.muli %arg0, %mul3A : i32
    %add3A = arith.addi %mul3A_0, %arg1 : i32
    "tpu.region"() ({
      %run_scoped3A = tpu.sem_alloc : memref<!tpu.dma_semaphore, #tpu.memory_space<semaphore_mem>>
      tpu.enqueue_dma source(%arg2 : memref<10000xf32, #tpu.memory_space<hbm>>) target(%arg7 : memref<10000xf32, #tpu.memory_space<vmem>>) target_semaphore(%run_scoped3A : memref<!tpu.dma_semaphore, #tpu.memory_space<semaphore_mem>>)
      tpu.wait_dma2 semaphore(%run_scoped3A : memref<!tpu.dma_semaphore, #tpu.memory_space<semaphore_mem>>) src(%arg2 : memref<10000xf32, #tpu.memory_space<hbm>>) dst(%arg7 : memref<10000xf32, #tpu.memory_space<vmem>>)
      tpu.yield
    }) : () -> ()
    "tpu.region"() ({
      %run_scoped3A = tpu.sem_alloc : memref<!tpu.dma_semaphore, #tpu.memory_space<semaphore_mem>>
      tpu.enqueue_dma source(%arg3 : memref<10000xi32, #tpu.memory_space<hbm>>) target(%arg8 : memref<10000xi32, #tpu.memory_space<vmem>>) target_semaphore(%run_scoped3A : memref<!tpu.dma_semaphore, #tpu.memory_space<semaphore_mem>>)
      tpu.wait_dma2 semaphore(%run_scoped3A : memref<!tpu.dma_semaphore, #tpu.memory_space<semaphore_mem>>) src(%arg3 : memref<10000xi32, #tpu.memory_space<hbm>>) dst(%arg8 : memref<10000xi32, #tpu.memory_space<vmem>>)
      tpu.yield
    }) : () -> ()
    "tpu.region"() ({
      %run_scoped3A = tpu.sem_alloc : memref<!tpu.dma_semaphore, #tpu.memory_space<semaphore_mem>>
      tpu.enqueue_dma source(%arg4 : memref<208xi32, #tpu.memory_space<hbm>>) target(%arg9 : memref<208xi32, #tpu.memory_space<vmem>>) target_semaphore(%run_scoped3A : memref<!tpu.dma_semaphore, #tpu.memory_space<semaphore_mem>>)
      tpu.wait_dma2 semaphore(%run_scoped3A : memref<!tpu.dma_semaphore, #tpu.memory_space<semaphore_mem>>) src(%arg4 : memref<208xi32, #tpu.memory_space<hbm>>) dst(%arg9 : memref<208xi32, #tpu.memory_space<vmem>>)
      tpu.yield
    }) : () -> ()
    %scan3A = arith.constant 0 : i32
    %scan3A_1 = arith.constant 96 : i32
    %scan3A_2 = arith.addi %scan3A, %scan3A_1 : i32
    %scan3A_3 = arith.constant 1 : i32
    scf.for %scan3A_62 = %scan3A to %scan3A_2 step %scan3A_3  : i32 {
      %mul3A_63 = arith.constant 1 : i32
      %mul3A_64 = arith.muli %scan3A_62, %mul3A_63 : i32
      %add3A_65 = arith.constant 0 : i32
      %add3A_66 = arith.addi %add3A_65, %mul3A_64 : i32
      %broadcast_in_dim3A = arith.constant 0.000000e+00 : f32
      %broadcast_in_dim3A_67 = vector.broadcast %broadcast_in_dim3A : f32 to vector<16xf32>
      %swap3A = arith.index_cast %add3A_66 : i32 to index
      %swap3A_68 = arith.constant 0 : index
      %swap3A_69 = tpu.vector_load %arg11[%swap3A, %swap3A_68] {strides = array<i32>} : memref<96x128xf32, #tpu.memory_space<vmem>>, vector<16xf32>,
      tpu.vector_store %arg11[%swap3A, %swap3A_68], %broadcast_in_dim3A_67 {strides = array<i32>} : memref<96x128xf32, #tpu.memory_space<vmem>>, vector<16xf32>,
      %broadcast_in_dim3A_70 = arith.constant 0.000000e+00 : f32
      %broadcast_in_dim3A_71 = vector.broadcast %broadcast_in_dim3A_70 : f32 to vector<16xf32>
      %swap3A_72 = arith.index_cast %add3A_66 : i32 to index
      %swap3A_73 = arith.constant 16 : index
      %swap3A_74 = tpu.vector_load %arg11[%swap3A_72, %swap3A_73] {strides = array<i32>} : memref<96x128xf32, #tpu.memory_space<vmem>>, vector<16xf32>,
      tpu.vector_store %arg11[%swap3A_72, %swap3A_73], %broadcast_in_dim3A_71 {strides = array<i32>} : memref<96x128xf32, #tpu.memory_space<vmem>>, vector<16xf32>,
      %broadcast_in_dim3A_75 = arith.constant 0.000000e+00 : f32
      %broadcast_in_dim3A_76 = vector.broadcast %broadcast_in_dim3A_75 : f32 to vector<16xf32>
      %swap3A_77 = arith.index_cast %add3A_66 : i32 to index
      %swap3A_78 = arith.constant 32 : index
      %swap3A_79 = tpu.vector_load %arg11[%swap3A_77, %swap3A_78] {strides = array<i32>} : memref<96x128xf32, #tpu.memory_space<vmem>>, vector<16xf32>,
      tpu.vector_store %arg11[%swap3A_77, %swap3A_78], %broadcast_in_dim3A_76 {strides = array<i32>} : memref<96x128xf32, #tpu.memory_space<vmem>>, vector<16xf32>,
      %broadcast_in_dim3A_80 = arith.constant 0.000000e+00 : f32
      %broadcast_in_dim3A_81 = vector.broadcast %broadcast_in_dim3A_80 : f32 to vector<16xf32>
      %swap3A_82 = arith.index_cast %add3A_66 : i32 to index
      %swap3A_83 = arith.constant 48 : index
      %swap3A_84 = tpu.vector_load %arg11[%swap3A_82, %swap3A_83] {strides = array<i32>} : memref<96x128xf32, #tpu.memory_space<vmem>>, vector<16xf32>,
      tpu.vector_store %arg11[%swap3A_82, %swap3A_83], %broadcast_in_dim3A_81 {strides = array<i32>} : memref<96x128xf32, #tpu.memory_space<vmem>>, vector<16xf32>,
      %broadcast_in_dim3A_85 = arith.constant 0.000000e+00 : f32
      %broadcast_in_dim3A_86 = vector.broadcast %broadcast_in_dim3A_85 : f32 to vector<16xf32>
      %swap3A_87 = arith.index_cast %add3A_66 : i32 to index
      %swap3A_88 = arith.constant 64 : index
      %swap3A_89 = tpu.vector_load %arg11[%swap3A_87, %swap3A_88] {strides = array<i32>} : memref<96x128xf32, #tpu.memory_space<vmem>>, vector<16xf32>,
      tpu.vector_store %arg11[%swap3A_87, %swap3A_88], %broadcast_in_dim3A_86 {strides = array<i32>} : memref<96x128xf32, #tpu.memory_space<vmem>>, vector<16xf32>,
      %broadcast_in_dim3A_90 = arith.constant 0.000000e+00 : f32
      %broadcast_in_dim3A_91 = vector.broadcast %broadcast_in_dim3A_90 : f32 to vector<16xf32>
      %swap3A_92 = arith.index_cast %add3A_66 : i32 to index
      %swap3A_93 = arith.constant 80 : index
      %swap3A_94 = tpu.vector_load %arg11[%swap3A_92, %swap3A_93] {strides = array<i32>} : memref<96x128xf32, #tpu.memory_space<vmem>>, vector<16xf32>,
      tpu.vector_store %arg11[%swap3A_92, %swap3A_93], %broadcast_in_dim3A_91 {strides = array<i32>} : memref<96x128xf32, #tpu.memory_space<vmem>>, vector<16xf32>,
      %broadcast_in_dim3A_95 = arith.constant 0.000000e+00 : f32
      %broadcast_in_dim3A_96 = vector.broadcast %broadcast_in_dim3A_95 : f32 to vector<16xf32>
      %swap3A_97 = arith.index_cast %add3A_66 : i32 to index
      %swap3A_98 = arith.constant 96 : index
      %swap3A_99 = tpu.vector_load %arg11[%swap3A_97, %swap3A_98] {strides = array<i32>} : memref<96x128xf32, #tpu.memory_space<vmem>>, vector<16xf32>,
      tpu.vector_store %arg11[%swap3A_97, %swap3A_98], %broadcast_in_dim3A_96 {strides = array<i32>} : memref<96x128xf32, #tpu.memory_space<vmem>>, vector<16xf32>,
      %broadcast_in_dim3A_100 = arith.constant 0.000000e+00 : f32
      %broadcast_in_dim3A_101 = vector.broadcast %broadcast_in_dim3A_100 : f32 to vector<16xf32>
      %swap3A_102 = arith.index_cast %add3A_66 : i32 to index
      %swap3A_103 = arith.constant 112 : index
      %swap3A_104 = tpu.vector_load %arg11[%swap3A_102, %swap3A_103] {strides = array<i32>} : memref<96x128xf32, #tpu.memory_space<vmem>>, vector<16xf32>,
      tpu.vector_store %arg11[%swap3A_102, %swap3A_103], %broadcast_in_dim3A_101 {strides = array<i32>} : memref<96x128xf32, #tpu.memory_space<vmem>>, vector<16xf32>,
    }
    %scan3A_4 = arith.constant 96 : i32
    %mul3A_5 = arith.constant 6144 : i32
    %mul3A_6 = arith.muli %arg0, %mul3A_5 : i32
    %mul3A_7 = arith.constant 384 : i32
    %mul3A_8 = arith.muli %arg1, %mul3A_7 : i32
    %add3A_9 = arith.addi %mul3A_6, %mul3A_8 : i32
    %add3A_10 = arith.constant 0 : i32
    %add3A_11 = arith.addi %add3A_9, %add3A_10 : i32
    "tpu.region"() ({
      %run_scoped3A = tpu.sem_alloc : memref<!tpu.dma_semaphore, #tpu.memory_space<semaphore_mem>>
      %dma_start3A = arith.constant 0 : i32
      %dma_start3A_62 = tpu.memref_slice %arg6[%add3A_11, %dma_start3A] : memref<12288x128xf32, #tpu.memory_space<hbm>> -> memref<96x128xf32, #tpu.memory_space<hbm>>
      %dma_start3A_63 = arith.constant 0 : i32
      %dma_start3A_64 = tpu.memref_slice %arg6[%add3A_11, %dma_start3A_63] : memref<12288x128xf32, #tpu.memory_space<hbm>> -> memref<96x128xf32, #tpu.memory_space<hbm>>
      tpu.enqueue_dma source(%arg11 : memref<96x128xf32, #tpu.memory_space<vmem>>) target(%dma_start3A_64 : memref<96x128xf32, #tpu.memory_space<hbm>>) target_semaphore(%run_scoped3A : memref<!tpu.dma_semaphore, #tpu.memory_space<semaphore_mem>>)
      %dma_wait3A = arith.constant 0 : i32
      %dma_wait3A_65 = tpu.memref_slice %arg6[%add3A_11, %dma_wait3A] : memref<12288x128xf32, #tpu.memory_space<hbm>> -> memref<96x128xf32, #tpu.memory_space<hbm>>
      %dma_wait3A_66 = arith.constant 0 : i32
      %dma_wait3A_67 = tpu.memref_slice %arg6[%add3A_11, %dma_wait3A_66] : memref<12288x128xf32, #tpu.memory_space<hbm>> -> memref<96x128xf32, #tpu.memory_space<hbm>>
      tpu.wait_dma2 semaphore(%run_scoped3A : memref<!tpu.dma_semaphore, #tpu.memory_space<semaphore_mem>>) src(%arg11 : memref<96x128xf32, #tpu.memory_space<vmem>>) dst(%dma_wait3A_67 : memref<96x128xf32, #tpu.memory_space<hbm>>)
      tpu.yield
    }) : () -> ()
    %mul3A_12 = arith.constant 384 : i32
    %mul3A_13 = arith.muli %arg1, %mul3A_12 : i32
    %add3A_14 = arith.addi %mul3A_6, %mul3A_13 : i32
    %add3A_15 = arith.constant 96 : i32
    %add3A_16 = arith.addi %add3A_14, %add3A_15 : i32
    "tpu.region"() ({
      %run_scoped3A = tpu.sem_alloc : memref<!tpu.dma_semaphore, #tpu.memory_space<semaphore_mem>>
      %dma_start3A = arith.constant 0 : i32
      %dma_start3A_62 = tpu.memref_slice %arg6[%add3A_16, %dma_start3A] : memref<12288x128xf32, #tpu.memory_space<hbm>> -> memref<96x128xf32, #tpu.memory_space<hbm>>
      %dma_start3A_63 = arith.constant 0 : i32
      %dma_start3A_64 = tpu.memref_slice %arg6[%add3A_16, %dma_start3A_63] : memref<12288x128xf32, #tpu.memory_space<hbm>> -> memref<96x128xf32, #tpu.memory_space<hbm>>
      tpu.enqueue_dma source(%arg11 : memref<96x128xf32, #tpu.memory_space<vmem>>) target(%dma_start3A_64 : memref<96x128xf32, #tpu.memory_space<hbm>>) target_semaphore(%run_scoped3A : memref<!tpu.dma_semaphore, #tpu.memory_space<semaphore_mem>>)
      %dma_wait3A = arith.constant 0 : i32
      %dma_wait3A_65 = tpu.memref_slice %arg6[%add3A_16, %dma_wait3A] : memref<12288x128xf32, #tpu.memory_space<hbm>> -> memref<96x128xf32, #tpu.memory_space<hbm>>
      %dma_wait3A_66 = arith.constant 0 : i32
      %dma_wait3A_67 = tpu.memref_slice %arg6[%add3A_16, %dma_wait3A_66] : memref<12288x128xf32, #tpu.memory_space<hbm>> -> memref<96x128xf32, #tpu.memory_space<hbm>>
      tpu.wait_dma2 semaphore(%run_scoped3A : memref<!tpu.dma_semaphore, #tpu.memory_space<semaphore_mem>>) src(%arg11 : memref<96x128xf32, #tpu.memory_space<vmem>>) dst(%dma_wait3A_67 : memref<96x128xf32, #tpu.memory_space<hbm>>)
      tpu.yield
    }) : () -> ()
    %mul3A_17 = arith.constant 384 : i32
    %mul3A_18 = arith.muli %arg1, %mul3A_17 : i32
    %add3A_19 = arith.addi %mul3A_6, %mul3A_18 : i32
    %add3A_20 = arith.constant 192 : i32
    %add3A_21 = arith.addi %add3A_19, %add3A_20 : i32
    "tpu.region"() ({
      %run_scoped3A = tpu.sem_alloc : memref<!tpu.dma_semaphore, #tpu.memory_space<semaphore_mem>>
      %dma_start3A = arith.constant 0 : i32
      %dma_start3A_62 = tpu.memref_slice %arg6[%add3A_21, %dma_start3A] : memref<12288x128xf32, #tpu.memory_space<hbm>> -> memref<96x128xf32, #tpu.memory_space<hbm>>
      %dma_start3A_63 = arith.constant 0 : i32
      %dma_start3A_64 = tpu.memref_slice %arg6[%add3A_21, %dma_start3A_63] : memref<12288x128xf32, #tpu.memory_space<hbm>> -> memref<96x128xf32, #tpu.memory_space<hbm>>
      tpu.enqueue_dma source(%arg11 : memref<96x128xf32, #tpu.memory_space<vmem>>) target(%dma_start3A_64 : memref<96x128xf32, #tpu.memory_space<hbm>>) target_semaphore(%run_scoped3A : memref<!tpu.dma_semaphore, #tpu.memory_space<semaphore_mem>>)
      %dma_wait3A = arith.constant 0 : i32
      %dma_wait3A_65 = tpu.memref_slice %arg6[%add3A_21, %dma_wait3A] : memref<12288x128xf32, #tpu.memory_space<hbm>> -> memref<96x128xf32, #tpu.memory_space<hbm>>
      %dma_wait3A_66 = arith.constant 0 : i32
      %dma_wait3A_67 = tpu.memref_slice %arg6[%add3A_21, %dma_wait3A_66] : memref<12288x128xf32, #tpu.memory_space<hbm>> -> memref<96x128xf32, #tpu.memory_space<hbm>>
      tpu.wait_dma2 semaphore(%run_scoped3A : memref<!tpu.dma_semaphore, #tpu.memory_space<semaphore_mem>>) src(%arg11 : memref<96x128xf32, #tpu.memory_space<vmem>>) dst(%dma_wait3A_67 : memref<96x128xf32, #tpu.memory_space<hbm>>)
      tpu.yield
    }) : () -> ()
    %mul3A_22 = arith.constant 384 : i32
    %mul3A_23 = arith.muli %arg1, %mul3A_22 : i32
    %add3A_24 = arith.addi %mul3A_6, %mul3A_23 : i32
    %add3A_25 = arith.constant 288 : i32
    %add3A_26 = arith.addi %add3A_24, %add3A_25 : i32
    "tpu.region"() ({
      %run_scoped3A = tpu.sem_alloc : memref<!tpu.dma_semaphore, #tpu.memory_space<semaphore_mem>>
      %dma_start3A = arith.constant 0 : i32
      %dma_start3A_62 = tpu.memref_slice %arg6[%add3A_26, %dma_start3A] : memref<12288x128xf32, #tpu.memory_space<hbm>> -> memref<96x128xf32, #tpu.memory_space<hbm>>
      %dma_start3A_63 = arith.constant 0 : i32
      %dma_start3A_64 = tpu.memref_slice %arg6[%add3A_26, %dma_start3A_63] : memref<12288x128xf32, #tpu.memory_space<hbm>> -> memref<96x128xf32, #tpu.memory_space<hbm>>
      tpu.enqueue_dma source(%arg11 : memref<96x128xf32, #tpu.memory_space<vmem>>) target(%dma_start3A_64 : memref<96x128xf32, #tpu.memory_space<hbm>>) target_semaphore(%run_scoped3A : memref<!tpu.dma_semaphore, #tpu.memory_space<semaphore_mem>>)
      %dma_wait3A = arith.constant 0 : i32
      %dma_wait3A_65 = tpu.memref_slice %arg6[%add3A_26, %dma_wait3A] : memref<12288x128xf32, #tpu.memory_space<hbm>> -> memref<96x128xf32, #tpu.memory_space<hbm>>
      %dma_wait3A_66 = arith.constant 0 : i32
      %dma_wait3A_67 = tpu.memref_slice %arg6[%add3A_26, %dma_wait3A_66] : memref<12288x128xf32, #tpu.memory_space<hbm>> -> memref<96x128xf32, #tpu.memory_space<hbm>>
      tpu.wait_dma2 semaphore(%run_scoped3A : memref<!tpu.dma_semaphore, #tpu.memory_space<semaphore_mem>>) src(%arg11 : memref<96x128xf32, #tpu.memory_space<vmem>>) dst(%dma_wait3A_67 : memref<96x128xf32, #tpu.memory_space<hbm>>)
      tpu.yield
    }) : () -> ()
    %barrier3A = arith.constant 0 : index
    tpu.barrier barrier_id(%barrier3A)
    %mul3A_27 = arith.constant 320 : i32
    %mul3A_28 = arith.muli %add3A, %mul3A_27 : i32
    %add3A_29 = arith.constant 0 : i32
    %add3A_30 = arith.addi %mul3A_28, %add3A_29 : i32
    %lt3A = arith.constant 10000 : i32
    %lt3A_31 = arith.cmpi slt, %add3A_30, %lt3A : i32
    %convert_element_type3A = arith.extui %lt3A_31 : i1 to i32
    %cond3A = arith.constant 0 : i32
    %cond3A_32 = arith.cmpi ne, %convert_element_type3A, %cond3A : i32
    scf.if %cond3A_32 {
      %add3A_62 = arith.constant 0 : i32
      %add3A_63 = arith.addi %mul3A_28, %add3A_62 : i32
      "tpu.region"() ({
        %run_scoped3A = tpu.sem_alloc : memref<!tpu.dma_semaphore, #tpu.memory_space<semaphore_mem>>
        %dma_start3A = arith.constant 0 : i32
        %dma_start3A_64 = arith.constant 0 : i32
        %dma_start3A_65 = tpu.memref_slice %arg10[%dma_start3A, %dma_start3A_64] : memref<320x128xf32, #tpu.memory_space<vmem>> -> memref<80x128xf32, #tpu.memory_space<vmem>>
        %dma_start3A_66 = arith.constant 0 : i32
        %dma_start3A_67 = tpu.memref_slice %arg5[%add3A_63, %dma_start3A_66] : memref<10000x128xf32, #tpu.memory_space<hbm>> -> memref<80x128xf32, #tpu.memory_space<hbm>>
        %dma_start3A_68 = arith.constant 0 : i32
        %dma_start3A_69 = arith.constant 0 : i32
        %dma_start3A_70 = tpu.memref_slice %arg10[%dma_start3A_68, %dma_start3A_69] : memref<320x128xf32, #tpu.memory_space<vmem>> -> memref<80x128xf32, #tpu.memory_space<vmem>>
        %dma_start3A_71 = arith.constant 0 : i32
        %dma_start3A_72 = tpu.memref_slice %arg5[%add3A_63, %dma_start3A_71] : memref<10000x128xf32, #tpu.memory_space<hbm>> -> memref<80x128xf32, #tpu.memory_space<hbm>>
        tpu.enqueue_dma source(%dma_start3A_72 : memref<80x128xf32, #tpu.memory_space<hbm>>) target(%dma_start3A_70 : memref<80x128xf32, #tpu.memory_space<vmem>>) target_semaphore(%run_scoped3A : memref<!tpu.dma_semaphore, #tpu.memory_space<semaphore_mem>>)
        %dma_wait3A = arith.constant 0 : i32
        %dma_wait3A_73 = arith.constant 0 : i32
        %dma_wait3A_74 = tpu.memref_slice %arg10[%dma_wait3A, %dma_wait3A_73] : memref<320x128xf32, #tpu.memory_space<vmem>> -> memref<80x128xf32, #tpu.memory_space<vmem>>
        %dma_wait3A_75 = arith.constant 0 : i32
        %dma_wait3A_76 = tpu.memref_slice %arg5[%add3A_63, %dma_wait3A_75] : memref<10000x128xf32, #tpu.memory_space<hbm>> -> memref<80x128xf32, #tpu.memory_space<hbm>>
        %dma_wait3A_77 = arith.constant 0 : i32
        %dma_wait3A_78 = arith.constant 0 : i32
        %dma_wait3A_79 = tpu.memref_slice %arg10[%dma_wait3A_77, %dma_wait3A_78] : memref<320x128xf32, #tpu.memory_space<vmem>> -> memref<80x128xf32, #tpu.memory_space<vmem>>
        %dma_wait3A_80 = arith.constant 0 : i32
        %dma_wait3A_81 = tpu.memref_slice %arg5[%add3A_63, %dma_wait3A_80] : memref<10000x128xf32, #tpu.memory_space<hbm>> -> memref<80x128xf32, #tpu.memory_space<hbm>>
        tpu.wait_dma2 semaphore(%run_scoped3A : memref<!tpu.dma_semaphore, #tpu.memory_space<semaphore_mem>>) src(%dma_wait3A_81 : memref<80x128xf32, #tpu.memory_space<hbm>>) dst(%dma_wait3A_79 : memref<80x128xf32, #tpu.memory_space<vmem>>)
        tpu.yield
      }) : () -> ()
    } else {
    }
    %add3A_33 = arith.constant 80 : i32
    %add3A_34 = arith.addi %mul3A_28, %add3A_33 : i32
    %lt3A_35 = arith.constant 10000 : i32
    %lt3A_36 = arith.cmpi slt, %add3A_34, %lt3A_35 : i32
    %convert_element_type3A_37 = arith.extui %lt3A_36 : i1 to i32
    %cond3A_38 = arith.constant 0 : i32
    %cond3A_39 = arith.cmpi ne, %convert_element_type3A_37, %cond3A_38 : i32
    scf.if %cond3A_39 {
      %add3A_62 = arith.constant 80 : i32
      %add3A_63 = arith.addi %mul3A_28, %add3A_62 : i32
      "tpu.region"() ({
        %run_scoped3A = tpu.sem_alloc : memref<!tpu.dma_semaphore, #tpu.memory_space<semaphore_mem>>
        %dma_start3A = arith.constant 80 : i32
        %dma_start3A_64 = arith.constant 0 : i32
        %dma_start3A_65 = tpu.memref_slice %arg10[%dma_start3A, %dma_start3A_64] : memref<320x128xf32, #tpu.memory_space<vmem>> -> memref<80x128xf32, #tpu.memory_space<vmem>>
        %dma_start3A_66 = arith.constant 0 : i32
        %dma_start3A_67 = tpu.memref_slice %arg5[%add3A_63, %dma_start3A_66] : memref<10000x128xf32, #tpu.memory_space<hbm>> -> memref<80x128xf32, #tpu.memory_space<hbm>>
        %dma_start3A_68 = arith.constant 80 : i32
        %dma_start3A_69 = arith.constant 0 : i32
        %dma_start3A_70 = tpu.memref_slice %arg10[%dma_start3A_68, %dma_start3A_69] : memref<320x128xf32, #tpu.memory_space<vmem>> -> memref<80x128xf32, #tpu.memory_space<vmem>>
        %dma_start3A_71 = arith.constant 0 : i32
        %dma_start3A_72 = tpu.memref_slice %arg5[%add3A_63, %dma_start3A_71] : memref<10000x128xf32, #tpu.memory_space<hbm>> -> memref<80x128xf32, #tpu.memory_space<hbm>>
        tpu.enqueue_dma source(%dma_start3A_72 : memref<80x128xf32, #tpu.memory_space<hbm>>) target(%dma_start3A_70 : memref<80x128xf32, #tpu.memory_space<vmem>>) target_semaphore(%run_scoped3A : memref<!tpu.dma_semaphore, #tpu.memory_space<semaphore_mem>>)
        %dma_wait3A = arith.constant 80 : i32
        %dma_wait3A_73 = arith.constant 0 : i32
        %dma_wait3A_74 = tpu.memref_slice %arg10[%dma_wait3A, %dma_wait3A_73] : memref<320x128xf32, #tpu.memory_space<vmem>> -> memref<80x128xf32, #tpu.memory_space<vmem>>
        %dma_wait3A_75 = arith.constant 0 : i32
        %dma_wait3A_76 = tpu.memref_slice %arg5[%add3A_63, %dma_wait3A_75] : memref<10000x128xf32, #tpu.memory_space<hbm>> -> memref<80x128xf32, #tpu.memory_space<hbm>>
        %dma_wait3A_77 = arith.constant 80 : i32
        %dma_wait3A_78 = arith.constant 0 : i32
        %dma_wait3A_79 = tpu.memref_slice %arg10[%dma_wait3A_77, %dma_wait3A_78] : memref<320x128xf32, #tpu.memory_space<vmem>> -> memref<80x128xf32, #tpu.memory_space<vmem>>
        %dma_wait3A_80 = arith.constant 0 : i32
        %dma_wait3A_81 = tpu.memref_slice %arg5[%add3A_63, %dma_wait3A_80] : memref<10000x128xf32, #tpu.memory_space<hbm>> -> memref<80x128xf32, #tpu.memory_space<hbm>>
        tpu.wait_dma2 semaphore(%run_scoped3A : memref<!tpu.dma_semaphore, #tpu.memory_space<semaphore_mem>>) src(%dma_wait3A_81 : memref<80x128xf32, #tpu.memory_space<hbm>>) dst(%dma_wait3A_79 : memref<80x128xf32, #tpu.memory_space<vmem>>)
        tpu.yield
      }) : () -> ()
    } else {
    }
    %add3A_40 = arith.constant 160 : i32
    %add3A_41 = arith.addi %mul3A_28, %add3A_40 : i32
    %lt3A_42 = arith.constant 10000 : i32
    %lt3A_43 = arith.cmpi slt, %add3A_41, %lt3A_42 : i32
    %convert_element_type3A_44 = arith.extui %lt3A_43 : i1 to i32
    %cond3A_45 = arith.constant 0 : i32
    %cond3A_46 = arith.cmpi ne, %convert_element_type3A_44, %cond3A_45 : i32
    scf.if %cond3A_46 {
      %add3A_62 = arith.constant 160 : i32
      %add3A_63 = arith.addi %mul3A_28, %add3A_62 : i32
      "tpu.region"() ({
        %run_scoped3A = tpu.sem_alloc : memref<!tpu.dma_semaphore, #tpu.memory_space<semaphore_mem>>
        %dma_start3A = arith.constant 160 : i32
        %dma_start3A_64 = arith.constant 0 : i32
        %dma_start3A_65 = tpu.memref_slice %arg10[%dma_start3A, %dma_start3A_64] : memref<320x128xf32, #tpu.memory_space<vmem>> -> memref<80x128xf32, #tpu.memory_space<vmem>>
        %dma_start3A_66 = arith.constant 0 : i32
        %dma_start3A_67 = tpu.memref_slice %arg5[%add3A_63, %dma_start3A_66] : memref<10000x128xf32, #tpu.memory_space<hbm>> -> memref<80x128xf32, #tpu.memory_space<hbm>>
        %dma_start3A_68 = arith.constant 160 : i32
        %dma_start3A_69 = arith.constant 0 : i32
        %dma_start3A_70 = tpu.memref_slice %arg10[%dma_start3A_68, %dma_start3A_69] : memref<320x128xf32, #tpu.memory_space<vmem>> -> memref<80x128xf32, #tpu.memory_space<vmem>>
        %dma_start3A_71 = arith.constant 0 : i32
        %dma_start3A_72 = tpu.memref_slice %arg5[%add3A_63, %dma_start3A_71] : memref<10000x128xf32, #tpu.memory_space<hbm>> -> memref<80x128xf32, #tpu.memory_space<hbm>>
        tpu.enqueue_dma source(%dma_start3A_72 : memref<80x128xf32, #tpu.memory_space<hbm>>) target(%dma_start3A_70 : memref<80x128xf32, #tpu.memory_space<vmem>>) target_semaphore(%run_scoped3A : memref<!tpu.dma_semaphore, #tpu.memory_space<semaphore_mem>>)
        %dma_wait3A = arith.constant 160 : i32
        %dma_wait3A_73 = arith.constant 0 : i32
        %dma_wait3A_74 = tpu.memref_slice %arg10[%dma_wait3A, %dma_wait3A_73] : memref<320x128xf32, #tpu.memory_space<vmem>> -> memref<80x128xf32, #tpu.memory_space<vmem>>
        %dma_wait3A_75 = arith.constant 0 : i32
        %dma_wait3A_76 = tpu.memref_slice %arg5[%add3A_63, %dma_wait3A_75] : memref<10000x128xf32, #tpu.memory_space<hbm>> -> memref<80x128xf32, #tpu.memory_space<hbm>>
        %dma_wait3A_77 = arith.constant 160 : i32
        %dma_wait3A_78 = arith.constant 0 : i32
        %dma_wait3A_79 = tpu.memref_slice %arg10[%dma_wait3A_77, %dma_wait3A_78] : memref<320x128xf32, #tpu.memory_space<vmem>> -> memref<80x128xf32, #tpu.memory_space<vmem>>
        %dma_wait3A_80 = arith.constant 0 : i32
        %dma_wait3A_81 = tpu.memref_slice %arg5[%add3A_63, %dma_wait3A_80] : memref<10000x128xf32, #tpu.memory_space<hbm>> -> memref<80x128xf32, #tpu.memory_space<hbm>>
        tpu.wait_dma2 semaphore(%run_scoped3A : memref<!tpu.dma_semaphore, #tpu.memory_space<semaphore_mem>>) src(%dma_wait3A_81 : memref<80x128xf32, #tpu.memory_space<hbm>>) dst(%dma_wait3A_79 : memref<80x128xf32, #tpu.memory_space<vmem>>)
        tpu.yield
      }) : () -> ()
    } else {
    }
    %add3A_47 = arith.constant 240 : i32
    %add3A_48 = arith.addi %mul3A_28, %add3A_47 : i32
    %lt3A_49 = arith.constant 10000 : i32
    %lt3A_50 = arith.cmpi slt, %add3A_48, %lt3A_49 : i32
    %convert_element_type3A_51 = arith.extui %lt3A_50 : i1 to i32
    %cond3A_52 = arith.constant 0 : i32
    %cond3A_53 = arith.cmpi ne, %convert_element_type3A_51, %cond3A_52 : i32
    scf.if %cond3A_53 {
      %add3A_62 = arith.constant 240 : i32
      %add3A_63 = arith.addi %mul3A_28, %add3A_62 : i32
      "tpu.region"() ({
        %run_scoped3A = tpu.sem_alloc : memref<!tpu.dma_semaphore, #tpu.memory_space<semaphore_mem>>
        %dma_start3A = arith.constant 240 : i32
        %dma_start3A_64 = arith.constant 0 : i32
        %dma_start3A_65 = tpu.memref_slice %arg10[%dma_start3A, %dma_start3A_64] : memref<320x128xf32, #tpu.memory_space<vmem>> -> memref<80x128xf32, #tpu.memory_space<vmem>>
        %dma_start3A_66 = arith.constant 0 : i32
        %dma_start3A_67 = tpu.memref_slice %arg5[%add3A_63, %dma_start3A_66] : memref<10000x128xf32, #tpu.memory_space<hbm>> -> memref<80x128xf32, #tpu.memory_space<hbm>>
        %dma_start3A_68 = arith.constant 240 : i32
        %dma_start3A_69 = arith.constant 0 : i32
        %dma_start3A_70 = tpu.memref_slice %arg10[%dma_start3A_68, %dma_start3A_69] : memref<320x128xf32, #tpu.memory_space<vmem>> -> memref<80x128xf32, #tpu.memory_space<vmem>>
        %dma_start3A_71 = arith.constant 0 : i32
        %dma_start3A_72 = tpu.memref_slice %arg5[%add3A_63, %dma_start3A_71] : memref<10000x128xf32, #tpu.memory_space<hbm>> -> memref<80x128xf32, #tpu.memory_space<hbm>>
        tpu.enqueue_dma source(%dma_start3A_72 : memref<80x128xf32, #tpu.memory_space<hbm>>) target(%dma_start3A_70 : memref<80x128xf32, #tpu.memory_space<vmem>>) target_semaphore(%run_scoped3A : memref<!tpu.dma_semaphore, #tpu.memory_space<semaphore_mem>>)
        %dma_wait3A = arith.constant 240 : i32
        %dma_wait3A_73 = arith.constant 0 : i32
        %dma_wait3A_74 = tpu.memref_slice %arg10[%dma_wait3A, %dma_wait3A_73] : memref<320x128xf32, #tpu.memory_space<vmem>> -> memref<80x128xf32, #tpu.memory_space<vmem>>
        %dma_wait3A_75 = arith.constant 0 : i32
        %dma_wait3A_76 = tpu.memref_slice %arg5[%add3A_63, %dma_wait3A_75] : memref<10000x128xf32, #tpu.memory_space<hbm>> -> memref<80x128xf32, #tpu.memory_space<hbm>>
        %dma_wait3A_77 = arith.constant 240 : i32
        %dma_wait3A_78 = arith.constant 0 : i32
        %dma_wait3A_79 = tpu.memref_slice %arg10[%dma_wait3A_77, %dma_wait3A_78] : memref<320x128xf32, #tpu.memory_space<vmem>> -> memref<80x128xf32, #tpu.memory_space<vmem>>
        %dma_wait3A_80 = arith.constant 0 : i32
        %dma_wait3A_81 = tpu.memref_slice %arg5[%add3A_63, %dma_wait3A_80] : memref<10000x128xf32, #tpu.memory_space<hbm>> -> memref<80x128xf32, #tpu.memory_space<hbm>>
        tpu.wait_dma2 semaphore(%run_scoped3A : memref<!tpu.dma_semaphore, #tpu.memory_space<semaphore_mem>>) src(%dma_wait3A_81 : memref<80x128xf32, #tpu.memory_space<hbm>>) dst(%dma_wait3A_79 : memref<80x128xf32, #tpu.memory_space<vmem>>)
        tpu.yield
      }) : () -> ()
    } else {
    }
    %iota3A = tpu.iota {dimensions = array<i32: 0>} : vector<16xi32>
    %add3A_54 = arith.constant 6144 : i32
    %add3A_55 = arith.addi %mul3A_6, %add3A_54 : i32
    %sub3A = arith.constant 1 : i32
    %sub3A_56 = arith.subi %add3A_55, %sub3A : i32
    %scan3A_57 = arith.constant 0 : i32
    %scan3A_58 = arith.constant 20 : i32
    %scan3A_59 = arith.addi %scan3A_57, %scan3A_58 : i32
    %scan3A_60 = arith.constant 1 : i32
    scf.for %scan3A_62 = %scan3A_57 to %scan3A_59 step %scan3A_60  : i32 {
      %mul3A_63 = arith.constant 1 : i32
      %mul3A_64 = arith.muli %scan3A_62, %mul3A_63 : i32
      %add3A_65 = arith.constant 0 : i32
      %add3A_66 = arith.addi %add3A_65, %mul3A_64 : i32
      %mul3A_67 = arith.constant 16 : i32
      %mul3A_68 = arith.muli %add3A_66, %mul3A_67 : i32
      %add3A_69 = arith.addi %mul3A_28, %mul3A_68 : i32
      %lt3A_70 = arith.constant 10000 : i32
      %lt3A_71 = arith.cmpi slt, %add3A_69, %lt3A_70 : i32
      %convert_element_type3A_72 = arith.extui %lt3A_71 : i1 to i32
      %cond3A_73 = arith.constant 0 : i32
      %cond3A_74 = arith.cmpi ne, %convert_element_type3A_72, %cond3A_73 : i32
      scf.if %cond3A_74 {
        %scan3A_75 = arith.constant 0 : i32
        %scan3A_76 = arith.constant 16 : i32
        %scan3A_77 = arith.addi %scan3A_75, %scan3A_76 : i32
        %scan3A_78 = arith.constant 1 : i32
        scf.for %scan3A_82 = %scan3A_75 to %scan3A_77 step %scan3A_78  : i32 {
          %mul3A_83 = arith.constant 1 : i32
          %mul3A_84 = arith.muli %scan3A_82, %mul3A_83 : i32
          %add3A_85 = arith.constant 0 : i32
          %add3A_86 = arith.addi %add3A_85, %mul3A_84 : i32
          %add3A_87 = arith.addi %add3A_69, %add3A_86 : i32
          %broadcast_in_dim3A = vector.broadcast %add3A_87 : i32 to vector<16xi32>
          %gather3A = tpu.vector_load_idx %arg7[%broadcast_in_dim3A] : memref<10000xf32, #tpu.memory_space<vmem>>[vector<16xi32>], vector<16xf32>,
          %gather3A_88 = tpu.vector_load_idx %arg8[%broadcast_in_dim3A] : memref<10000xi32, #tpu.memory_space<vmem>>[vector<16xi32>], vector<16xi32>,
          %gather3A_89 = tpu.vector_load_idx %arg9[%gather3A_88] : memref<208xi32, #tpu.memory_space<vmem>>[vector<16xi32>], vector<16xi32>,
          %add3A_90 = arith.constant 1 : i32
          %add3A_91 = vector.broadcast %add3A_90 : i32 to vector<16xi32>
          %add3A_92 = arith.addi %gather3A_88, %add3A_91 : vector<16xi32>
          %gather3A_93 = tpu.vector_load_idx %arg9[%add3A_92] : memref<208xi32, #tpu.memory_space<vmem>>[vector<16xi32>], vector<16xi32>,
          %reduce_max3A = arith.constant true
          %reduce_max3A_94 = vector.broadcast %reduce_max3A : i1 to vector<16xi1>
          %reduce_max3A_95 = arith.constant -2147483648 : i32
          %reduce_max3A_96 = vector.broadcast %reduce_max3A_95 : i32 to vector<16xi32>
          %reduce_max3A_97 = arith.xori %gather3A_89, %reduce_max3A_96 : vector<16xi32>
          %reduce_max3A_98 = tpu.scan <max>, %reduce_max3A_97 masked %reduce_max3A_94 : vector<16xi32>, vector<16xi1> -> vector<16xi32>
          %reduce_max3A_99 = arith.xori %reduce_max3A_98, %reduce_max3A_96 : vector<16xi32>
          %reduce_max3A_100 = vector.extract %reduce_max3A_99[15] : i32 from vector<16xi32>
          %jit3A = arith.constant 16 : i32
          %div3A = arith.divsi %reduce_max3A_100, %jit3A : i32
          %sign3A = arith.constant 0 : i32
          %sign3A_101 = arith.cmpi sgt, %reduce_max3A_100, %sign3A : i32
          %sign3A_102 = arith.extui %sign3A_101 : i1 to i32
          %sign3A_103 = arith.constant 0 : i32
          %sign3A_104 = arith.cmpi slt, %reduce_max3A_100, %sign3A_103 : i32
          %sign3A_105 = arith.extui %sign3A_104 : i1 to i32
          %sign3A_106 = arith.subi %sign3A_102, %sign3A_105 : i32
          %sign3A_107 = arith.constant 0 : i32
          %sign3A_108 = arith.cmpi sgt, %jit3A, %sign3A_107 : i32
          %sign3A_109 = arith.extui %sign3A_108 : i1 to i32
          %sign3A_110 = arith.constant 0 : i32
          %sign3A_111 = arith.cmpi slt, %jit3A, %sign3A_110 : i32
          %sign3A_112 = arith.extui %sign3A_111 : i1 to i32
          %sign3A_113 = arith.subi %sign3A_109, %sign3A_112 : i32
          %ne3A = arith.cmpi ne, %sign3A_106, %sign3A_113 : i32
          %rem3A = arith.remsi %reduce_max3A_100, %jit3A : i32
          %ne3A_114 = arith.constant 0 : i32
          %ne3A_115 = arith.cmpi ne, %rem3A, %ne3A_114 : i32
          %and3A = arith.andi %ne3A, %ne3A_115 : i1
          %sub3A_116 = arith.constant 1 : i32
          %sub3A_117 = arith.subi %div3A, %sub3A_116 : i32
          %select_n3A = arith.select %and3A, %sub3A_117, %div3A : i32
          %reduce_max3A_118 = arith.constant true
          %reduce_max3A_119 = vector.broadcast %reduce_max3A_118 : i1 to vector<16xi1>
          %reduce_max3A_120 = arith.constant -2147483648 : i32
          %reduce_max3A_121 = vector.broadcast %reduce_max3A_120 : i32 to vector<16xi32>
          %reduce_max3A_122 = arith.xori %gather3A_93, %reduce_max3A_121 : vector<16xi32>
          %reduce_max3A_123 = tpu.scan <max>, %reduce_max3A_122 masked %reduce_max3A_119 : vector<16xi32>, vector<16xi1> -> vector<16xi32>
          %reduce_max3A_124 = arith.xori %reduce_max3A_123, %reduce_max3A_121 : vector<16xi32>
          %reduce_max3A_125 = vector.extract %reduce_max3A_124[15] : i32 from vector<16xi32>
          %add3A_126 = arith.constant 15 : i32
          %add3A_127 = arith.addi %reduce_max3A_125, %add3A_126 : i32
          %jit3A_128 = arith.constant 16 : i32
          %div3A_129 = arith.divsi %add3A_127, %jit3A_128 : i32
          %sign3A_130 = arith.constant 0 : i32
          %sign3A_131 = arith.cmpi sgt, %add3A_127, %sign3A_130 : i32
          %sign3A_132 = arith.extui %sign3A_131 : i1 to i32
          %sign3A_133 = arith.constant 0 : i32
          %sign3A_134 = arith.cmpi slt, %add3A_127, %sign3A_133 : i32
          %sign3A_135 = arith.extui %sign3A_134 : i1 to i32
          %sign3A_136 = arith.subi %sign3A_132, %sign3A_135 : i32
          %sign3A_137 = arith.constant 0 : i32
          %sign3A_138 = arith.cmpi sgt, %jit3A_128, %sign3A_137 : i32
          %sign3A_139 = arith.extui %sign3A_138 : i1 to i32
          %sign3A_140 = arith.constant 0 : i32
          %sign3A_141 = arith.cmpi slt, %jit3A_128, %sign3A_140 : i32
          %sign3A_142 = arith.extui %sign3A_141 : i1 to i32
          %sign3A_143 = arith.subi %sign3A_139, %sign3A_142 : i32
          %ne3A_144 = arith.cmpi ne, %sign3A_136, %sign3A_143 : i32
          %rem3A_145 = arith.remsi %add3A_127, %jit3A_128 : i32
          %ne3A_146 = arith.constant 0 : i32
          %ne3A_147 = arith.cmpi ne, %rem3A_145, %ne3A_146 : i32
          %and3A_148 = arith.andi %ne3A_144, %ne3A_147 : i1
          %sub3A_149 = arith.constant 1 : i32
          %sub3A_150 = arith.subi %div3A_129, %sub3A_149 : i32
          %select_n3A_151 = arith.select %and3A_148, %sub3A_150, %div3A_129 : i32
          %sub3A_152 = arith.subi %select_n3A_151, %select_n3A : i32
          %broadcast_in_dim3A_153 = arith.constant 0 : i32
          %broadcast_in_dim3A_154 = vector.broadcast %broadcast_in_dim3A_153 : i32 to vector<16xi32>
          %while3A = arith.constant 0 : i32
          %while3A_155 = arith.subi %sub3A_152, %while3A : i32
          %while3A_156 = arith.addi %while3A, %while3A_155 : i32
          %while3A_157 = arith.constant 1 : i32
          %while3A_158 = arith.divsi %while3A_155, %while3A_157 : i32
          %while3A_159 = arith.muli %while3A_158, %while3A_157 : i32
          %while3A_160 = arith.addi %while3A, %while3A_159 : i32
          %while3A_161 = arith.constant 1 : i32
          %while3A_162 = scf.for %while3A_183 = %while3A to %while3A_160 step %while3A_161 iter_args(%while3A_184 = %broadcast_in_dim3A_154) -> (vector<16xi32>)  : i32 {
            %add3A_185 = arith.addi %select_n3A, %while3A_183 : i32
            %mul3A_186 = arith.constant 16 : i32
            %mul3A_187 = arith.muli %add3A_185, %mul3A_186 : i32
            %get3A = arith.index_cast %mul3A_187 : i32 to index
            %get3A_188 = tpu.vector_load %arg7[%get3A] {strides = array<i32>} : memref<10000xf32, #tpu.memory_space<vmem>>, vector<16xf32>,
            %add3A_189 = vector.broadcast %mul3A_187 : i32 to vector<16xi32>
            %add3A_190 = arith.addi %iota3A, %add3A_189 : vector<16xi32>
            %ge3A = arith.cmpi sge, %add3A_190, %gather3A_89 : vector<16xi32>
            %lt3A_191 = arith.cmpi slt, %add3A_190, %gather3A_93 : vector<16xi32>
            %and3A_192 = arith.andi %ge3A, %lt3A_191 : vector<16xi1>
            %gt3A = arith.cmpf ogt, %get3A_188, %gather3A : vector<16xf32>
            %eq3A_193 = arith.cmpf oeq, %get3A_188, %gather3A : vector<16xf32>
            %lt3A_194 = arith.cmpi slt, %add3A_190, %broadcast_in_dim3A : vector<16xi32>
            %and3A_195 = arith.andi %eq3A_193, %lt3A_194 : vector<16xi1>
            %or3A = arith.ori %gt3A, %and3A_195 : vector<16xi1>
            %and3A_196 = arith.andi %and3A_192, %or3A : vector<16xi1>
            %all_reduce_population_count3A = tpu.all_reduce %and3A_196 {dim = 0 : i64, kind = #tpu.reduction_kind<sum>} : vector<16xi1> -> vector<16xi32>
            %add3A_197 = arith.addi %while3A_184, %all_reduce_population_count3A : vector<16xi32>
            scf.yield %add3A_197 : vector<16xi32>
          }
          %while3A_163 = arith.constant 1 : i32
          %while3A_164 = scf.for %while3A_183 = %while3A_160 to %while3A_156 step %while3A_163 iter_args(%while3A_184 = %while3A_162) -> (vector<16xi32>)  : i32 {
            %add3A_185 = arith.addi %select_n3A, %while3A_183 : i32
            %mul3A_186 = arith.constant 16 : i32
            %mul3A_187 = arith.muli %add3A_185, %mul3A_186 : i32
            %get3A = arith.index_cast %mul3A_187 : i32 to index
            %get3A_188 = tpu.vector_load %arg7[%get3A] {strides = array<i32>} : memref<10000xf32, #tpu.memory_space<vmem>>, vector<16xf32>,
            %add3A_189 = vector.broadcast %mul3A_187 : i32 to vector<16xi32>
            %add3A_190 = arith.addi %iota3A, %add3A_189 : vector<16xi32>
            %ge3A = arith.cmpi sge, %add3A_190, %gather3A_89 : vector<16xi32>
            %lt3A_191 = arith.cmpi slt, %add3A_190, %gather3A_93 : vector<16xi32>
            %and3A_192 = arith.andi %ge3A, %lt3A_191 : vector<16xi1>
            %gt3A = arith.cmpf ogt, %get3A_188, %gather3A : vector<16xf32>
            %eq3A_193 = arith.cmpf oeq, %get3A_188, %gather3A : vector<16xf32>
            %lt3A_194 = arith.cmpi slt, %add3A_190, %broadcast_in_dim3A : vector<16xi32>
            %and3A_195 = arith.andi %eq3A_193, %lt3A_194 : vector<16xi1>
            %or3A = arith.ori %gt3A, %and3A_195 : vector<16xi1>
            %and3A_196 = arith.andi %and3A_192, %or3A : vector<16xi1>
            %all_reduce_population_count3A = tpu.all_reduce %and3A_196 {dim = 0 : i64, kind = #tpu.reduction_kind<sum>} : vector<16xi1> -> vector<16xi32>
            %add3A_197 = arith.addi %while3A_184, %all_reduce_population_count3A : vector<16xi32>
            scf.yield %add3A_197 : vector<16xi32>
          }
          %lt3A_165 = arith.constant 30 : i32
          %lt3A_166 = vector.broadcast %lt3A_165 : i32 to vector<16xi32>
          %lt3A_167 = arith.cmpi slt, %while3A_164, %lt3A_166 : vector<16xi32>
          %mul3A_168 = arith.constant 6144 : i32
          %mul3A_169 = arith.muli %arg0, %mul3A_168 : i32
          %mul3A_170 = arith.constant 30 : i32
          %mul3A_171 = vector.broadcast %mul3A_170 : i32 to vector<16xi32>
          %mul3A_172 = arith.muli %gather3A_88, %mul3A_171 : vector<16xi32>
          %add3A_173 = vector.broadcast %mul3A_169 : i32 to vector<16xi32>
          %add3A_174 = arith.addi %add3A_173, %mul3A_172 : vector<16xi32>
          %add3A_175 = arith.addi %add3A_174, %while3A_164 : vector<16xi32>
          %broadcast_in_dim3A_176 = vector.broadcast %sub3A_56 : i32 to vector<16xi32>
          %select_n3A_177 = arith.select %lt3A_167, %add3A_175, %broadcast_in_dim3A_176 : vector<16xi1>, vector<16xi32>
          %broadcast_in_dim3A_178 = vector.broadcast %add3A_86 : i32 to vector<16xi32>
          %eq3A = vector.broadcast %add3A_86 : i32 to vector<16xi32>
          %eq3A_179 = arith.cmpi eq, %iota3A, %eq3A : vector<16xi32>
          %scatter3A = arith.constant 0 : i32
          %scatter3A_180 = arith.constant 0 : i32
          %scatter3A_181 = tpu.memref_slice %arg12[%scatter3A, %scatter3A_180] : memref<1x16xi32, #tpu.memory_space<vmem>> -> memref<1x16xi32, #tpu.memory_space<vmem>>
          %scatter3A_182 = tpu.memref_squeeze %scatter3A_181 : memref<1x16xi32, #tpu.memory_space<vmem>> -> memref<16xi32, #tpu.memory_space<vmem>>
          tpu.vector_store_idx %scatter3A_182[%broadcast_in_dim3A_178], %select_n3A_177 masked %eq3A_179 : memref<16xi32, #tpu.memory_space<vmem>>[vector<16xi32>], vector<16xi32>, vector<16xi1>
        }
        %scan3A_79 = arith.constant 16 : i32
        %mul3A_80 = arith.constant 16 : i32
        %mul3A_81 = arith.muli %add3A_66, %mul3A_80 : i32
        %run_scoped3A = arith.constant 0 : i32
        "tpu.region"() ({
          %run_scoped3A_82 = tpu.sem_alloc : memref<!tpu.dma_semaphore, #tpu.memory_space<semaphore_mem>>
          %dma_start3A = arith.constant 0 : i32
          %dma_start3A_83 = tpu.memref_slice %arg10[%mul3A_81, %dma_start3A] : memref<320x128xf32, #tpu.memory_space<vmem>> -> memref<16x128xf32, #tpu.memory_space<vmem>>
          %dma_start3A_84 = arith.constant 0 : i32
          %dma_start3A_85 = tpu.memref_slice %arg12[%run_scoped3A, %dma_start3A_84] : memref<1x16xi32, #tpu.memory_space<vmem>> -> memref<1x16xi32, #tpu.memory_space<vmem>>
          %dma_start3A_86 = tpu.memref_squeeze %dma_start3A_85 : memref<1x16xi32, #tpu.memory_space<vmem>> -> memref<16xi32, #tpu.memory_space<vmem>>
          %dma_start3A_87 = arith.constant 0 : i32
          %dma_start3A_88 = arith.constant 0 : i32
          %dma_start3A_89 = tpu.memref_slice %arg6[%dma_start3A_87, %dma_start3A_88] : memref<12288x128xf32, #tpu.memory_space<hbm>> -> memref<12288x128xf32, #tpu.memory_space<hbm>>
          tpu.enqueue_indirect_dma source(%dma_start3A_83 : memref<16x128xf32, #tpu.memory_space<vmem>>) target(%dma_start3A_89 : memref<12288x128xf32, #tpu.memory_space<hbm>>) offsets(%dma_start3A_86 : memref<16xi32, #tpu.memory_space<vmem>>) semaphore(%run_scoped3A_82 : memref<!tpu.dma_semaphore, #tpu.memory_space<semaphore_mem>>)
          %dma_wait3A = arith.constant 0 : i32
          %dma_wait3A_90 = tpu.memref_slice %arg10[%mul3A_81, %dma_wait3A] : memref<320x128xf32, #tpu.memory_space<vmem>> -> memref<16x128xf32, #tpu.memory_space<vmem>>
          %dma_wait3A_91 = arith.constant 0 : i32
          %dma_wait3A_92 = tpu.memref_slice %arg12[%run_scoped3A, %dma_wait3A_91] : memref<1x16xi32, #tpu.memory_space<vmem>> -> memref<1x16xi32, #tpu.memory_space<vmem>>
          %dma_wait3A_93 = tpu.memref_squeeze %dma_wait3A_92 : memref<1x16xi32, #tpu.memory_space<vmem>> -> memref<16xi32, #tpu.memory_space<vmem>>
          %dma_wait3A_94 = arith.constant 0 : i32
          %dma_wait3A_95 = arith.constant 0 : i32
          %dma_wait3A_96 = tpu.memref_slice %arg6[%dma_wait3A_94, %dma_wait3A_95] : memref<12288x128xf32, #tpu.memory_space<hbm>> -> memref<12288x128xf32, #tpu.memory_space<hbm>>
          tpu.wait_indirect_dma semaphore(%run_scoped3A_82 : memref<!tpu.dma_semaphore, #tpu.memory_space<semaphore_mem>>) src(%dma_wait3A_90 : memref<16x128xf32, #tpu.memory_space<vmem>>) dst(%dma_wait3A_96 : memref<12288x128xf32, #tpu.memory_space<hbm>>)
          tpu.yield
        }) : () -> ()
      } else {
      }
    }
    %scan3A_61 = arith.constant 20 : i32
    return
  }
}

module attributes {stable_mosaic.version = 14 : i64} {
  func.func @_head_body(%arg0: memref<200x3328xf32, #tpu.memory_space<vmem>>, %arg1: memref<3328x128xf32, #tpu.memory_space<vmem>>, %arg2: memref<128xf32, #tpu.memory_space<vmem>>, %arg3: memref<128x2xf32, #tpu.memory_space<vmem>>, %arg4: memref<2xf32, #tpu.memory_space<vmem>>, %arg5: memref<200x2xf32, #tpu.memory_space<vmem>>) attributes {dimension_semantics = [], scalar_prefetch = 0 : i64, scratch_operands = 0 : i64, tpu.core_type = #tpu.core_type<tc>} {
    %get3A = arith.constant 0 : index
    %get3A_0 = arith.constant 0 : index
    %get3A_1 = vector.load %arg0[%get3A, %get3A_0] : memref<200x3328xf32, #tpu.memory_space<vmem>>, vector<200x3328xf32>
    %get3A_2 = arith.constant 0 : index
    %get3A_3 = arith.constant 0 : index
    %get3A_4 = vector.load %arg1[%get3A_2, %get3A_3] : memref<3328x128xf32, #tpu.memory_space<vmem>>, vector<3328x128xf32>
    %dot_general3A = arith.constant dense<0.000000e+00> : vector<200x128xf32>
    %dot_general3A_5 = tpu.matmul %get3A_1, %get3A_4, %dot_general3A {dimension_numbers = #tpu.dot_dimension_numbers<[1], [0], [0], [1], [0, 0, 1, 1], [], []>, transpose_lhs_hint = false} : vector<200x3328xf32>, vector<3328x128xf32>, vector<200x128xf32> -> vector<200x128xf32>
    %get3A_6 = arith.constant 0 : index
    %get3A_7 = vector.load %arg2[%get3A_6] : memref<128xf32, #tpu.memory_space<vmem>>, vector<128xf32>
    %broadcast_in_dim3A = vector.shape_cast %get3A_7 : vector<128xf32> to vector<1x128xf32>
    %add3A = vector.broadcast %broadcast_in_dim3A : vector<1x128xf32> to vector<200x128xf32>
    %add3A_8 = arith.addf %dot_general3A_5, %add3A : vector<200x128xf32>
    %max3A = arith.constant 0.000000e+00 : f32
    %max3A_9 = vector.broadcast %max3A : f32 to vector<200x128xf32>
    %max3A_10 = arith.maximumf %add3A_8, %max3A_9 : vector<200x128xf32>
    %get3A_11 = arith.constant 0 : index
    %get3A_12 = arith.constant 0 : index
    %get3A_13 = vector.load %arg3[%get3A_11, %get3A_12] : memref<128x2xf32, #tpu.memory_space<vmem>>, vector<128x2xf32>
    %dot_general3A_14 = arith.constant dense<0.000000e+00> : vector<200x2xf32>
    %dot_general3A_15 = tpu.matmul %max3A_10, %get3A_13, %dot_general3A_14 {dimension_numbers = #tpu.dot_dimension_numbers<[1], [0], [0], [1], [0, 0, 1, 1], [], []>, transpose_lhs_hint = false} : vector<200x128xf32>, vector<128x2xf32>, vector<200x2xf32> -> vector<200x2xf32>
    %get3A_16 = arith.constant 0 : index
    %get3A_17 = vector.load %arg4[%get3A_16] : memref<2xf32, #tpu.memory_space<vmem>>, vector<2xf32>
    %broadcast_in_dim3A_18 = vector.shape_cast %get3A_17 : vector<2xf32> to vector<1x2xf32>
    %add3A_19 = vector.broadcast %broadcast_in_dim3A_18 : vector<1x2xf32> to vector<200x2xf32>
    %add3A_20 = arith.addf %dot_general3A_15, %add3A_19 : vector<200x2xf32>
    %swap3A = arith.constant 0 : index
    %swap3A_21 = arith.constant 0 : index
    %swap3A_22 = vector.load %arg5[%swap3A, %swap3A_21] : memref<200x2xf32, #tpu.memory_space<vmem>>, vector<200x2xf32>
    tpu.vector_store %arg5[%swap3A, %swap3A_21], %add3A_20 {strides = array<i32>} : memref<200x2xf32, #tpu.memory_space<vmem>>, vector<200x2xf32>,
    return
  }
}

</mosaic_0001>

<sc_bundles>
// kernel: kernel.4.cloned.1.call-start
scs
__scs_entry_jumppad:
0x0: {  	(pc) =	sbr.rel $0x88, $3  }
0x1: {  	(tag) =	ssettag $0x0;
	lr =	simm.s32 $0x1  }
0x2: {  	[smem:$0x3F91] =	sst lr;
	_ =	strace $0xD0000000  }
0x3: {  	_ = 	snop  }
0x4: {  	_ = 	snop  }
0x5: {  	_ = 	snop  }
0x6: {  	_ = 	snop  }
0x7: {  	_ = 	snop  }
__scs_overlays_trampoline_lowered:
0x8: {  	[smem:$0x3FA0] =	sst s0  }
0x9: {  	[smem:$0x3FA1] =	sst s1  }
0xa: {  	[smem:$0x3FA2] =	sst s2  }
0xb: {  	[smem:$0x3FA3] =	sst s3  }
0xc: {  	[smem:$0x3FA4] =	sst s4  }
0xd: {  	[smem:$0x3FA5] =	sst s5  }
0xe: {  	[smem:$0x3FA6] =	sst s6  }
0xf: {  	[smem:$0x3FA7] =	sst s7  }
0x10: {  	[smem:$0x3FA8] =	sst s8  }
0x11: {  	[smem:$0x3FA9] =	sst s9;
	s0 =	simm.s32 @!p0 $0x0  }
0x12: {  	s1 =	sld [smem:$0x3F8F];
	s0 =	simm.s32 @p0 $0x1  }
0x13: {  	[smem:$0x3FAA] =	sst s0;
	s0 =	simm.s32 @!p1 $0x0  }
0x14: {  	s2 =	sld [smem:$0x3F8E];
	s0 =	simm.s32 @p1 $0x1  }
0x15: {  	[smem:$0x3FAB] =	sst s0;
	s0 =	simm.s32 @!p2 $0x0  }
0x16: {  	s3 =	sld [smem:$0x3FDB];
	s0 =	simm.s32 @p2 $0x1  }
0x17: {  	s4 =	simm.s32 $0x1BF5;
	[smem:$0x3FAD] =	sst s0  }
0x18: {  	s0 =	sld [smem:$0x3F90];
	_ =	swait.ge [sflag:s4], $0x0  }
0x19: {  	s7 =	sld [smem:$0x3F91]  }
0x1a: {  	s8 =	sadd.s32 $0xFFFFE003, lr  }
0x1b: {  	s9 =	sadd.s32 $0xFFFFFEF7, lr;
	s5 =	simm.s32 $0xFFFFFFFF;
	p2 =	slt.u32 s8, $0xFFFFF086  }
0x1c: {  	p1 =	slt.u32 s9, $0xF7A;
	s5 =	simm.s32 @!p2 $0x0  }
0x1d: {  	s5 =	simm.s32 @p1 $0x1;
	p0 =	seq.s32 s7, s2  }
0x1e: {  	s7 =	smul.u32 @!p0 $0xF7A, s2;
	p2 =	seq.s32 @!p0 s5, $0x0  }
0x1f: {  	s9 =	smul.u32 $0xF7A, s1;
	s8 =	simm.s32 @!p0 $0x1BF5;
	p2 =	por !p2, p0  }
0x20: {  	[sflag:s8] =	ssyncset.s32 @!p0 $0xFFFFF086;
	s6 =	sadd.s32 @!p0 s3, s7;
	s7 =	simm.s32 @!p0 $0x108  }
0x21: {  	s3 =	sadd.s32 s3, s9;
	s6 =	sadd.s32 @!p0 $0x88, s6;
	s7 =	simm.s32 @p2 $0x1082  }
0x22: {  	[simem:s7], [sflag:s8] =	dma.local @!p0 [hbm:s6], $0xF7A  }
0x23: {  	s9 =	sor.u32 $0xD0000000, s2;
	s6 =	simm.s32 $0x108;
	_ =	swait.ge @!p0 [sflag:s8], $0x0  }
0x24: {  	s3 =	sadd.s32 $0x88, s3;
	s6 =	simm.s32 @!p1 $0x1082;
	[sflag:s4] =	ssyncset.s32 $0xFFFFF086  }
0x25: {  	[simem:s6], [sflag:s4] =	dma.local [hbm:s3], $0xF7A  }
0x26: {  	[smem:$0x3F91] =	sst s1;
	(tag) =	ssettag s2;
	_ =	strace s9  }
0x27: {  	s1 =	sld [smem:$0x3FA1]  }
0x28: {  	s2 =	sld [smem:$0x3FA2]  }
0x29: {  	s4 =	sld [smem:$0x3FA4]  }
0x2a: {  	p0 =	seq.s32 s5, $0x0;
	s5 =	sld [smem:$0x3FA5]  }
0x2b: {  	s6 =	sld [smem:$0x3FA6]  }
0x2c: {  	s7 =	sld [smem:$0x3FA7]  }
0x2d: {  	s3 =	simm.s32 $0x108;
	s8 =	sld [smem:$0x3FA8]  }
0x2e: {  	s3 =	simm.s32 @!p0 $0x1082;
	s9 =	sld [smem:$0x3FA9]  }
0x2f: {  	lr =	sadd.s32 s0, s3;
	s0 =	sld [smem:$0x3FA0]  }
0x30: {  	s3 =	sld [smem:$0x3FA3]  }
0x31: {  	[smem:$0x3FAC] =	sst s10  }
0x32: {  	s10 =	sld [smem:$0x3FAA];
	_ =	sdelay $0x3  }
0x33: {  	p0 =	seq.s32 s10, $0x1;
	s10 =	sld [smem:$0x3FAC];
	_ =	sdelay $0x3  }
0x34: {  	[smem:$0x3FAC] =	sst s10  }
0x35: {  	s10 =	sld [smem:$0x3FAB];
	_ =	sdelay $0x3  }
0x36: {  	p1 =	seq.s32 s10, $0x1;
	s10 =	sld [smem:$0x3FAC];
	_ =	sdelay $0x3  }
0x37: {  	[smem:$0x3FAC] =	sst s10  }
0x38: {  	s10 =	sld [smem:$0x3FAD]  }
0x39: {  	_ = 	snop;
	(pc) =	sbr.ind lr, $3  }
0x3a: {  	_ = 	snop  }
0x3b: {  	_ = 	snop  }
0x3c: {  	p2 =	seq.s32 s10, $0x1;
	s10 =	sld [smem:$0x3FAC]  }
0x3d: {  	_ =	shalt  }
0x3e: {  	_ =	shalt  }
0x3f: {  	_ =	shalt  }
0x40: {  	_ =	shalt  }
0x41: {  	_ =	shalt  }
0x42: {  	_ =	shalt  }
0x43: {  	_ =	shalt  }
0x44: {  	_ =	shalt  }
0x45: {  	_ =	shalt  }
0x46: {  	_ =	shalt  }
0x47: {  	_ =	shalt  }
0x48: {  	_ =	shalt  }
0x49: {  	_ =	shalt  }
0x4a: {  	_ =	shalt  }
0x4b: {  	_ =	shalt  }
0x4c: {  	_ =	shalt  }
0x4d: {  	_ =	shalt  }
0x4e: {  	_ =	shalt  }
0x4f: {  	_ =	shalt  }
0x50: {  	_ =	shalt  }
0x51: {  	_ =	shalt  }
0x52: {  	_ =	shalt  }
0x53: {  	_ =	shalt  }
0x54: {  	_ =	shalt  }
0x55: {  	_ =	shalt  }
0x56: {  	_ =	shalt  }
0x57: {  	_ =	shalt  }
0x58: {  	_ =	shalt  }
0x59: {  	_ =	shalt  }
0x5a: {  	_ =	shalt  }
0x5b: {  	_ =	shalt  }
0x5c: {  	_ =	shalt  }
0x5d: {  	_ =	shalt  }
0x5e: {  	_ =	shalt  }
0x5f: {  	_ =	shalt  }
0x60: {  	_ =	shalt  }
0x61: {  	_ =	shalt  }
0x62: {  	_ =	shalt  }
0x63: {  	_ =	shalt  }
0x64: {  	_ =	shalt  }
0x65: {  	_ =	shalt  }
0x66: {  	_ =	shalt  }
0x67: {  	_ =	shalt  }
0x68: {  	_ =	shalt  }
0x69: {  	_ =	shalt  }
0x6a: {  	_ =	shalt  }
0x6b: {  	_ =	shalt  }
0x6c: {  	_ =	shalt  }
0x6d: {  	_ =	shalt  }
0x6e: {  	_ =	shalt  }
0x6f: {  	_ =	shalt  }
0x70: {  	_ =	shalt  }
0x71: {  	_ =	shalt  }
0x72: {  	_ =	shalt  }
0x73: {  	_ =	shalt  }
0x74: {  	_ =	shalt  }
0x75: {  	_ =	shalt  }
0x76: {  	_ =	shalt  }
0x77: {  	_ =	shalt  }
0x78: {  	_ =	shalt  }
0x79: {  	_ =	shalt  }
0x7a: {  	_ =	shalt  }
0x7b: {  	_ =	shalt  }
0x7c: {  	_ =	shalt  }
0x7d: {  	_ =	shalt  }
0x7e: {  	_ =	shalt  }
0x7f: {  	_ =	shalt  }
0x80: {  	_ =	shalt  }
0x81: {  	_ =	shalt  }
0x82: {  	_ =	shalt  }
0x83: {  	_ =	shalt  }
0x84: {  	_ =	shalt  }
0x85: {  	_ =	shalt  }
0x86: {  	_ =	shalt  }
0x87: {  	_ =	shalt  }
.Lfunc_end0:
.L_simem_size_0:
called_computation.4_lowered:
.L_overlay_start_0:
0x88: {  	s2 =	sld [smem:$0x3FD9]  }
0x89: {  	s3 =	sld [smem:$0x3FFE];
	_ =	sdelay $0x1  }
0x8a: {  	s1 =	srdreg.scid  }
0x8b: {  	s0 =	sand.u32 $0x1, s1  }
0x8c: {  	s17 =	sshll.u32 s0, $0xA;
	s2 =	sadd.s32 s3, s2  }
0x8d: {  	s2 =	sadd.s32 s2, s17  }
0x8e: {  	[smem:$0x3FB8] =	sst s2  }
0x8f: {  	_ = 	snop  }
0x90: {  	s2 =	sld [smem:$0x3FC6]  }
0x91: {  	s18 =	sld [smem:$0x3FD0];
	(tm) =	ssettm $0x1  }
0x92: {  	s4 =	sld [smem:$0x3FFB];
	_ =	sdelay $0x3  }
0x93: {  	_ =	strace s4  }
0x94: {  	s4 =	sld [smem:$0x3FFC];
	_ =	sdelay $0x3  }
0x95: {  	_ =	strace s4  }
0x96: {  	s4 =	sld [smem:$0x3FFD];
	_ =	sdelay $0x3  }
0x97: {  	_ =	strace s4  }
0x98: {  	_ =	strace $0x8FFFFFFF  }
0x99: {  	s19 =	sld [smem:$0x3FDB];
	_ =	sdelay $0x1  }
0x9a: {  	s5 =	simm.s32 $_scs_section_size  }
0x9b: {  	s6 =	simm.s32 $_size__tile_overlayer_lowered;
	s7 =	simm.s32 $_tile_overlayer_lowered  }
0x9c: {  	s22 =	simm.s32 $0x1BFF;
	s21 =	sshll.u32 s7, $0x1;
	s4 =	sadd.s32 s5, s19  }
0x9d: {  	s8 =	simm.s32 $0x0;
	s20 =	sshll.u32 s6, $0x1;
	s6 =	sadd.s32 s21, s4  }
0x9e: {  	[timem:s8], [sflag:s22] =	dma.local [hbm:s6], s20  }
0x9f: {  	_ =	swait.ge [sflag:s22], s20  }
0xa0: {  	s5 =	ssub.s32 $0x0, s20;
	[sflag:s22] =	ssyncset.done $0x0  }
0xa1: {  	[sflag:s22] =	ssyncadd.s32 s5;
	_ =	sdelay $0x1  }
0xa2: {  	s23 =	simm.s32 $0x1B8B  }
0xa3: {  	_ =	swait.ge [sflag:s23], $0x1  }
0xa4: {  	[sflag:s23] =	ssyncset.done $0x0  }
0xa5: {  	s25 =	simm.s32 $0x1B8E;
	s24 =	sld [smem:$0x3FFE];
	[sflag:s23] =	ssyncadd.s32 $0xFFFFFFFF  }
0xa6: {  	s26 =	simm.s32 $execute0_lowered;
	[smem:$0x3FD2] =	sst s25  }
0xa7: {  	s6 =	sshll.u32 s26, $0x1;
	_ =	strace $0x80000052;
	[dreg:$0x1] =	wrdreg $0xFFFFFFFF  }
0xa8: {  	s28 =	simm.s32 $_size_execute0_lowered;
	s4 =	sadd.s32 s4, s6;
	[dreg:$0x0] =	wrdreg $0x0  }
0xa9: {  	s6 =	sshll.u32 s28, $0x1;
	[dreg:$0x2] =	wrdreg s4  }
0xaa: {  	[dreg:$0x3] =	wrdreg s6  }
0xab: {  	[dreg:$0x4] =	wrdreg $0xC0  }
0xac: {  	_ =	task [dreg:s8], $0x5FFFF  }
0xad: {  	[dreg:$0x1] =	wrdreg $0xFFFFFFFF  }
0xae: {  	[dreg:$0x0] =	wrdreg $0x60  }
0xaf: {  	[dreg:$0x2] =	wrdreg s24  }
0xb0: {  	[dreg:$0x3] =	wrdreg s2  }
0xb1: {  	[dreg:$0x4] =	wrdreg s18  }
0xb2: {  	[dreg:$0x5] =	wrdreg $0x9  }
0xb3: {  	_ =	task.clear_ibuf [dreg:s8], $0x6FFFF;
	_ =	strace $0x90000052  }
0xb4: {  	s29 =	simm.s32 $0x9;
	_ =	strace $0x80000054  }
0xb5: {  	_ =	swait.ge [sflag:s29], $0x1  }
0xb6: {  	[sflag:s29] =	ssyncadd.s32 $0xFFFFFFFF  }
0xb7: {  	_ =	strace $0x90000054  }
0xb8: {  	_ =	sfence  }
0xb9: {  	s30 =	sld [smem:$0x0];
	_ =	sdelay $0x2  }
0xba: {  	s31 =	sshll.u32 s1, $0xD;
	s1 =	sshrl.u32 s1, $0x2  }
0xbb: {  	s3 =	sand.u32 $0x4000, s31;
	s1 =	sadd.s32 s1, s30  }
0xbc: {  	s0 =	sor.u32 s3, s0;
	s1 =	sshll.u32 s1, $0x11  }
0xbd: {  	s0 =	sor.u32 s1, s0  }
0xbe: {  	s0 =	sadd.s32 $0x8F2B, s0  }
0xbf: {  	[sflag:s0] =	ssyncadd.remote.s32 $0x1  }
0xc0: {  	_ =	sfence.sel $0xFFFF  }
0xc1: {  	[dreg:$0x0] =	wrdreg $0xFFFFFFFF;
	(pc) =	sbr.abs _section_cstart, $3  }
0xc2: {  	[dreg:$0x1] =	wrdreg $0xFFFFFFFF  }
0xc3: {  	_ =	task.clear_ibuf [dreg:s8], $0x2FFFF;
	_ =	strace $0x9FFFFFFF  }
0xc4: {  	(tm) =	ssettm $0x7FFFFFFF  }
0xc5: {  	_ =	shalt  }
tec
execute0_lowered:
.L_overlay_start_1:
0x0: {  	(tag) =	ssettag $0x1  }
0x1: {  	s8 =	rddreg [dreg:$0x0]  }
0x2: {  	s1 =	rddreg [dreg:$0x1]  }
0x3: {  	s3 =	rddreg [dreg:$0x2];
	s2 =	srdreg.scid  }
0x4: {  	s4 =	simm.s32 $0x0;
	s17 =	simm.s32 $0x1;
	s18 =	simm.s32 $0x2710  }
0x5: {  	s19 =	simm.s32 $0x4E20;
	s23 =	simm.s32 $0x10;
	s6 =	sand.u32 $0x1, s2  }
0x6: {  	s24 =	simm.s32 $0x0;
	s2 =	stileid.u32;
	s20 =	smul.u32 $0x1800, s6  }
0x7: {  	[smem:$0x7FF] =	sst s4;
	s5 =	sshll.u32 s6, $0x4;
	s7 =	smul.u32 $0x180, s2  }
0x8: {  	_ =	strace $0x80000053;
	s10 =	ssub.s32 $0x2, s6;
	s6 =	sadd.s32 $0x27E00, s8  }
0x9: {  	s21 =	sor.u32 s2, s5;
	s5 =	sadd.s32 $0x28400, s8;
	s11 =	sshrl.u32 s10, $0x1  }
0xa: {  	s9 =	smul.u32 $0x1400, s21;
	s7 =	sadd.s32 s7, s20;
	s16 =	ssub.s32 s10, s11  }
0xb: {  	s11 =	smul.u32 $0x140, s21;
	s22 =	sadd.s32 $0x17FF, s20;
	p0 =	seq.s32 s21, $0x1F  }
.Ltmp0:
0xc: {  	v0 =	vmov s20;
	s20 =	simm.s32 $0xEEF0;
	s7 =	sshll.u32 s7, $0x4;
	(pc) =	sbr.rel .LBB2_1-.Ltmp0, $4  }
0xd: {  	s21 =	simm.s32 $0x4EF0;
	s16 =	smax.u32 s16, $0x1;
	s7 =	sadd.s32 s5, s7  }
0xe: {  	v1 =	vmov s22;
	s22 =	simm.s32 $0x11EF0;
	s15 =	sadd.s32 s9, s8;
	s8 =	sadd.s32 $0x600, s7  }
0xf: {  	s9 =	sadd.s32 $0xC00, s7;
	s10 =	sadd.s32 $0x1200, s7;
	s12 =	sadd.s32 $0xC00, s15  }
0x10: {  	v2 =	vimm.f32 $0.0e+00;
	v3 =	vlaneseq.u32;
	s13 =	sadd.s32 $0x1100, s15;
	s14 =	sadd.s32 $0x1600, s15;
	s15 =	sadd.s32 $0x1B00, s15  }
.LBB2_13:
0x11: {  	s24 =	sadd.s32 $0x1, s24  }
0x12: {  	p1 =	sne.s32 s24, s16  }
.Ltmp1:
0x13: {  	_ = 	snop;
	(pc) =	sbr.rel @!p1 .LBB2_14-.Ltmp1, $1  }
0x14: {  	_ =	sdelay $0x3  }
.LBB2_1:
0x15: {  	[tilespmem:s4], [sflag:$0x1] =	stream.linear.gather [hbm4b:s6+s4], $0x2710, $0x38;
	[tilespmem:$0x11F00] =	vst v63  }
0x16: {  	_ =	swait.ge [sflag:s17], $0x2710  }
0x17: {  	[sflag:s17] =	ssyncset.done $0x0  }
0x18: {  	[sflag:s17] =	ssyncadd.s32 $0xFFFFD8F0  }
0x19: {  	[tilespmem:s18], [sflag:$0x1] =	stream.linear.gather [hbm4b:s1+s4], $0x2710, $0x38;
	[tilespmem:$0x11F00] =	vst v63  }
0x1a: {  	_ =	swait.ge [sflag:s17], $0x2710  }
0x1b: {  	[sflag:s17] =	ssyncset.done $0x0  }
0x1c: {  	[sflag:s17] =	ssyncadd.s32 $0xFFFFD8F0  }
0x1d: {  	[tilespmem:s19], [sflag:$0x1] =	stream.linear.gather [hbm4b:s3+s4], $0xD0, $0x38;
	[tilespmem:$0x11F00] =	vst v63  }
0x1e: {  	_ =	swait.ge [sflag:s17], $0xD0  }
0x1f: {  	[sflag:s17] =	ssyncset.done $0x0  }
0x20: {  	s25 =	simm.s32 $0x0;
	s26 =	simm.s32 $0x200;
	[sflag:s17] =	ssyncadd.s32 $0xFFFFFF30  }
.LBB2_2:
0x21: {  	p1 =	sne.s32 s26, $0xBE00;
	[tilespmem:s25+$0xEF60] =	vst v2  }
0x22: {  	[tilespmem:s25+$0xEEF0] =	vst v2  }
0x23: {  	[tilespmem:s25+$0xEF00] =	vst v2  }
.Ltmp2:
0x24: {  	[tilespmem:s25+$0xEF10] =	vst v2;
	(pc) =	sbr.rel @p1 .LBB2_2-.Ltmp2, $4  }
0x25: {  	[tilespmem:s25+$0xEF20] =	vst v2  }
0x26: {  	[tilespmem:s25+$0xEF30] =	vst v2  }
0x27: {  	[tilespmem:s25+$0xEF40] =	vst v2  }
0x28: {  	[tilespmem:s25+$0xEF50] =	vst v2;
	s25 =	sshra.s32 s26, $0x2;
	s26 =	sadd.s32 $0x200, s26  }
0x29: {  	[tilespmem:s25+$0xEF60] =	vst v2  }
0x2a: {  	[tilespmem:s25+$0xEEF0] =	vst v2  }
0x2b: {  	[tilespmem:s25+$0xEF00] =	vst v2  }
0x2c: {  	[tilespmem:s25+$0xEF10] =	vst v2  }
0x2d: {  	[tilespmem:s25+$0xEF20] =	vst v2  }
0x2e: {  	[tilespmem:s25+$0xEF30] =	vst v2  }
0x2f: {  	[tilespmem:s25+$0xEF40] =	vst v2  }
0x30: {  	[tilespmem:s25+$0xEF50] =	vst v2  }
0x31: {  	[hbm4b:s7+s4] =	stream.linear.scatter [tilespmem:s20], [sflag:$0x1], $0x3000, $0x38;
	[tilespmem:$0x11F00] =	vst v63  }
0x32: {  	_ =	swait.ge [sflag:s17], $0x3000  }
0x33: {  	[sflag:s17] =	ssyncset.done $0x0  }
0x34: {  	[sflag:s17] =	ssyncadd.s32 $0xFFFFD000  }
0x35: {  	[hbm4b:s8+s4] =	stream.linear.scatter [tilespmem:s20], [sflag:$0x1], $0x3000, $0x38;
	[tilespmem:$0x11F00] =	vst v63  }
0x36: {  	_ =	swait.ge [sflag:s17], $0x3000  }
0x37: {  	[sflag:s17] =	ssyncset.done $0x0  }
0x38: {  	[sflag:s17] =	ssyncadd.s32 $0xFFFFD000  }
0x39: {  	[hbm4b:s9+s4] =	stream.linear.scatter [tilespmem:s20], [sflag:$0x1], $0x3000, $0x38;
	[tilespmem:$0x11F00] =	vst v63  }
0x3a: {  	_ =	swait.ge [sflag:s17], $0x3000  }
0x3b: {  	[sflag:s17] =	ssyncset.done $0x0  }
0x3c: {  	[sflag:s17] =	ssyncadd.s32 $0xFFFFD000  }
0x3d: {  	[hbm4b:s10+s4] =	stream.linear.scatter [tilespmem:s20], [sflag:$0x1], $0x3000, $0x38;
	[tilespmem:$0x11F00] =	vst v63  }
0x3e: {  	_ =	swait.ge [sflag:s17], $0x3000  }
0x3f: {  	[sflag:s17] =	ssyncset.done $0x0  }
0x40: {  	[sflag:s17] =	ssyncadd.s32 $0xFFFFD000  }
0x41: {  	[bflag:$0x0] =	sbarrier.arrive $0xFFFF  }
0x42: {  	[tilespmem:s21], [sflag:$0x1] =	stream.linear.gather [hbm4b:s12+s4], $0x2800, $0x38;
	[tilespmem:$0x11F00] =	vst v63  }
0x43: {  	_ =	swait.ge [sflag:s17], $0x2800  }
0x44: {  	[sflag:s17] =	ssyncset.done $0x0  }
0x45: {  	s25 =	simm.s32 @!p0 $0x0;
	s26 =	simm.s32 @!p0 $0x76F0;
	[sflag:s17] =	ssyncadd.s32 $0xFFFFD800  }
0x46: {  	[tilespmem:s26], [sflag:$0x1] =	stream.linear.gather @!p0 [hbm4b:s13+s25], $0x2800, $0x38;
	[tilespmem:$0x11F00] =	vst v63  }
0x47: {  	s26 =	simm.s32 @!p0 $0x1  }
0x48: {  	_ =	swait.ge @!p0 [sflag:s26], $0x2800  }
0x49: {  	[sflag:s26] =	ssyncset.done @!p0 $0x0  }
0x4a: {  	s28 =	simm.s32 @!p0 $0x9EF0;
	[sflag:s26] =	ssyncadd.s32 @!p0 $0xFFFFD800  }
0x4b: {  	[tilespmem:s28], [sflag:$0x1] =	stream.linear.gather @!p0 [hbm4b:s14+s25], $0x2800, $0x38;
	[tilespmem:$0x11F00] =	vst v63  }
0x4c: {  	_ =	swait.ge @!p0 [sflag:s26], $0x2800  }
0x4d: {  	[sflag:s26] =	ssyncset.done @!p0 $0x0  }
.Ltmp3:
0x4e: {  	s28 =	simm.s32 @!p0 $0xC6F0;
	[sflag:s26] =	ssyncadd.s32 @!p0 $0xFFFFD800;
	(pc) =	sbr.rel .LBB2_4-.Ltmp3, $4  }
0x4f: {  	[tilespmem:s28], [sflag:$0x1] =	stream.linear.gather @!p0 [hbm4b:s15+s25], $0x2800, $0x38;
	[tilespmem:$0x11F00] =	vst v63  }
0x50: {  	_ =	swait.ge @!p0 [sflag:s26], $0x2800  }
0x51: {  	[sflag:s26] =	ssyncset.done @!p0 $0x0  }
0x52: {  	s25 =	simm.s32 $0x0;
	[sflag:s26] =	ssyncadd.s32 @!p0 $0xFFFFD800  }
.LBB2_11:
0x53: {  	s0 =	sshll.u32 s25, $0xB  }
0x54: {  	s0 =	sand.u32 $0x3FFFF800, s0  }
0x55: {  	s0 =	sadd.s32 $0x4EF0, s0  }
0x56: {  	[hbm4b:s5+s23] =	stream.indirect.scatter [tilespmem:s0], [sflag:$0x1], $0x80, s22, s23, $0xb8;
	[tilespmem:$0x11F00] =	vst v63  }
0x57: {  	_ =	swait.ge [sflag:s17], $0x800  }
0x58: {  	[sflag:s17] =	ssyncset.done $0x0  }
0x59: {  	[sflag:s17] =	ssyncadd.s32 $0xFFFFF800  }
.LBB2_12:
0x5a: {  	s25 =	sadd.s32 $0x1, s25  }
0x5b: {  	p1 =	sne.s32 s25, $0x14  }
.Ltmp4:
0x5c: {  	_ = 	snop;
	(pc) =	sbr.rel @!p1 .LBB2_13-.Ltmp4, $1  }
0x5d: {  	_ =	sdelay $0x3  }
.LBB2_4:
0x5e: {  	s26 =	sshll.u32 s25, $0x4  }
0x5f: {  	s26 =	sadd.s32 s11, s26  }
0x60: {  	p1 =	sgt.u32 s26, $0x270F  }
.Ltmp5:
0x61: {  	_ = 	snop;
	(pc) =	sbr.rel @p1 .LBB2_12-.Ltmp5, $4  }
.Ltmp6:
0x62: {  	_ = 	snop;
	(pc) =	sbr.rel @!p1 .LBB2_5-.Ltmp6, $4  }
0x63: {  	_ = 	snop  }
0x64: {  	_ = 	snop  }
0x65: {  	s28 =	simm.s32 $0x0  }
0x66: {  	_ = 	snop  }
.LBB2_6:
0x67: {  	v5 =	vimm.s32 $0x0  }
.LBB2_10:
0x68: {  	v6 =	vmov s28  }
0x69: {  	s28 =	sadd.s32 $0x1, s28;
	vm0 =	veq.s32 v6, v3  }
0x6a: {  	v4 =	vmul.u32 $0x1E, v4;
	p1 =	sne.s32 s28, $0x10  }
.Ltmp7:
0x6b: {  	_ = 	snop;
	(pc) =	sbr.rel @!p1 .LBB2_11-.Ltmp7, $4  }
0x6c: {  	v4 =	vadd.s32 v0, v4  }
0x6d: {  	vm1 =	vlt.s32 v5, $0x1E;
	v4 =	vadd.s32 v5, v4  }
0x6e: {  	v4 =	vsel vm1, v4, v1  }
0x6f: {  	[tilespmem:v6+s22+$0x0] =	vst.idx.msk vm0, v4  }
.LBB2_5:
0x70: {  	s29 =	sor.u32 s26, s28  }
0x71: {  	v5 =	vmov s29;
	_ =	sdelay $0x4  }
0x72: {  	v4 =	vld.idx.msk [tilespmem:v5+s18+$0x0], $0xffff;
	_ =	sdelay $0x6  }
0x73: {  	v6 =	vadd.s32 $0x1, v4  }
0x74: {  	v7 =	vld.idx.msk [tilespmem:v4+s19+$0x0], $0xffff;
	_ =	sdelay $0x3  }
0x75: {  	v6 =	vld.idx.msk [tilespmem:v6+s19+$0x0], $0xffff  }
0x76: {  	v8 =	vxor.u32 $0x80000000, v7  }
0x77: {  	(xrf0) =	vmax.scan.msk.u32 $0xffff, v8;
	_ =	sdelay $0x2  }
0x78: {  	v8 =	vxor.u32 $0x80000000, v6  }
0x79: {  	(xrf0) =	vmax.scan.msk.u32 $0xffff, v8;
	_ =	sdelay $0x1  }
0x7a: {  	v8, _, _ =	vpop (xrf0)  }
0x7b: {  	(v2sf) =	vpush v8, $0xF;
	_ =	sdelay $0x2  }
0x7c: {  	v8, _, _ =	vpop (xrf0)  }
0x7d: {  	(v2sf) =	vpush v8, $0xF;
	_ =	sdelay $0xa  }
0x7e: {  	s29 =	spop (v2sf)  }
0x7f: {  	s30 =	sxor.u32 $0x80000000, s29  }
0x80: {  	s0 =	simm.s32 $0x1;
	s31 =	sshra.s32 s30, $0x1F  }
0x81: {  	p2 =	sgt.s32 s29, $0xFFFFFFFF;
	s29 =	sand.u32 $0xF, s29;
	s31 =	sshrl.u32 s31, $0x1C  }
0x82: {  	p1 =	slt.s32 s30, $0x1;
	s31 =	sadd.s32 s31, s30;
	s30 =	spop (v2sf)  }
0x83: {  	p5 =	sne.s32 s29, $0x0;
	p1 =	por p2, p1;
	s30 =	sadd.s32 $0x8000000F, s30  }
0x84: {  	p1 =	por !p5, !p1;
	s29 =	sand.u32 $0xF, s30;
	p6 =	slt.s32 s30, $0x1  }
0x85: {  	p3 =	sne.s32 s29, $0x0;
	s29 =	sshra.s32 s31, $0x4;
	s31 =	sshra.s32 s30, $0x1F  }
0x86: {  	p1 =	por !p1, !p1;
	p2 =	por !p6, !p3;
	s31 =	sshrl.u32 s31, $0x1C  }
0x87: {  	s30 =	sadd.s32 s31, s30;
	p2 =	por !p2, !p2;
	s31 =	simm.s32 $0x1  }
0x88: {  	s0 =	simm.s32 @!p1 $0x0;
	s30 =	sshra.s32 s30, $0x4;
	s31 =	simm.s32 @!p2 $0x0  }
0x89: {  	s29 =	ssub.s32 s29, s0;
	s31 =	ssub.s32 s30, s31  }
0x8a: {  	s30 =	ssub.s32 s31, s29  }
0x8b: {  	p1 =	slt.s32 s30, $0x1  }
.Ltmp8:
0x8c: {  	v8 =	vld.idx.msk [tilespmem:v5+s4+$0x0], $0xffff;
	(pc) =	sbr.rel @p1 .LBB2_6-.Ltmp8, $1  }
0x8d: {  	_ =	sdelay $0x3  }
0x8e: {  	s0 =	sshll.u32 s29, $0x6  }
0x8f: {  	s0 =	sshra.s32 s0, $0x2  }
0x90: {  	p1 =	sne.s32 s30, $0x1;
	v10 =	vld [tilespmem:s0+$0x0]  }
.Ltmp9:
0x91: {  	_ = 	snop;
	(pc) =	sbr.rel @!p1 .LBB2_9-.Ltmp9, $4  }
0x92: {  	_ = 	snop  }
0x93: {  	s29 =	sshll.u32 s29, $0x4  }
0x94: {  	v9 =	vimm.s32 $0x0;
	v11 =	vor.u32 s29, v3  }
0x95: {  	s30 =	sadd.s32 $0xFFFFFFFF, s30;
	vm0 =	vge.s32 v11, v7;
	vm2 =	vlt.s32 v11, v5;
	s31 =	sadd.s32 $0x10, s0;
	vm1 =	veq.f32 v10, v8  }
.LBB2_8:
0x96: {  	p1 =	sne.s32 s30, $0x1;
	s30 =	sadd.s32 $0xFFFFFFFF, s30;
	vm3 =	vlt.s32 v11, v6;
	vm4 =	vgt.f32 v10, v8;
	v10 =	vld [tilespmem:s31+$0x0];
	vm1 =	vmand vm2, vm1  }
.Ltmp10:
0x97: {  	vm0 =	vmand vm0, vm3;
	vm1 =	vmor vm4, vm1;
	(pc) =	sbr.rel @p1 .LBB2_8-.Ltmp10, $4  }
0x98: {  	s29 =	sadd.s32 $0x10, s29;
	vm0 =	vmand vm0, vm1  }
0x99: {  	v11 =	vor.u32 s29, v3;
	v12 =	vmpcnt.ones.xlane vm0  }
0x9a: {  	vm0 =	vge.s32 v11, v7  }
0x9b: {  	s31 =	sadd.s32 $0x10, s31;
	vm2 =	vlt.s32 v11, v5;
	vm1 =	veq.f32 v10, v8;
	v9 =	vadd.s32 v9, v12  }
.LBB2_9:
0x9c: {  	vm3 =	vlt.s32 v11, v6;
	vm4 =	vgt.f32 v10, v8;
	vm1 =	vmand vm2, vm1  }
.Ltmp11:
0x9d: {  	vm0 =	vmand vm0, vm3;
	vm1 =	vmor vm4, vm1;
	(pc) =	sbr.rel .LBB2_10-.Ltmp11, $3  }
0x9e: {  	vm0 =	vmand vm0, vm1  }
0x9f: {  	v5 =	vmpcnt.ones.xlane vm0;
	_ =	sdelay $0x1  }
0xa0: {  	v5 =	vadd.s32 v9, v5  }
.LBB2_14:
0xa1: {  	_ =	sfence.sel $0x180000  }
0xa2: {  	[bflag:$0x0] =	sbarrier.arrive $0xFFFF  }
0xa3: {  	_ =	strace $0x90000053  }
0xa4: {  	[bflag:$0x2] =	sbarrier.arrive $0xFFFF  }
0xa5: {  	p0 =	sne.s32 s2, $0x0;
	s0 =	rddreg [dreg:$0x3]  }
0xa6: {  	s0 =	sadd.s32 @!p0 $0x100000, s0  }
0xa7: {  	[sflag:s0] =	ssyncadd.tile.s32 @!p0 $0x1;
	_ =	shalt  }
.Lfunc_end2:
_tile_overlayer_lowered:
.L_overlay_start_2:
0xa8: {  	(tag) =	ssettag $0x2  }
0xa9: {  	s0 =	rddreg [dreg:$0x0];
	s2 =	stileid.u32  }
0xaa: {  	s1 =	rddreg [dreg:$0x1];
	p0 =	sne.s32 s2, $0x0  }
0xab: {  	s3 =	rddreg [dreg:$0x2];
	[bflag:$0x3] =	sbarrier.arrive $0xFFFF;
	s2 =	simm.s32 @!p0 $0x1C01  }
0xac: {  	[timem:s3], [sflag:s2] =	dma.local @!p0 [hbm:s0], s1  }
0xad: {  	s0 =	simm.s32 @!p0 $0x1  }
0xae: {  	_ =	swait.ge @!p0 [sflag:s0], s1  }
0xaf: {  	s1 =	ssub.s32 @!p0 $0x0, s1;
	[sflag:s0] =	ssyncset.done @!p0 $0x0  }
0xb0: {  	[sflag:s0] =	ssyncadd.s32 @!p0 s1  }
0xb1: {  	[bflag:$0x3] =	sbarrier.arrive $0xFFFF  }
0xb2: {  	_ =	shalt  }

// kernel: scatter_offload_async_start.1
scs
__scs_entry_jumppad:
0x0: {  	(pc) =	sbr.rel $0x88, $3  }
0x1: {  	(tag) =	ssettag $0x0;
	lr =	simm.s32 $0x1  }
0x2: {  	[smem:$0x3F91] =	sst lr;
	_ =	strace $0xD0000000  }
0x3: {  	_ = 	snop  }
0x4: {  	_ = 	snop  }
0x5: {  	_ = 	snop  }
0x6: {  	_ = 	snop  }
0x7: {  	_ = 	snop  }
__scs_overlays_trampoline_lowered:
0x8: {  	[smem:$0x3FA0] =	sst s0  }
0x9: {  	[smem:$0x3FA1] =	sst s1  }
0xa: {  	[smem:$0x3FA2] =	sst s2  }
0xb: {  	[smem:$0x3FA3] =	sst s3  }
0xc: {  	[smem:$0x3FA4] =	sst s4  }
0xd: {  	[smem:$0x3FA5] =	sst s5  }
0xe: {  	[smem:$0x3FA6] =	sst s6  }
0xf: {  	[smem:$0x3FA7] =	sst s7  }
0x10: {  	[smem:$0x3FA8] =	sst s8  }
0x11: {  	[smem:$0x3FA9] =	sst s9;
	s0 =	simm.s32 @!p0 $0x0  }
0x12: {  	s1 =	sld [smem:$0x3F8F];
	s0 =	simm.s32 @p0 $0x1  }
0x13: {  	[smem:$0x3FAA] =	sst s0;
	s0 =	simm.s32 @!p1 $0x0  }
0x14: {  	s2 =	sld [smem:$0x3F8E];
	s0 =	simm.s32 @p1 $0x1  }
0x15: {  	[smem:$0x3FAB] =	sst s0;
	s0 =	simm.s32 @!p2 $0x0  }
0x16: {  	s3 =	sld [smem:$0x3FDB];
	s0 =	simm.s32 @p2 $0x1  }
0x17: {  	s4 =	simm.s32 $0x1BF5;
	[smem:$0x3FAD] =	sst s0  }
0x18: {  	s0 =	sld [smem:$0x3F90];
	_ =	swait.ge [sflag:s4], $0x0  }
0x19: {  	s7 =	sld [smem:$0x3F91]  }
0x1a: {  	s8 =	sadd.s32 $0xFFFFE003, lr  }
0x1b: {  	s9 =	sadd.s32 $0xFFFFFEF7, lr;
	s5 =	simm.s32 $0xFFFFFFFF;
	p2 =	slt.u32 s8, $0xFFFFF086  }
0x1c: {  	p1 =	slt.u32 s9, $0xF7A;
	s5 =	simm.s32 @!p2 $0x0  }
0x1d: {  	s5 =	simm.s32 @p1 $0x1;
	p0 =	seq.s32 s7, s2  }
0x1e: {  	s7 =	smul.u32 @!p0 $0xF7A, s2;
	p2 =	seq.s32 @!p0 s5, $0x0  }
0x1f: {  	s9 =	smul.u32 $0xF7A, s1;
	s8 =	simm.s32 @!p0 $0x1BF5;
	p2 =	por !p2, p0  }
0x20: {  	[sflag:s8] =	ssyncset.s32 @!p0 $0xFFFFF086;
	s6 =	sadd.s32 @!p0 s3, s7;
	s7 =	simm.s32 @!p0 $0x108  }
0x21: {  	s3 =	sadd.s32 s3, s9;
	s6 =	sadd.s32 @!p0 $0x88, s6;
	s7 =	simm.s32 @p2 $0x1082  }
0x22: {  	[simem:s7], [sflag:s8] =	dma.local @!p0 [hbm:s6], $0xF7A  }
0x23: {  	s9 =	sor.u32 $0xD0000000, s2;
	s6 =	simm.s32 $0x108;
	_ =	swait.ge @!p0 [sflag:s8], $0x0  }
0x24: {  	s3 =	sadd.s32 $0x88, s3;
	s6 =	simm.s32 @!p1 $0x1082;
	[sflag:s4] =	ssyncset.s32 $0xFFFFF086  }
0x25: {  	[simem:s6], [sflag:s4] =	dma.local [hbm:s3], $0xF7A  }
0x26: {  	[smem:$0x3F91] =	sst s1;
	(tag) =	ssettag s2;
	_ =	strace s9  }
0x27: {  	s1 =	sld [smem:$0x3FA1]  }
0x28: {  	s2 =	sld [smem:$0x3FA2]  }
0x29: {  	s4 =	sld [smem:$0x3FA4]  }
0x2a: {  	p0 =	seq.s32 s5, $0x0;
	s5 =	sld [smem:$0x3FA5]  }
0x2b: {  	s6 =	sld [smem:$0x3FA6]  }
0x2c: {  	s7 =	sld [smem:$0x3FA7]  }
0x2d: {  	s3 =	simm.s32 $0x108;
	s8 =	sld [smem:$0x3FA8]  }
0x2e: {  	s3 =	simm.s32 @!p0 $0x1082;
	s9 =	sld [smem:$0x3FA9]  }
0x2f: {  	lr =	sadd.s32 s0, s3;
	s0 =	sld [smem:$0x3FA0]  }
0x30: {  	s3 =	sld [smem:$0x3FA3]  }
0x31: {  	[smem:$0x3FAC] =	sst s10  }
0x32: {  	s10 =	sld [smem:$0x3FAA];
	_ =	sdelay $0x3  }
0x33: {  	p0 =	seq.s32 s10, $0x1;
	s10 =	sld [smem:$0x3FAC];
	_ =	sdelay $0x3  }
0x34: {  	[smem:$0x3FAC] =	sst s10  }
0x35: {  	s10 =	sld [smem:$0x3FAB];
	_ =	sdelay $0x3  }
0x36: {  	p1 =	seq.s32 s10, $0x1;
	s10 =	sld [smem:$0x3FAC];
	_ =	sdelay $0x3  }
0x37: {  	[smem:$0x3FAC] =	sst s10  }
0x38: {  	s10 =	sld [smem:$0x3FAD]  }
0x39: {  	_ = 	snop;
	(pc) =	sbr.ind lr, $3  }
0x3a: {  	_ = 	snop  }
0x3b: {  	_ = 	snop  }
0x3c: {  	p2 =	seq.s32 s10, $0x1;
	s10 =	sld [smem:$0x3FAC]  }
0x3d: {  	_ =	shalt  }
0x3e: {  	_ =	shalt  }
0x3f: {  	_ =	shalt  }
0x40: {  	_ =	shalt  }
0x41: {  	_ =	shalt  }
0x42: {  	_ =	shalt  }
0x43: {  	_ =	shalt  }
0x44: {  	_ =	shalt  }
0x45: {  	_ =	shalt  }
0x46: {  	_ =	shalt  }
0x47: {  	_ =	shalt  }
0x48: {  	_ =	shalt  }
0x49: {  	_ =	shalt  }
0x4a: {  	_ =	shalt  }
0x4b: {  	_ =	shalt  }
0x4c: {  	_ =	shalt  }
0x4d: {  	_ =	shalt  }
0x4e: {  	_ =	shalt  }
0x4f: {  	_ =	shalt  }
0x50: {  	_ =	shalt  }
0x51: {  	_ =	shalt  }
0x52: {  	_ =	shalt  }
0x53: {  	_ =	shalt  }
0x54: {  	_ =	shalt  }
0x55: {  	_ =	shalt  }
0x56: {  	_ =	shalt  }
0x57: {  	_ =	shalt  }
0x58: {  	_ =	shalt  }
0x59: {  	_ =	shalt  }
0x5a: {  	_ =	shalt  }
0x5b: {  	_ =	shalt  }
0x5c: {  	_ =	shalt  }
0x5d: {  	_ =	shalt  }
0x5e: {  	_ =	shalt  }
0x5f: {  	_ =	shalt  }
0x60: {  	_ =	shalt  }
0x61: {  	_ =	shalt  }
0x62: {  	_ =	shalt  }
0x63: {  	_ =	shalt  }
0x64: {  	_ =	shalt  }
0x65: {  	_ =	shalt  }
0x66: {  	_ =	shalt  }
0x67: {  	_ =	shalt  }
0x68: {  	_ =	shalt  }
0x69: {  	_ =	shalt  }
0x6a: {  	_ =	shalt  }
0x6b: {  	_ =	shalt  }
0x6c: {  	_ =	shalt  }
0x6d: {  	_ =	shalt  }
0x6e: {  	_ =	shalt  }
0x6f: {  	_ =	shalt  }
0x70: {  	_ =	shalt  }
0x71: {  	_ =	shalt  }
0x72: {  	_ =	shalt  }
0x73: {  	_ =	shalt  }
0x74: {  	_ =	shalt  }
0x75: {  	_ =	shalt  }
0x76: {  	_ =	shalt  }
0x77: {  	_ =	shalt  }
0x78: {  	_ =	shalt  }
0x79: {  	_ =	shalt  }
0x7a: {  	_ =	shalt  }
0x7b: {  	_ =	shalt  }
0x7c: {  	_ =	shalt  }
0x7d: {  	_ =	shalt  }
0x7e: {  	_ =	shalt  }
0x7f: {  	_ =	shalt  }
0x80: {  	_ =	shalt  }
0x81: {  	_ =	shalt  }
0x82: {  	_ =	shalt  }
0x83: {  	_ =	shalt  }
0x84: {  	_ =	shalt  }
0x85: {  	_ =	shalt  }
0x86: {  	_ =	shalt  }
0x87: {  	_ =	shalt  }
.Lfunc_end0:
.L_simem_size_0:
called_computation.1_lowered:
.L_overlay_start_0:
0x88: {  	s0 =	sld [smem:$0x3FD9]  }
0x89: {  	s1 =	sld [smem:$0x3FFE];
	_ =	sdelay $0x3  }
0x8a: {  	s0 =	sadd.s32 s1, s0  }
0x8b: {  	[smem:$0x3FB8] =	sst s0  }
0x8c: {  	_ = 	snop  }
0x8d: {  	(tm) =	ssettm $0x1  }
0x8e: {  	s15 =	sld [smem:$0x3FFB];
	_ =	sdelay $0x3  }
0x8f: {  	_ =	strace s15  }
0x90: {  	s0 =	sld [smem:$0x3FFC];
	_ =	sdelay $0x3  }
0x91: {  	_ =	strace s0  }
0x92: {  	s0 =	sld [smem:$0x3FFD];
	_ =	sdelay $0x3  }
0x93: {  	_ =	strace s0  }
0x94: {  	_ =	strace $0x8FFFFFFF  }
0x95: {  	s16 =	sld [smem:$0x3FDB];
	_ =	sdelay $0x1  }
0x96: {  	s17 =	simm.s32 $_scs_section_size  }
0x97: {  	s2 =	simm.s32 $_size__tile_overlayer_lowered;
	s3 =	simm.s32 $_tile_overlayer_lowered  }
0x98: {  	s20 =	simm.s32 $0x1BFF;
	s19 =	sshll.u32 s3, $0x1;
	s0 =	sadd.s32 s17, s16  }
0x99: {  	s4 =	simm.s32 $0x0;
	s18 =	sshll.u32 s2, $0x1;
	s2 =	sadd.s32 s19, s0  }
0x9a: {  	[timem:s4], [sflag:s20] =	dma.local [hbm:s2], s18  }
0x9b: {  	_ =	swait.ge [sflag:s20], s18  }
0x9c: {  	s1 =	ssub.s32 $0x0, s18;
	[sflag:s20] =	ssyncset.done $0x0  }
0x9d: {  	[sflag:s20] =	ssyncadd.s32 s1;
	_ =	sdelay $0x1  }
0x9e: {  	s21 =	simm.s32 $0x1B8B  }
0x9f: {  	_ =	swait.ge [sflag:s21], $0x1  }
0xa0: {  	[sflag:s21] =	ssyncset.done $0x0  }
0xa1: {  	s23 =	simm.s32 $0x1B8E;
	s22 =	sld [smem:$0x3FFE];
	[sflag:s21] =	ssyncadd.s32 $0xFFFFFFFF  }
0xa2: {  	s24 =	simm.s32 $execute0_lowered;
	[smem:$0x3FD2] =	sst s23  }
0xa3: {  	s2 =	sshll.u32 s24, $0x1;
	_ =	strace $0x80000049;
	[dreg:$0x1] =	wrdreg $0xFFFFFFFF  }
0xa4: {  	s25 =	simm.s32 $_size_execute0_lowered;
	s0 =	sadd.s32 s0, s2;
	[dreg:$0x0] =	wrdreg $0x0  }
0xa5: {  	s2 =	sshll.u32 s25, $0x1;
	[dreg:$0x2] =	wrdreg s0  }
0xa6: {  	[dreg:$0x3] =	wrdreg s2  }
0xa7: {  	[dreg:$0x4] =	wrdreg $0xC0  }
0xa8: {  	_ =	task [dreg:s4], $0x5FFFF  }
0xa9: {  	[dreg:$0x1] =	wrdreg $0xFFFFFFFF  }
0xaa: {  	[dreg:$0x0] =	wrdreg $0x60  }
0xab: {  	[dreg:$0x2] =	wrdreg s22  }
0xac: {  	[dreg:$0x3] =	wrdreg $0x9  }
0xad: {  	_ =	task.clear_ibuf [dreg:s4], $0x4FFFF;
	_ =	strace $0x90000049  }
0xae: {  	s26 =	simm.s32 $0x9;
	_ =	strace $0x8000004B  }
0xaf: {  	_ =	swait.ge [sflag:s26], $0x1  }
0xb0: {  	[sflag:s26] =	ssyncadd.s32 $0xFFFFFFFF  }
0xb1: {  	_ =	strace $0x9000004B  }
0xb2: {  	_ =	sfence  }
0xb3: {  	s28 =	sld [smem:$0x0];
	_ =	sdelay $0x1  }
0xb4: {  	s29 =	srdreg.scid  }
0xb5: {  	s30 =	sshll.u32 s29, $0xD;
	s31 =	sshrl.u32 s29, $0x2  }
0xb6: {  	s1 =	sand.u32 $0x1, s29;
	s2 =	sand.u32 $0x4000, s30;
	s0 =	sadd.s32 s31, s28  }
0xb7: {  	s1 =	sor.u32 s2, s1;
	s0 =	sshll.u32 s0, $0x11  }
0xb8: {  	s0 =	sor.u32 s0, s1  }
0xb9: {  	s0 =	sadd.s32 $0x8F2B, s0  }
0xba: {  	[sflag:s0] =	ssyncadd.remote.s32 $0x1  }
0xbb: {  	_ =	sfence.sel $0xFFFF  }
0xbc: {  	[dreg:$0x0] =	wrdreg $0xFFFFFFFF;
	(pc) =	sbr.abs _section_cstart, $3  }
0xbd: {  	[dreg:$0x1] =	wrdreg $0xFFFFFFFF  }
0xbe: {  	_ =	task.clear_ibuf [dreg:s4], $0x2FFFF;
	_ =	strace $0x9FFFFFFF  }
0xbf: {  	(tm) =	ssettm $0x7FFFFFFF  }
tec
execute0_lowered:
.L_overlay_start_1:
0x0: {  	(tag) =	ssettag $0x1  }
0x1: {  	s0 =	rddreg [dreg:$0x0];
	_ =	strace $0x8000004A;
	s1 =	simm.s32 $0x1  }
0x2: {  	s8 =	simm.s32 $0x108;
	v0 =	vimm.s32 $0x0;
	[sflag:s1] =	ssyncpa.u1 $0x0  }
0x3: {  	[tilespmem:s8+$0x70] =	vst v0  }
0x4: {  	[tilespmem:s8+$0x60] =	vst v0  }
0x5: {  	[tilespmem:s8+$0x50] =	vst v0  }
0x6: {  	[tilespmem:s8+$0x40] =	vst v0  }
0x7: {  	[tilespmem:s8+$0x30] =	vst v0  }
0x8: {  	s2 =	simm.s32 $0x40;
	s1 =	sadd.s32 $0x551200, s0;
	[tilespmem:s8+$0x20] =	vst v0  }
0x9: {  	s3 =	sadd.s32 $0x53CE00, s0;
	s4 =	sadd.s32 $0x33600, s0;
	s5 =	sadd.s32 $0x547000, s0;
	[tilespmem:s8+$0x10] =	vst v0  }
.LBB2_1:
0xa: {  	s2 =	sadd.s32 $0x40, s2;
	[tilespmem:s8+$0x0] =	vst v0;
	s8 =	sadd.s32 $0x80, s8  }
0xb: {  	p0 =	slt.u32 s2, $0x3C40;
	[tilespmem:s8+$0x70] =	vst v0  }
0xc: {  	[tilespmem:s8+$0x60] =	vst v0  }
.Ltmp0:
0xd: {  	[tilespmem:s8+$0x50] =	vst v0;
	(pc) =	sbr.rel @p0 .LBB2_1-.Ltmp0, $4  }
0xe: {  	[tilespmem:s8+$0x40] =	vst v0  }
0xf: {  	[tilespmem:s8+$0x30] =	vst v0  }
0x10: {  	[tilespmem:s8+$0x20] =	vst v0  }
0x11: {  	[tilespmem:s8+$0x10] =	vst v0  }
0x12: {  	s13 =	stileid.u32  }
0x13: {  	s0 =	simm.s32 $0x4FB0;
	s6 =	smul.u32 $0x50A0, s13;
	p0 =	seq.s32 s13, $0xF  }
0x14: {  	s0 =	simm.s32 @!p0 $0x50A0  }
0x15: {  	s0 =	sadd.s32 s6, s0  }
0x16: {  	s7 =	smin.u32 s0, $0x50910  }
0x17: {  	s0 =	ssub.s32 s7, s6  }
0x18: {  	p0 =	sgt.s32 s0, $0x0  }
0x19: {  	s0 =	simm.s32 @!p0 $0x0  }
0x1a: {  	s2 =	simm.s32 $0x2;
	s9 =	simm.s32 $0x7;
	s31 =	smulhi.u32 $0x1111112, s0  }
0x1b: {  	s10 =	simm.s32 $0x8;
	s19 =	simm.s32 $0x0;
	s15 =	simm.s32 $0xA  }
0x1c: {  	s17 =	simm.s32 $0x0;
	s18 =	simm.s32 $0x0;
	s11 =	smul.u32 $0xF0, s31  }
.Ltmp1:
0x1d: {  	[tilespmem:s8+$0x0] =	vst v0;
	v0 =	vimm.s32 $0xFFFFFFFF;
	[sflag:s2] =	ssyncpa.u1 $0x0;
	s13 =	sshll.u32 s13, $0x8;
	(pc) =	sbr.rel .LBB2_3-.Ltmp1, $4  }
0x1e: {  	[tilespmem:$0xF208] =	vst v0;
	[sflag:s9] =	ssyncpa.u1 $0x0;
	p0 =	sne.s32 s0, s11;
	s0 =	simm.s32 $0x1  }
0x1f: {  	[sflag:s10] =	ssyncpa.u1 $0x0;
	s10 =	simm.s32 $0x9;
	s0 =	simm.s32 @!p0 $0x0  }
0x20: {  	s16 =	smov.u32 s6;
	[sflag:s10] =	ssyncpa.u1 $0x0;
	s12 =	sadd.s32 s0, s31  }
0x21: {  	v0 =	vlaneseq.u32;
	s11 =	simm.s32 $0x1;
	p0 =	por $0x0, $0x0;
	s14 =	sadd.s32 $0x1, s12  }
.LBB2_18:
0x22: {  	s0 =	sshrl.u32 s28, $0x2  }
.LBB2_20:
0x23: {  	_ =	swait.ge [sflag:s15], s0  }
0x24: {  	s31 =	ssub.s32 $0x0, s0;
	v1 =	vmov s21;
	vm0 =	veq.s32 v0, $0x0;
	[sflag:s15] =	ssyncset.done $0x0  }
0x25: {  	vm15 =	veq.s32 v0, $0x2;
	v1 =	vsel vm0, s26, v1;
	[sflag:s15] =	ssyncadd.s32 s31  }
0x26: {  	v1 =	vsel vm15, s19, v1;
	[sflag:s15] =	ssyncpa.u1 $0x1  }
0x27: {  	[tilespmem:$0xF208] =	vst v1  }
.LBB2_21:
0x28: {  	s0 =	sadd.s32 $0xF0, s16  }
0x29: {  	s2 =	smov.u32 s6;
	p1 =	slt.s32 s0, s7  }
0x2a: {  	s2 =	smov.u32 @p1 s0;
	p1 =	sne.s32 s18, s14  }
.Ltmp2:
0x2b: {  	_ = 	snop;
	(pc) =	sbr.rel @!p1 .LBB2_22-.Ltmp2, $3  }
0x2c: {  	_ =	sdelay $0x1  }
0x2d: {  	s19 =	smov.u32 s17;
	s31 =	sadd.s32 $0x1, s18;
	s17 =	smov.u32 s16  }
0x2e: {  	p0 =	por !p0, !p0;
	s18 =	smov.u32 s31;
	s16 =	smov.u32 s2  }
.LBB2_3:
0x2f: {  	p1 =	sge.u32 s18, s12  }
0x30: {  	s0 =	smulhi.u32 @!p1 $0xAAAAAAAB, s18  }
0x31: {  	s2 =	smov.u32 s16;
	p2 =	sgt.s32 @!p1 s16, $0x50820  }
0x32: {  	s20 =	sshra.s32 @!p1 s16, $0x1F;
	p2 =	por !p2, p1;
	s0 =	sshrl.u32 @!p1 s0, $0x1  }
0x33: {  	s20 =	sand.u32 @!p1 s20, s16;
	s2 =	simm.s32 @p2 $0x50820;
	s0 =	smul.u32 @!p1 $0x3, s0  }
0x34: {  	s2 =	ssub.s32 @!p1 s2, s20  }
0x35: {  	s2 =	sadd.s32 @!p1 $0xFFFAF7E0, s2;
	s0 =	ssub.s32 @!p1 s18, s0  }
0x36: {  	s20 =	sshll.u32 @!p1 s2, $0x2;
	p2 =	sgt.s32 @!p1 s2, $0xEF;
	s0 =	smul.u32 @!p1 $0x3C0, s0  }
0x37: {  	s21 =	sand.u32 @!p1 $0x7, s16;
	s2 =	ssub.s32 @!p1 $0x3C0, s20;
	p2 =	por !p2, p1  }
0x38: {  	s20 =	sshrl.u32 @!p1 s16, $0x3;
	s2 =	sshrl.u32 @!p1 s2, $0x2;
	s0 =	sshrl.u32 @!p1 s0, $0x2  }
0x39: {  	s20 =	sadd.s32 @!p1 s5, s20;
	s2 =	simm.s32 @!p2 $0x0;
	s0 =	sadd.s32 @!p1 $0x10238, s0  }
0x3a: {  	[tilespmem:s0], [sflag:$0x8] =	stream.linear.gather @!p1 [hbm4b:s20+s21], s2, $0x38;
	[tilespmem:$0x1F6E8] =	vst v63  }
0x3b: {  	s0 =	sadd.s32 $0xFFFFFFFF, s18  }
0x3c: {  	p1 =	sge.u32 s0, s12  }
0x3d: {  	p2 =	sgt.s32 @!p1 s17, $0x50820  }
0x3e: {  	s2 =	smov.u32 s17;
	s20 =	sshra.s32 @!p1 s17, $0x1F;
	p2 =	por !p2, p1  }
0x3f: {  	s20 =	sand.u32 @!p1 s20, s17;
	s2 =	simm.s32 @p2 $0x50820  }
0x40: {  	s2 =	ssub.s32 @!p1 s2, s20  }
0x41: {  	s2 =	sadd.s32 @!p1 $0xFFFAF7E0, s2  }
0x42: {  	s21 =	smulhi.u32 @!p1 $0xAAAAAAAB, s0;
	s22 =	sand.u32 @!p1 $0x1, s0;
	s20 =	sshll.u32 @!p1 s2, $0x2  }
0x43: {  	s24 =	smul.u32 @!p1 $0x3C0, s22;
	p2 =	sgt.s32 @!p1 s2, $0xEF;
	s2 =	ssub.s32 @!p1 $0x3C0, s20  }
0x44: {  	p2 =	por !p2, p1;
	s20 =	sshrl.u32 @!p1 s21, $0x1;
	s2 =	sshrl.u32 @!p1 s2, $0x2  }
0x45: {  	s21 =	simm.s32 @!p1 $0x8;
	s20 =	smul.u32 @!p1 $0x3, s20;
	s2 =	simm.s32 @!p2 $0x0  }
0x46: {  	s22 =	smul.u32 @!p1 $0x1E000, s22;
	_ =	swait.ge @!p1 [sflag:s21], s2;
	s23 =	ssub.s32 @!p1 $0x0, s2  }
0x47: {  	s0 =	ssub.s32 @!p1 s0, s20;
	s20 =	sshrl.u32 @!p1 s17, $0x3;
	[sflag:s21] =	ssyncset.done @!p1 $0x0  }
0x48: {  	s20 =	sadd.s32 @!p1 s3, s20;
	[sflag:s21] =	ssyncadd.s32 @!p1 s23;
	s21 =	sshrl.u32 @!p1 s24, $0x2  }
0x49: {  	s0 =	smul.u32 @!p1 $0x3C0, s0;
	s23 =	sand.u32 @!p1 $0x7, s17;
	s21 =	sor.u32 @!p1 $0x10508, s21  }
0x4a: {  	[tilespmem:s21], [sflag:$0x9] =	stream.linear.gather @!p1 [hbm4b:s20+s23], s2, $0x38;
	[tilespmem:$0x1F6E8] =	vst v63  }
0x4b: {  	s0 =	sshrl.u32 @!p1 s0, $0x2;
	s2 =	sshrl.u32 @!p1 s22, $0x2  }
0x4c: {  	s0 =	sadd.s32 @!p1 $0x10238, s0;
	s20 =	simm.s32 @!p1 $0xF0;
	s2 =	sor.u32 @!p1 $0x106E8, s2  }
0x4d: {  	[tilespmem:s2], [sflag:$0x7] =	stream.indirect.gather @!p1 [hbm4b:s4+s20], $0x80, s0, s20, $0xb8;
	[tilespmem:$0x1F6E8] =	vst v63  }
0x4e: {  	p1 =	slt.u32 s18, $0x2  }
.Ltmp3:
0x4f: {  	_ = 	snop;
	(pc) =	sbr.rel @p1 .LBB2_21-.Ltmp3, $1  }
0x50: {  	_ =	sdelay $0x3  }
0x51: {  	p1 =	sgt.s32 s19, $0x50820;
	s0 =	smov.u32 s19;
	s2 =	sshra.s32 s19, $0x1F  }
0x52: {  	s0 =	simm.s32 @!p1 $0x50820;
	s2 =	sand.u32 s2, s19  }
0x53: {  	s0 =	ssub.s32 s0, s2  }
0x54: {  	s0 =	sadd.s32 $0xFFFAF7E0, s0  }
0x55: {  	s30 =	sshll.u32 s0, $0x2  }
0x56: {  	_ =	swait.ge [sflag:s9], $0x7800;
	s2 =	ssub.s32 $0x3C0, s30  }
0x57: {  	[sflag:s9] =	ssyncset.done $0x0;
	p1 =	sgt.s32 s0, $0xEF;
	s0 =	sshrl.u32 s2, $0x2  }
0x58: {  	[sflag:s9] =	ssyncadd.s32 $0xFFFF8800;
	s0 =	simm.s32 @p1 $0x0  }
0x59: {  	_ =	swait.ge [sflag:s10], s0  }
0x5a: {  	s0 =	ssub.s32 $0x0, s0;
	[sflag:s10] =	ssyncset.done $0x0  }
0x5b: {  	[sflag:s10] =	ssyncadd.s32 s0  }
0x5c: {  	v1 =	vld [tilespmem:$0xF208];
	_ =	sdelay $0x4  }
0x5d: {  	(v2sf) =	vpush v1, $0x0  }
0x5e: {  	(v2sf) =	vpush v1, $0x1  }
0x5f: {  	(v2sf) =	vpush v1, $0x2;
	_ =	sdelay $0x3  }
0x60: {  	s0 =	sadd.s32 $0xF0, s19  }
0x61: {  	s2 =	ssub.s32 $0x50910, s19;
	p1 =	slt.s32 s7, s0  }
0x62: {  	s0 =	smov.u32 @p1 s7;
	p1 =	sgt.s32 s2, $0x0  }
0x63: {  	s23 =	ssub.s32 s0, s19;
	s2 =	simm.s32 @!p1 $0x0  }
0x64: {  	p1 =	slt.s32 s2, s23  }
0x65: {  	s23 =	smov.u32 @p1 s2  }
0x66: {  	s22 =	simm.s32 $0x1;
	p1 =	slt.s32 s23, $0x1  }
.Ltmp4:
0x67: {  	s22 =	simm.s32 @!p0 $0x0;
	(pc) =	sbr.rel @p1 .LBB2_8-.Ltmp4, $4  }
0x68: {  	s31 =	smul.u32 $0x3C0, s22  }
0x69: {  	s24 =	spop (v2sf)  }
0x6a: {  	s0 =	sshrl.u32 s31, $0x2;
	s26 =	spop (v2sf)  }
0x6b: {  	s20 =	sor.u32 $0x10508, s0;
	s19 =	spop (v2sf)  }
0x6c: {  	s0 =	smin.u32 s23, $0x10  }
0x6d: {  	v1 =	vmov s0  }
0x6e: {  	p2 =	sgt.s32 s23, $0x10;
	vm1 =	vgt.u32 v1, v0  }
.Ltmp5:
0x6f: {  	_ = 	snop;
	(pc) =	sbr.rel @!p2 .LBB2_7-.Ltmp5, $2  }
0x70: {  	_ =	sdelay $0x2  }
0x71: {  	s25 =	simm.s32 $0x10;
	s28 =	sadd.s32 $0xFFFFFFF0, s23;
	s21 =	smov.u32 s20;
	vm0 =	vmmov vm1  }
.LBB2_6:
0x72: {  	s0 =	smin.u32 s28, $0x10;
	s25 =	sadd.s32 $0x10, s25;
	v1 =	vld.msk [tilespmem:s21+$0x0 ss:$0x1], vm1  }
0x73: {  	v2 =	vmov s0;
	p2 =	slt.s32 s25, s23  }
0x74: {  	vm1 =	vgt.u32 v2, v0  }
.Ltmp6:
0x75: {  	(pc) =	sbr.rel @p2 .LBB2_6-.Ltmp6, $3  }
0x76: {  	_ =	sdelay $0x1  }
0x77: {  	v1 =	vshll.u32 v1, $0x4  }
0x78: {  	s28 =	sadd.s32 $0xFFFFFFF0, s28;
	[tilespmem:s21+$0x0] =	vst.msk vm0, v1;
	s21 =	sadd.s32 $0x10, s21;
	vm0 =	vmmov vm1  }
.LBB2_7:
0x79: {  	_ =	sdelay $0x4  }
0x7a: {  	v1 =	vld.msk [tilespmem:s21+$0x0 ss:$0x1], vm1;
	_ =	sdelay $0x4  }
0x7b: {  	v1 =	vshll.u32 v1, $0x4  }
0x7c: {  	[tilespmem:s21+$0x0] =	vst.msk vm0, v1  }
.LBB2_8:
0x7d: {  	s0 =	sand.u32 $0x1, s18  }
0x7e: {  	s0 =	smul.u32 $0xF0, s0  }
0x7f: {  	p2 =	sne.s32 s26, $0xFFFFFFFF  }
0x80: {  	v1 =	vld.msk @!p2 [tilespmem:s0+$0x10508], $0x1;
	_ =	sdelay $0x4  }
0x81: {  	(v2sf) =	vpush @!p2 v1, $0x0;
	_ =	sdelay $0xc  }
.Ltmp7:
0x82: {  	_ = 	snop;
	(pc) =	sbr.rel @p1 .LBB2_19-.Ltmp7, $4  }
0x83: {  	_ = 	snop  }
0x84: {  	s25 =	spop @!p2 (v2sf)  }
0x85: {  	s19 =	simm.s32 @!p2 $0x0;
	s21 =	smov.u32 s25  }
0x86: {  	[sflag:s15] =	ssyncpa.u1 $0x0;
	s25 =	smov.u32 @p2 s24;
	s21 =	smov.u32 @p2 s26  }
0x87: {  	v1 =	vld.msk [tilespmem:s20+$0x0], $0x1;
	_ =	sdelay $0x4  }
0x88: {  	(v2sf) =	vpush v1, $0x0;
	_ =	sdelay $0xe  }
0x89: {  	s0 =	smul.u32 $0x1E000, s22;
	s29 =	spop (v2sf)  }
0x8a: {  	s23 =	ssub.s32 $0x0, s23;
	p1 =	seq.s32 s25, s29  }
0x8b: {  	s26 =	sadd.s32 $0x1, s23;
	s0 =	sshrl.u32 s0, $0x2;
	p2 =	sgt.s32 @!p1 s25, $0x0  }
0x8c: {  	s22 =	sor.u32 $0x10728, s0;
	s0 =	smov.u32 s25;
	p2 =	por !p2, p1  }
0x8d: {  	s0 =	simm.s32 @p2 $0x0;
	p2 =	seq.s32 s26, $0x0  }
.Ltmp8:
0x8e: {  	_ = 	snop;
	(pc) =	sbr.rel @p2 .LBB2_11-.Ltmp8, $4  }
0x8f: {  	_ = 	snop  }
0x90: {  	s24 =	simm.s32 $0x0;
	s28 =	sadd.s32 $0x1, s20;
	s0 =	smin.u32 @!p1 s0, $0x270F0  }
0x91: {  	s30 =	simm.s32 @!p1 $0x1;
	s31 =	simm.s32 @!p1 $0x7988;
	s2 =	sand.u32 @!p1 $0x3FFF8, s0  }
0x92: {  	s30 =	smov.u32 @p1 s24;
	s0 =	sand.u32 @!p1 $0x7, s0;
	s2 =	sadd.s32 @!p1 s1, s2  }
.LBB2_10:
0x93: {  	s8 =	smov.u32 s30  }
0x94: {  	[tilespmem:s31], [sflag:$0x2] =	stream.linear.gather @!p1 [hbm4b:s2+s0], $0x80, $0x38;
	[tilespmem:$0x1F6E8] =	vst v63  }
0x95: {  	s26 =	sadd.s32 $0x1, s26;
	s0 =	smov.u32 s29;
	v1 =	vld.msk [tilespmem:s28+$0x0], $0x1  }
0x96: {  	p2 =	seq.s32 s26, $0x0;
	_ =	sdelay $0x3  }
0x97: {  	(v2sf) =	vpush v1, $0x0;
	_ =	sdelay $0xe  }
0x98: {  	s29 =	spop (v2sf)  }
0x99: {  	p1 =	seq.s32 s0, s29  }
0x9a: {  	p3 =	sgt.s32 @!p1 s0, $0x0;
	s2 =	sshll.u32 @!p1 s30, $0x9;
	s30 =	sadd.s32 @!p1 $0x1, s30  }
.Ltmp9:
0x9b: {  	p3 =	por !p3, p1;
	s2 =	sshra.s32 @!p1 s2, $0x2;
	(pc) =	sbr.rel @!p2 .LBB2_10-.Ltmp9, $4  }
0x9c: {  	s30 =	smov.u32 @p1 s8;
	s0 =	simm.s32 @p3 $0x0;
	s31 =	sadd.s32 @!p1 $0x7988, s2  }
0x9d: {  	s0 =	smin.u32 @!p1 s0, $0x270F0  }
0x9e: {  	s2 =	sand.u32 @!p1 $0x3FFF8, s0;
	s0 =	sand.u32 @!p1 $0x7, s0  }
0x9f: {  	s28 =	sadd.s32 $0x1, s28;
	s2 =	sadd.s32 @!p1 s1, s2  }
.LBB2_11:
0xa0: {  	[tilespmem:s31], [sflag:$0x2] =	stream.linear.gather @!p1 [hbm4b:s2+s0], $0x80, $0x38;
	[tilespmem:$0x1F6E8] =	vst v63  }
.Ltmp10:
0xa1: {  	s30 =	sshll.u32 s30, $0x7;
	(pc) =	sbr.rel .LBB2_12-.Ltmp10, $4  }
0xa2: {  	s31 =	simm.s32 $0x2;
	s0 =	sand.u32 $0x3FFFFF80, s30  }
0xa3: {  	_ =	swait.ge [sflag:s31], s0  }
0xa4: {  	s0 =	ssub.s32 $0x0, s0;
	[sflag:s31] =	ssyncset.done $0x0  }
0xa5: {  	s28 =	simm.s32 $0x0;
	[sflag:s31] =	ssyncadd.s32 s0  }
.LBB2_13:
0xa6: {  	v1 =	vld [tilespmem:s22+$0xFFFFFFC0];
	_ =	sdelay $0x3  }
0xa7: {  	s0 =	sshra.s32 s0, $0x2  }
0xa8: {  	[tilespmem:s0+$0x108] =	vst.add.f32.msk $0xffff, v1  }
0xa9: {  	v1 =	vld [tilespmem:s22+$0xFFFFFFD0];
	_ =	sdelay $0x4  }
0xaa: {  	[tilespmem:s0+$0x118] =	vst.add.f32.msk $0xffff, v1  }
0xab: {  	v1 =	vld [tilespmem:s22+$0xFFFFFFE0];
	_ =	sdelay $0x4  }
0xac: {  	[tilespmem:s0+$0x128] =	vst.add.f32.msk $0xffff, v1  }
0xad: {  	v1 =	vld [tilespmem:s22+$0xFFFFFFF0];
	_ =	sdelay $0x4  }
0xae: {  	[tilespmem:s0+$0x138] =	vst.add.f32.msk $0xffff, v1  }
0xaf: {  	v1 =	vld [tilespmem:s22+$0x0];
	_ =	sdelay $0x4  }
0xb0: {  	[tilespmem:s0+$0x148] =	vst.add.f32.msk $0xffff, v1  }
0xb1: {  	v1 =	vld [tilespmem:s22+$0x10];
	_ =	sdelay $0x4  }
0xb2: {  	[tilespmem:s0+$0x158] =	vst.add.f32.msk $0xffff, v1  }
0xb3: {  	v1 =	vld [tilespmem:s22+$0x20];
	_ =	sdelay $0x4  }
0xb4: {  	[tilespmem:s0+$0x168] =	vst.add.f32.msk $0xffff, v1  }
0xb5: {  	v1 =	vld [tilespmem:s22+$0x30];
	_ =	sdelay $0x4  }
0xb6: {  	[tilespmem:s0+$0x178] =	vst.add.f32.msk $0xffff, v1  }
.LBB2_17:
0xb7: {  	s23 =	sadd.s32 $0x1, s23  }
0xb8: {  	p1 =	seq.s32 s23, $0x0  }
.Ltmp11:
0xb9: {  	_ = 	snop;
	(pc) =	sbr.rel @p1 .LBB2_18-.Ltmp11, $2  }
0xba: {  	_ =	sdelay $0x2  }
0xbb: {  	s20 =	sadd.s32 $0x1, s20;
	s22 =	sadd.s32 $0x80, s22;
	s25 =	smov.u32 s26  }
.LBB2_12:
0xbc: {  	v1 =	vld.msk [tilespmem:s20+$0x0], $0x1;
	_ =	sdelay $0x4  }
0xbd: {  	(v2sf) =	vpush v1, $0x0;
	_ =	sdelay $0xe  }
0xbe: {  	s26 =	spop (v2sf)  }
0xbf: {  	p1 =	sne.s32 s25, s26  }
.Ltmp12:
0xc0: {  	_ = 	snop;
	(pc) =	sbr.rel @!p1 .LBB2_13-.Ltmp12, $2  }
0xc1: {  	_ =	sdelay $0x2  }
0xc2: {  	s0 =	sshll.u32 s19, $0x9  }
0xc3: {  	p1 =	seq.s32 s25, s21  }
.Ltmp13:
0xc4: {  	_ = 	snop;
	(pc) =	sbr.rel @!p1 .LBB2_15-.Ltmp13, $1  }
0xc5: {  	_ =	sdelay $0x3  }
0xc6: {  	s0 =	sshra.s32 s0, $0x2  }
.Ltmp14:
0xc7: {  	s0 =	sadd.s32 $0x108, s0;
	(pc) =	sbr.rel .LBB2_16-.Ltmp14, $4  }
0xc8: {  	[spmem:s13] =	stream.linear.scatter [tilespmem:s0], [sflag:$0x1], $0x80, $0x38;
	[tilespmem:$0x1F6E8] =	vst v63  }
0xc9: {  	_ =	swait.ge [sflag:s11], $0x80  }
0xca: {  	[sflag:s11] =	ssyncset.done $0x0  }
0xcb: {  	[sflag:s11] =	ssyncadd.s32 $0xFFFFFF80  }
.LBB2_15:
0xcc: {  	s2 =	sshll.u32 s24, $0x9  }
0xcd: {  	s2 =	sshra.s32 s2, $0x2  }
0xce: {  	v1 =	vld [tilespmem:s2+$0x7988];
	_ =	sdelay $0x3  }
0xcf: {  	s0 =	sshra.s32 s0, $0x2  }
0xd0: {  	[tilespmem:s0+$0x108] =	vst.add.f32.msk $0xffff, v1  }
0xd1: {  	v1 =	vld [tilespmem:s2+$0x7998];
	_ =	sdelay $0x4  }
0xd2: {  	[tilespmem:s0+$0x118] =	vst.add.f32.msk $0xffff, v1  }
0xd3: {  	v1 =	vld [tilespmem:s2+$0x79A8];
	_ =	sdelay $0x4  }
0xd4: {  	[tilespmem:s0+$0x128] =	vst.add.f32.msk $0xffff, v1  }
0xd5: {  	v1 =	vld [tilespmem:s2+$0x79B8];
	_ =	sdelay $0x4  }
0xd6: {  	[tilespmem:s0+$0x138] =	vst.add.f32.msk $0xffff, v1  }
0xd7: {  	v1 =	vld [tilespmem:s2+$0x79C8];
	_ =	sdelay $0x4  }
0xd8: {  	[tilespmem:s0+$0x148] =	vst.add.f32.msk $0xffff, v1  }
0xd9: {  	v1 =	vld [tilespmem:s2+$0x79D8];
	_ =	sdelay $0x4  }
0xda: {  	[tilespmem:s0+$0x158] =	vst.add.f32.msk $0xffff, v1  }
0xdb: {  	v1 =	vld [tilespmem:s2+$0x79E8];
	_ =	sdelay $0x4  }
0xdc: {  	[tilespmem:s0+$0x168] =	vst.add.f32.msk $0xffff, v1  }
0xdd: {  	v1 =	vld [tilespmem:s2+$0x79F8];
	_ =	sdelay $0x2  }
0xde: {  	p1 =	sgt.u32 s25, $0x270F0  }
0xdf: {  	s2 =	sand.u32 @!p1 $0x3FFF8, s25  }
0xe0: {  	s8 =	sadd.s32 $0x108, s0;
	[tilespmem:s0+$0x178] =	vst.add.f32.msk $0xffff, v1;
	s0 =	sadd.s32 @!p1 s1, s2;
	s2 =	sand.u32 @!p1 $0x7, s25  }
0xe1: {  	[hbm4b:s0+s2] =	stream.linear.scatter @!p1 [tilespmem:s8], [sflag:$0xA], $0x80, $0x38;
	[tilespmem:$0x1F6E8] =	vst v63  }
0xe2: {  	s0 =	simm.s32 $0x0  }
0xe3: {  	s0 =	simm.s32 @!p1 $0x200  }
0xe4: {  	s28 =	sadd.s32 s0, s28  }
.LBB2_16:
0xe5: {  	s0 =	sadd.s32 $0x1, s19  }
0xe6: {  	s2 =	smulhi.u32 $0x88888889, s0;
	_ =	sdelay $0x1  }
0xe7: {  	v1 =	vld [tilespmem:s22+$0xFFFFFFC0];
	s2 =	sshrl.u32 s2, $0x7  }
0xe8: {  	s2 =	smul.u32 $0xF0, s2;
	_ =	sdelay $0x1  }
0xe9: {  	s19 =	ssub.s32 s0, s2  }
0xea: {  	s0 =	sshll.u32 s19, $0x7  }
0xeb: {  	[tilespmem:s0+$0x108] =	vst v1  }
0xec: {  	v1 =	vld [tilespmem:s22+$0xFFFFFFD0];
	_ =	sdelay $0x4  }
0xed: {  	[tilespmem:s0+$0x118] =	vst v1  }
0xee: {  	v1 =	vld [tilespmem:s22+$0xFFFFFFE0];
	_ =	sdelay $0x4  }
0xef: {  	[tilespmem:s0+$0x128] =	vst v1  }
0xf0: {  	v1 =	vld [tilespmem:s22+$0xFFFFFFF0];
	_ =	sdelay $0x4  }
0xf1: {  	[tilespmem:s0+$0x138] =	vst v1  }
0xf2: {  	v1 =	vld [tilespmem:s22+$0x0];
	_ =	sdelay $0x4  }
0xf3: {  	[tilespmem:s0+$0x148] =	vst v1  }
0xf4: {  	v1 =	vld [tilespmem:s22+$0x10];
	_ =	sdelay $0x4  }
0xf5: {  	[tilespmem:s0+$0x158] =	vst v1  }
0xf6: {  	v1 =	vld [tilespmem:s22+$0x20];
	_ =	sdelay $0x4  }
0xf7: {  	[tilespmem:s0+$0x168] =	vst v1  }
0xf8: {  	v1 =	vld [tilespmem:s22+$0x30]  }
.Ltmp15:
0xf9: {  	_ = 	snop;
	(pc) =	sbr.rel .LBB2_17-.Ltmp15, $2  }
0xfa: {  	_ =	sdelay $0x2  }
0xfb: {  	s24 =	sadd.s32 $0x1, s24;
	[tilespmem:s0+$0x178] =	vst v1  }
.LBB2_19:
.Ltmp16:
0xfc: {  	(pc) =	sbr.rel .LBB2_20-.Ltmp16, $4  }
0xfd: {  	_ = 	snop  }
0xfe: {  	s0 =	simm.s32 $0x2  }
0xff: {  	_ =	swait.ge [sflag:s0], $0x0  }
0x100: {  	s26 =	smov.u32 s25;
	[sflag:s0] =	ssyncset.done $0x0;
	s0 =	simm.s32 $0x0  }
.LBB2_22:
0x101: {  	_ =	sfence.sel $0x180000  }
0x102: {  	s0 =	simm.s32 $0x7;
	[bflag:$0x0] =	sbarrier.arrive $0xFFFF  }
0x103: {  	s25 =	simm.s32 $0x8;
	[sflag:s0] =	ssyncpa.u1 $0x1  }
0x104: {  	s26 =	simm.s32 $0x9;
	[sflag:s25] =	ssyncpa.u1 $0x1  }
0x105: {  	s28 =	simm.s32 $0x2;
	[sflag:s26] =	ssyncpa.u1 $0x1  }
0x106: {  	[sflag:s28] =	ssyncpa.u1 $0x1  }
0x107: {  	v0 =	vld [tilespmem:$0xF208];
	_ =	sdelay $0x4  }
0x108: {  	(v2sf) =	vpush v0, $0x0  }
0x109: {  	(v2sf) =	vpush v0, $0x1;
	_ =	sdelay $0x1  }
0x10a: {  	(v2sf) =	vpush v0, $0x2;
	_ =	sdelay $0xb  }
0x10b: {  	s0 =	spop (v2sf)  }
0x10c: {  	s2 =	spop (v2sf)  }
0x10d: {  	s3 =	smov.u32 s0;
	p0 =	sne.s32 s0, s2  }
0x10e: {  	s4 =	spop (v2sf);
	s3 =	simm.s32 @!p0 $0xFFFFFFFF  }
0x10f: {  	v2 =	vimm.s32 $0x1;
	v3 =	vlaneseq.u32;
	p0 =	seq.s32 s4, $0xFFFFFFFF;
	v1 =	vmov s3  }
0x110: {  	s7 =	stileid.u32;
	v0 =	vperm.xlane v0, v2;
	p1 =	sne.s32 @!p0 s0, s2;
	v1 =	vperm.xlane v1, v3  }
0x111: {  	vm0 =	vcmask $0x3F04;
	s6 =	simm.s32 $0xF208;
	s0 =	simm.s32 @!p0 $0x1;
	p1 =	por !p1, p0  }
0x112: {  	s3 =	sshll.u32 s7, $0x1;
	s2 =	sshll.u32 @!p0 s4, $0x9;
	s0 =	simm.s32 @p1 $0x0;
	v0 =	vsel vm0, v1, v0  }
0x113: {  	s5 =	sor.u32 $0x1000, s3;
	s2 =	sshra.s32 @!p0 s2, $0x2;
	s0 =	sor.u32 @!p0 s0, s3;
	[tilespmem:$0xF208] =	vst v0  }
0x114: {  	[spmem:s5] =	stream.linear.scatter [tilespmem:s6], [sflag:$0x1], $0x2, $0x38;
	[tilespmem:$0x1F6E8] =	vst v63  }
0x115: {  	s2 =	sadd.s32 @!p0 $0x108, s2;
	s0 =	sshll.u32 @!p0 s0, $0x7  }
0x116: {  	[spmem:s0] =	stream.linear.scatter @!p0 [tilespmem:s2], [sflag:$0x1], $0x80, $0x38;
	[tilespmem:$0x1F6E8] =	vst v63  }
0x117: {  	s0 =	simm.s32 @!p0 $0x82  }
0x118: {  	s3 =	simm.s32 $0x1;
	s0 =	simm.s32 @p0 $0x2  }
0x119: {  	_ =	swait.ge [sflag:s3], s0  }
0x11a: {  	s0 =	ssub.s32 $0x0, s0;
	[sflag:s3] =	ssyncset.done $0x0  }
0x11b: {  	[sflag:s3] =	ssyncadd.s32 s0  }
0x11c: {  	_ =	sfence.stream.spmem  }
0x11d: {  	s29 =	simm.s32 $0x3;
	[bflag:$0x0] =	sbarrier.arrive $0xFFFF  }
0x11e: {  	s30 =	simm.s32 $0x4;
	[sflag:s29] =	ssyncpa.u1 $0x1  }
0x11f: {  	s31 =	simm.s32 $0x3C;
	[sflag:s30] =	ssyncpa.u1 $0x1  }
0x120: {  	p0 =	sne.s32 s7, $0x0;
	[sflag:s31] =	ssyncpa.u1 $0x1  }
0x121: {  	_ =	sfence @p0  }
0x122: {  	[sflag:s3] =	ssyncpa.u1 @p0 $0x1  }
0x123: {  	_ =	strace @p0 $0x9000004A  }
0x124: {  	[bflag:$0x2] =	sbarrier.arrive @p0 $0xFFFF  }
0x125: {  	_ =	shalt @p0  }
.LBB2_23:
0x126: {  	_ =	sfence.stream.spmem;
	s0 =	simm.s32 $0x5  }
0x127: {  	s2 =	simm.s32 $0x1000;
	s3 =	simm.s32 $0xF218;
	[sflag:s0] =	ssyncpa.u1 $0x0  }
0x128: {  	[tilespmem:s3], [sflag:$0x5] =	stream.linear.gather [spmem:s2], $0x20, $0x38;
	[tilespmem:$0x1F6E8] =	vst v63  }
0x129: {  	s30 =	simm.s32 $0xF238;
	s2 =	simm.s32 $0x0  }
0x12a: {  	[tilespmem:s30], [sflag:$0x5] =	stream.linear.gather [spmem:s2], $0x1000, $0x38;
	[tilespmem:$0x1F6E8] =	vst v63  }
.Ltmp17:
0x12b: {  	_ = 	snop;
	(pc) =	sbr.rel .LBB2_24-.Ltmp17, $4  }
0x12c: {  	_ =	swait.ge [sflag:s0], $0x1020  }
0x12d: {  	[sflag:s0] =	ssyncset.done $0x0  }
0x12e: {  	s31 =	simm.s32 $0x6;
	[sflag:s0] =	ssyncadd.s32 $0xFFFFEFE0  }
0x12f: {  	s3 =	simm.s32 $0x0;
	[sflag:s31] =	ssyncpa.u1 $0x0  }
.LBB2_30:
0x130: {  	p0 =	slt.u32 s4, $0x270F1  }
0x131: {  	s0 =	sand.u32 @p0 $0x3FFF8, s4  }
0x132: {  	s4 =	sand.u32 @p0 $0x7, s4;
	s5 =	simm.s32 @p0 $0xF188;
	s0 =	sadd.s32 @p0 s1, s0  }
0x133: {  	[tilespmem:s5], [sflag:$0x6] =	stream.linear.gather @p0 [hbm4b:s0+s4], $0x80, $0x38;
	[tilespmem:$0x1F6E8] =	vst v63  }
0x134: {  	s0 =	simm.s32 @p0 $0x6  }
0x135: {  	_ =	swait.ge @p0 [sflag:s0], $0x80  }
0x136: {  	[sflag:s0] =	ssyncset.done @p0 $0x0  }
0x137: {  	[sflag:s0] =	ssyncadd.s32 @p0 $0xFFFFFF80  }
0x138: {  	v1 =	vld @p0 [tilespmem:$0xF188];
	_ =	sdelay $0x2  }
0x139: {  	s0 =	sshll.u32 @p0 s3, $0x9  }
0x13a: {  	s4 =	sshrl.u32 @p0 s0, $0x2  }
0x13b: {  	[tilespmem:s4+$0xF238] =	vst.add.f32.msk @p0 $0xffff, v1  }
0x13c: {  	v1 =	vld @p0 [tilespmem:$0xF198];
	_ =	sdelay $0x4  }
0x13d: {  	[tilespmem:s4+$0xF248] =	vst.add.f32.msk @p0 $0xffff, v1  }
0x13e: {  	v1 =	vld @p0 [tilespmem:$0xF1A8];
	_ =	sdelay $0x4  }
0x13f: {  	[tilespmem:s4+$0xF258] =	vst.add.f32.msk @p0 $0xffff, v1  }
0x140: {  	v1 =	vld @p0 [tilespmem:$0xF1B8];
	_ =	sdelay $0x4  }
0x141: {  	[tilespmem:s4+$0xF268] =	vst.add.f32.msk @p0 $0xffff, v1  }
0x142: {  	v1 =	vld @p0 [tilespmem:$0xF1C8];
	_ =	sdelay $0x4  }
0x143: {  	[tilespmem:s4+$0xF278] =	vst.add.f32.msk @p0 $0xffff, v1  }
0x144: {  	v1 =	vld @p0 [tilespmem:$0xF1D8];
	_ =	sdelay $0x4  }
0x145: {  	[tilespmem:s4+$0xF288] =	vst.add.f32.msk @p0 $0xffff, v1  }
0x146: {  	v1 =	vld @p0 [tilespmem:$0xF1E8];
	_ =	sdelay $0x4  }
0x147: {  	[tilespmem:s4+$0xF298] =	vst.add.f32.msk @p0 $0xffff, v1  }
0x148: {  	v1 =	vld @p0 [tilespmem:$0xF1F8];
	_ =	sdelay $0x3  }
0x149: {  	s5 =	sshll.u32 @!p0 s3, $0x9  }
0x14a: {  	s5 =	smov.u32 @p0 s0;
	[tilespmem:s4+$0xF2A8] =	vst.add.f32.msk @p0 $0xffff, v1  }
0x14b: {  	s0 =	sshrl.u32 s5, $0x2;
	[tilespmem:s2+$0xF218] =	vst.msk $0x1, v0  }
0x14c: {  	v0 =	vld [tilespmem:s0+$0xF238];
	_ =	sdelay $0x2  }
0x14d: {  	s31 =	sshll.u32 s2, $0x9  }
0x14e: {  	s4 =	sshra.s32 s31, $0x2  }
0x14f: {  	[tilespmem:s4+$0xF238] =	vst v0  }
0x150: {  	v0 =	vld [tilespmem:s0+$0xF248];
	_ =	sdelay $0x4  }
0x151: {  	[tilespmem:s4+$0xF248] =	vst v0  }
0x152: {  	v0 =	vld [tilespmem:s0+$0xF258];
	_ =	sdelay $0x4  }
0x153: {  	[tilespmem:s4+$0xF258] =	vst v0  }
0x154: {  	v0 =	vld [tilespmem:s0+$0xF268];
	_ =	sdelay $0x4  }
0x155: {  	[tilespmem:s4+$0xF268] =	vst v0  }
0x156: {  	v0 =	vld [tilespmem:s0+$0xF278];
	_ =	sdelay $0x4  }
0x157: {  	[tilespmem:s4+$0xF278] =	vst v0  }
0x158: {  	v0 =	vld [tilespmem:s0+$0xF288];
	_ =	sdelay $0x4  }
0x159: {  	[tilespmem:s4+$0xF288] =	vst v0  }
0x15a: {  	v0 =	vld [tilespmem:s0+$0xF298];
	_ =	sdelay $0x4  }
0x15b: {  	[tilespmem:s4+$0xF298] =	vst v0  }
0x15c: {  	v0 =	vld [tilespmem:s0+$0xF2A8];
	_ =	sdelay $0x4  }
0x15d: {  	s2 =	sadd.s32 $0x1, s2;
	[tilespmem:s4+$0xF2A8] =	vst v0  }
.LBB2_31:
0x15e: {  	s3 =	sadd.s32 $0x1, s3  }
0x15f: {  	p0 =	sne.s32 s3, $0x20  }
.Ltmp18:
0x160: {  	_ = 	snop;
	(pc) =	sbr.rel @!p0 .LBB2_32-.Ltmp18, $1  }
0x161: {  	_ =	sdelay $0x3  }
.LBB2_24:
0x162: {  	v0 =	vld.msk [tilespmem:s3+$0xF218], $0x1;
	_ =	sdelay $0x4  }
0x163: {  	(v2sf) =	vpush v0, $0x0;
	_ =	sdelay $0xe  }
0x164: {  	s4 =	spop (v2sf)  }
0x165: {  	p0 =	seq.s32 s4, $0xFFFFFFFF  }
.Ltmp19:
0x166: {  	_ = 	snop;
	(pc) =	sbr.rel @p0 .LBB2_31-.Ltmp19, $1  }
0x167: {  	_ =	sdelay $0x3  }
0x168: {  	p0 =	slt.s32 s2, $0x1  }
.Ltmp20:
0x169: {  	_ = 	snop;
	(pc) =	sbr.rel @p0 .LBB2_30-.Ltmp20, $1  }
0x16a: {  	_ =	sdelay $0x3  }
0x16b: {  	s5 =	simm.s32 $0xF218;
	p0 =	por $0x0, $0x0  }
0x16c: {  	v1 =	vld.msk @!p0 [tilespmem:s5+$0x0], $0x1;
	_ =	sdelay $0x4  }
0x16d: {  	(v2sf) =	vpush @!p0 v1, $0x0;
	_ =	sdelay $0xd  }
0x16e: {  	p2 =	sne.s32 s2, $0x1  }
.Ltmp21:
0x16f: {  	s0 =	spop @!p0 (v2sf);
	(pc) =	sbr.rel @!p2 .LBB2_28-.Ltmp21, $4  }
0x170: {  	p1 =	seq.s32 @!p0 s4, s0  }
0x171: {  	s6 =	simm.s32 $0x0;
	p1 =	por !p1, p0  }
0x172: {  	s0 =	simm.s32 $0xFFFFFFFF;
	s6 =	simm.s32 @p1 $0xFFFFFFFF  }
0x173: {  	s7 =	simm.s32 $0x1;
	s6 =	smov.u32 @p0 s0  }
.LBB2_27:
0x174: {  	s0 =	smov.u32 s6;
	p0 =	sne.s32 s6, $0xFFFFFFFF  }
0x175: {  	s5 =	sadd.s32 $0x1, s5;
	s6 =	smov.u32 s7;
	s7 =	sadd.s32 $0x1, s7  }
0x176: {  	p1 =	sne.s32 s2, s7;
	v1 =	vld.msk @!p0 [tilespmem:s5+$0x0], $0x1;
	_ =	sdelay $0x4  }
0x177: {  	(v2sf) =	vpush @!p0 v1, $0x0;
	_ =	sdelay $0xe  }
.Ltmp22:
0x178: {  	s8 =	spop @!p0 (v2sf);
	(pc) =	sbr.rel @p1 .LBB2_27-.Ltmp22, $4  }
0x179: {  	p2 =	seq.s32 @!p0 s4, s8  }
0x17a: {  	p2 =	por !p2, p0  }
0x17b: {  	s6 =	simm.s32 @p2 $0xFFFFFFFF  }
0x17c: {  	s6 =	smov.u32 @p0 s0  }
.LBB2_28:
0x17d: {  	p0 =	seq.s32 s6, $0xFFFFFFFF  }
.Ltmp23:
0x17e: {  	_ = 	snop;
	(pc) =	sbr.rel @p0 .LBB2_30-.Ltmp23, $1  }
0x17f: {  	_ =	sdelay $0x3  }
0x180: {  	s0 =	sshll.u32 s3, $0x7  }
0x181: {  	s0 =	sand.u32 $0x3FFFFF80, s0  }
0x182: {  	v0 =	vld [tilespmem:s0+$0xF238];
	_ =	sdelay $0x2  }
0x183: {  	s4 =	sshll.u32 s6, $0x9  }
0x184: {  	s4 =	sshra.s32 s4, $0x2  }
0x185: {  	[tilespmem:s4+$0xF238] =	vst.add.f32.msk $0xffff, v0  }
0x186: {  	v0 =	vld [tilespmem:s0+$0xF248];
	_ =	sdelay $0x4  }
0x187: {  	[tilespmem:s4+$0xF248] =	vst.add.f32.msk $0xffff, v0  }
0x188: {  	v0 =	vld [tilespmem:s0+$0xF258];
	_ =	sdelay $0x4  }
0x189: {  	[tilespmem:s4+$0xF258] =	vst.add.f32.msk $0xffff, v0  }
0x18a: {  	v0 =	vld [tilespmem:s0+$0xF268];
	_ =	sdelay $0x4  }
0x18b: {  	[tilespmem:s4+$0xF268] =	vst.add.f32.msk $0xffff, v0  }
0x18c: {  	v0 =	vld [tilespmem:s0+$0xF278];
	_ =	sdelay $0x4  }
0x18d: {  	[tilespmem:s4+$0xF278] =	vst.add.f32.msk $0xffff, v0  }
0x18e: {  	v0 =	vld [tilespmem:s0+$0xF288];
	_ =	sdelay $0x4  }
0x18f: {  	[tilespmem:s4+$0xF288] =	vst.add.f32.msk $0xffff, v0  }
0x190: {  	v0 =	vld [tilespmem:s0+$0xF298];
	_ =	sdelay $0x4  }
0x191: {  	[tilespmem:s4+$0xF298] =	vst.add.f32.msk $0xffff, v0  }
0x192: {  	v0 =	vld [tilespmem:s0+$0xF2A8]  }
.Ltmp24:
0x193: {  	_ = 	snop;
	(pc) =	sbr.rel .LBB2_31-.Ltmp24, $2  }
0x194: {  	_ =	sdelay $0x2  }
0x195: {  	[tilespmem:s4+$0xF2A8] =	vst.add.f32.msk $0xffff, v0  }
.LBB2_32:
0x196: {  	p0 =	slt.s32 s2, $0x1  }
.Ltmp25:
0x197: {  	_ = 	snop;
	(pc) =	sbr.rel @p0 .LBB2_36-.Ltmp25, $3  }
0x198: {  	_ =	sdelay $0x1  }
0x199: {  	s0 =	simm.s32 $0x6  }
0x19a: {  	s3 =	simm.s32 $0x0;
	[sflag:s0] =	ssyncpa.u1 $0x1  }
0x19b: {  	s0 =	simm.s32 $0xF218  }
0x19c: {  	v0 =	vld.msk [tilespmem:s0+$0x0], $0x1;
	_ =	sdelay $0x4  }
0x19d: {  	(v2sf) =	vpush v0, $0x0;
	_ =	sdelay $0xd  }
0x19e: {  	s2 =	sadd.s32 $0xFFFFFFFF, s2  }
0x19f: {  	p1 =	sne.s32 s2, $0x0;
	s0 =	spop (v2sf)  }
.Ltmp26:
0x1a0: {  	p0 =	sgt.u32 s0, $0x270F0;
	(pc) =	sbr.rel @!p1 .LBB2_35-.Ltmp26, $4  }
0x1a1: {  	s4 =	simm.s32 $0xF238;
	s5 =	sand.u32 @!p0 $0x3FFF8, s0  }
0x1a2: {  	s6 =	simm.s32 $0x0;
	s0 =	sand.u32 @!p0 $0x7, s0;
	s5 =	sadd.s32 @!p0 s1, s5  }
0x1a3: {  	[hbm4b:s5+s0] =	stream.linear.scatter @!p0 [tilespmem:s4], [sflag:$0x5], $0x80, $0x38;
	[tilespmem:$0x1F6E8] =	vst v63  }
0x1a4: {  	s6 =	simm.s32 @!p0 $0x200;
	s5 =	simm.s32 $0xF219  }
.LBB2_34:
0x1a5: {  	v0 =	vld.msk [tilespmem:s5+$0x0], $0x1;
	s2 =	sadd.s32 $0xFFFFFFFF, s2;
	s3 =	sadd.s32 s3, s6  }
0x1a6: {  	p0 =	sne.s32 s2, $0x0;
	_ =	sdelay $0x3  }
0x1a7: {  	(v2sf) =	vpush v0, $0x0;
	_ =	sdelay $0xe  }
.Ltmp27:
0x1a8: {  	s0 =	spop (v2sf);
	(pc) =	sbr.rel @p0 .LBB2_34-.Ltmp27, $4  }
0x1a9: {  	s6 =	simm.s32 $0x0;
	p1 =	sgt.u32 s0, $0x270F0  }
0x1aa: {  	s4 =	sadd.s32 $0x80, s4;
	s6 =	simm.s32 @!p1 $0x200;
	s7 =	sand.u32 @!p1 $0x3FFF8, s0  }
0x1ab: {  	s5 =	sadd.s32 $0x1, s5;
	s0 =	sand.u32 @!p1 $0x7, s0;
	s7 =	sadd.s32 @!p1 s1, s7  }
0x1ac: {  	[hbm4b:s7+s0] =	stream.linear.scatter @!p1 [tilespmem:s4], [sflag:$0x5], $0x80, $0x38;
	[tilespmem:$0x1F6E8] =	vst v63  }
.LBB2_35:
0x1ad: {  	s0 =	sadd.s32 s3, s6  }
0x1ae: {  	s3 =	sshrl.u32 s0, $0x2  }
.LBB2_36:
0x1af: {  	s0 =	simm.s32 $0x5  }
0x1b0: {  	_ =	swait.ge [sflag:s0], s3  }
0x1b1: {  	s1 =	ssub.s32 $0x0, s3;
	[sflag:s0] =	ssyncset.done $0x0  }
0x1b2: {  	[sflag:s0] =	ssyncadd.s32 s1  }
0x1b3: {  	[sflag:s0] =	ssyncpa.u1 $0x1  }
0x1b4: {  	s30 =	simm.s32 $0x1;
	_ =	sfence  }
0x1b5: {  	[sflag:s30] =	ssyncpa.u1 $0x1  }
0x1b6: {  	_ =	strace $0x9000004A  }
0x1b7: {  	[bflag:$0x2] =	sbarrier.arrive $0xFFFF  }
0x1b8: {  	s31 =	rddreg [dreg:$0x1]  }
0x1b9: {  	s0 =	sadd.s32 $0x100000, s31  }
0x1ba: {  	[sflag:s0] =	ssyncadd.tile.s32 $0x1;
	_ =	shalt  }
.Lfunc_end2:
_tile_overlayer_lowered:
.L_overlay_start_2:
0x1bb: {  	(tag) =	ssettag $0x2  }
0x1bc: {  	s0 =	rddreg [dreg:$0x0];
	s2 =	stileid.u32  }
0x1bd: {  	s1 =	rddreg [dreg:$0x1];
	p0 =	sne.s32 s2, $0x0  }
0x1be: {  	s3 =	rddreg [dreg:$0x2];
	[bflag:$0x3] =	sbarrier.arrive $0xFFFF;
	s2 =	simm.s32 @!p0 $0x1C01  }
0x1bf: {  	[timem:s3], [sflag:s2] =	dma.local @!p0 [hbm:s0], s1  }
0x1c0: {  	s0 =	simm.s32 @!p0 $0x1  }
0x1c1: {  	_ =	swait.ge @!p0 [sflag:s0], s1  }
0x1c2: {  	s1 =	ssub.s32 @!p0 $0x0, s1;
	[sflag:s0] =	ssyncset.done @!p0 $0x0  }
0x1c3: {  	[sflag:s0] =	ssyncadd.s32 @!p0 s1  }
0x1c4: {  	[bflag:$0x3] =	sbarrier.arrive $0xFFFF  }
0x1c5: {  	_ =	shalt  }

// kernel: scatter_offload_async_start.2
scs
__scs_entry_jumppad:
0x0: {  	(pc) =	sbr.rel $0x88, $3  }
0x1: {  	(tag) =	ssettag $0x0;
	lr =	simm.s32 $0x1  }
0x2: {  	[smem:$0x3F91] =	sst lr;
	_ =	strace $0xD0000000  }
0x3: {  	_ = 	snop  }
0x4: {  	_ = 	snop  }
0x5: {  	_ = 	snop  }
0x6: {  	_ = 	snop  }
0x7: {  	_ = 	snop  }
__scs_overlays_trampoline_lowered:
0x8: {  	[smem:$0x3FA0] =	sst s0  }
0x9: {  	[smem:$0x3FA1] =	sst s1  }
0xa: {  	[smem:$0x3FA2] =	sst s2  }
0xb: {  	[smem:$0x3FA3] =	sst s3  }
0xc: {  	[smem:$0x3FA4] =	sst s4  }
0xd: {  	[smem:$0x3FA5] =	sst s5  }
0xe: {  	[smem:$0x3FA6] =	sst s6  }
0xf: {  	[smem:$0x3FA7] =	sst s7  }
0x10: {  	[smem:$0x3FA8] =	sst s8  }
0x11: {  	[smem:$0x3FA9] =	sst s9;
	s0 =	simm.s32 @!p0 $0x0  }
0x12: {  	s1 =	sld [smem:$0x3F8F];
	s0 =	simm.s32 @p0 $0x1  }
0x13: {  	[smem:$0x3FAA] =	sst s0;
	s0 =	simm.s32 @!p1 $0x0  }
0x14: {  	s2 =	sld [smem:$0x3F8E];
	s0 =	simm.s32 @p1 $0x1  }
0x15: {  	[smem:$0x3FAB] =	sst s0;
	s0 =	simm.s32 @!p2 $0x0  }
0x16: {  	s3 =	sld [smem:$0x3FDB];
	s0 =	simm.s32 @p2 $0x1  }
0x17: {  	s4 =	simm.s32 $0x1BF5;
	[smem:$0x3FAD] =	sst s0  }
0x18: {  	s0 =	sld [smem:$0x3F90];
	_ =	swait.ge [sflag:s4], $0x0  }
0x19: {  	s7 =	sld [smem:$0x3F91]  }
0x1a: {  	s8 =	sadd.s32 $0xFFFFE003, lr  }
0x1b: {  	s9 =	sadd.s32 $0xFFFFFEF7, lr;
	s5 =	simm.s32 $0xFFFFFFFF;
	p2 =	slt.u32 s8, $0xFFFFF086  }
0x1c: {  	p1 =	slt.u32 s9, $0xF7A;
	s5 =	simm.s32 @!p2 $0x0  }
0x1d: {  	s5 =	simm.s32 @p1 $0x1;
	p0 =	seq.s32 s7, s2  }
0x1e: {  	s7 =	smul.u32 @!p0 $0xF7A, s2;
	p2 =	seq.s32 @!p0 s5, $0x0  }
0x1f: {  	s9 =	smul.u32 $0xF7A, s1;
	s8 =	simm.s32 @!p0 $0x1BF5;
	p2 =	por !p2, p0  }
0x20: {  	[sflag:s8] =	ssyncset.s32 @!p0 $0xFFFFF086;
	s6 =	sadd.s32 @!p0 s3, s7;
	s7 =	simm.s32 @!p0 $0x108  }
0x21: {  	s3 =	sadd.s32 s3, s9;
	s6 =	sadd.s32 @!p0 $0x88, s6;
	s7 =	simm.s32 @p2 $0x1082  }
0x22: {  	[simem:s7], [sflag:s8] =	dma.local @!p0 [hbm:s6], $0xF7A  }
0x23: {  	s9 =	sor.u32 $0xD0000000, s2;
	s6 =	simm.s32 $0x108;
	_ =	swait.ge @!p0 [sflag:s8], $0x0  }
0x24: {  	s3 =	sadd.s32 $0x88, s3;
	s6 =	simm.s32 @!p1 $0x1082;
	[sflag:s4] =	ssyncset.s32 $0xFFFFF086  }
0x25: {  	[simem:s6], [sflag:s4] =	dma.local [hbm:s3], $0xF7A  }
0x26: {  	[smem:$0x3F91] =	sst s1;
	(tag) =	ssettag s2;
	_ =	strace s9  }
0x27: {  	s1 =	sld [smem:$0x3FA1]  }
0x28: {  	s2 =	sld [smem:$0x3FA2]  }
0x29: {  	s4 =	sld [smem:$0x3FA4]  }
0x2a: {  	p0 =	seq.s32 s5, $0x0;
	s5 =	sld [smem:$0x3FA5]  }
0x2b: {  	s6 =	sld [smem:$0x3FA6]  }
0x2c: {  	s7 =	sld [smem:$0x3FA7]  }
0x2d: {  	s3 =	simm.s32 $0x108;
	s8 =	sld [smem:$0x3FA8]  }
0x2e: {  	s3 =	simm.s32 @!p0 $0x1082;
	s9 =	sld [smem:$0x3FA9]  }
0x2f: {  	lr =	sadd.s32 s0, s3;
	s0 =	sld [smem:$0x3FA0]  }
0x30: {  	s3 =	sld [smem:$0x3FA3]  }
0x31: {  	[smem:$0x3FAC] =	sst s10  }
0x32: {  	s10 =	sld [smem:$0x3FAA];
	_ =	sdelay $0x3  }
0x33: {  	p0 =	seq.s32 s10, $0x1;
	s10 =	sld [smem:$0x3FAC];
	_ =	sdelay $0x3  }
0x34: {  	[smem:$0x3FAC] =	sst s10  }
0x35: {  	s10 =	sld [smem:$0x3FAB];
	_ =	sdelay $0x3  }
0x36: {  	p1 =	seq.s32 s10, $0x1;
	s10 =	sld [smem:$0x3FAC];
	_ =	sdelay $0x3  }
0x37: {  	[smem:$0x3FAC] =	sst s10  }
0x38: {  	s10 =	sld [smem:$0x3FAD]  }
0x39: {  	_ = 	snop;
	(pc) =	sbr.ind lr, $3  }
0x3a: {  	_ = 	snop  }
0x3b: {  	_ = 	snop  }
0x3c: {  	p2 =	seq.s32 s10, $0x1;
	s10 =	sld [smem:$0x3FAC]  }
0x3d: {  	_ =	shalt  }
0x3e: {  	_ =	shalt  }
0x3f: {  	_ =	shalt  }
0x40: {  	_ =	shalt  }
0x41: {  	_ =	shalt  }
0x42: {  	_ =	shalt  }
0x43: {  	_ =	shalt  }
0x44: {  	_ =	shalt  }
0x45: {  	_ =	shalt  }
0x46: {  	_ =	shalt  }
0x47: {  	_ =	shalt  }
0x48: {  	_ =	shalt  }
0x49: {  	_ =	shalt  }
0x4a: {  	_ =	shalt  }
0x4b: {  	_ =	shalt  }
0x4c: {  	_ =	shalt  }
0x4d: {  	_ =	shalt  }
0x4e: {  	_ =	shalt  }
0x4f: {  	_ =	shalt  }
0x50: {  	_ =	shalt  }
0x51: {  	_ =	shalt  }
0x52: {  	_ =	shalt  }
0x53: {  	_ =	shalt  }
0x54: {  	_ =	shalt  }
0x55: {  	_ =	shalt  }
0x56: {  	_ =	shalt  }
0x57: {  	_ =	shalt  }
0x58: {  	_ =	shalt  }
0x59: {  	_ =	shalt  }
0x5a: {  	_ =	shalt  }
0x5b: {  	_ =	shalt  }
0x5c: {  	_ =	shalt  }
0x5d: {  	_ =	shalt  }
0x5e: {  	_ =	shalt  }
0x5f: {  	_ =	shalt  }
0x60: {  	_ =	shalt  }
0x61: {  	_ =	shalt  }
0x62: {  	_ =	shalt  }
0x63: {  	_ =	shalt  }
0x64: {  	_ =	shalt  }
0x65: {  	_ =	shalt  }
0x66: {  	_ =	shalt  }
0x67: {  	_ =	shalt  }
0x68: {  	_ =	shalt  }
0x69: {  	_ =	shalt  }
0x6a: {  	_ =	shalt  }
0x6b: {  	_ =	shalt  }
0x6c: {  	_ =	shalt  }
0x6d: {  	_ =	shalt  }
0x6e: {  	_ =	shalt  }
0x6f: {  	_ =	shalt  }
0x70: {  	_ =	shalt  }
0x71: {  	_ =	shalt  }
0x72: {  	_ =	shalt  }
0x73: {  	_ =	shalt  }
0x74: {  	_ =	shalt  }
0x75: {  	_ =	shalt  }
0x76: {  	_ =	shalt  }
0x77: {  	_ =	shalt  }
0x78: {  	_ =	shalt  }
0x79: {  	_ =	shalt  }
0x7a: {  	_ =	shalt  }
0x7b: {  	_ =	shalt  }
0x7c: {  	_ =	shalt  }
0x7d: {  	_ =	shalt  }
0x7e: {  	_ =	shalt  }
0x7f: {  	_ =	shalt  }
0x80: {  	_ =	shalt  }
0x81: {  	_ =	shalt  }
0x82: {  	_ =	shalt  }
0x83: {  	_ =	shalt  }
0x84: {  	_ =	shalt  }
0x85: {  	_ =	shalt  }
0x86: {  	_ =	shalt  }
0x87: {  	_ =	shalt  }
.Lfunc_end0:
.L_simem_size_0:
called_computation.2_lowered:
.L_overlay_start_0:
0x88: {  	s0 =	sld [smem:$0x3FD9]  }
0x89: {  	s1 =	sld [smem:$0x3FFE];
	_ =	sdelay $0x3  }
0x8a: {  	s0 =	sadd.s32 s1, s0  }
0x8b: {  	[smem:$0x3FB8] =	sst s0  }
0x8c: {  	_ = 	snop  }
0x8d: {  	(tm) =	ssettm $0x1  }
0x8e: {  	s15 =	sld [smem:$0x3FFB];
	_ =	sdelay $0x3  }
0x8f: {  	_ =	strace s15  }
0x90: {  	s0 =	sld [smem:$0x3FFC];
	_ =	sdelay $0x3  }
0x91: {  	_ =	strace s0  }
0x92: {  	s0 =	sld [smem:$0x3FFD];
	_ =	sdelay $0x3  }
0x93: {  	_ =	strace s0  }
0x94: {  	_ =	strace $0x8FFFFFFF  }
0x95: {  	s16 =	sld [smem:$0x3FDB];
	_ =	sdelay $0x1  }
0x96: {  	s17 =	simm.s32 $_scs_section_size  }
0x97: {  	s2 =	simm.s32 $_size__tile_overlayer_lowered;
	s3 =	simm.s32 $_tile_overlayer_lowered  }
0x98: {  	s20 =	simm.s32 $0x1BFF;
	s19 =	sshll.u32 s3, $0x1;
	s0 =	sadd.s32 s17, s16  }
0x99: {  	s4 =	simm.s32 $0x0;
	s18 =	sshll.u32 s2, $0x1;
	s2 =	sadd.s32 s19, s0  }
0x9a: {  	[timem:s4], [sflag:s20] =	dma.local [hbm:s2], s18  }
0x9b: {  	_ =	swait.ge [sflag:s20], s18  }
0x9c: {  	s1 =	ssub.s32 $0x0, s18;
	[sflag:s20] =	ssyncset.done $0x0  }
0x9d: {  	[sflag:s20] =	ssyncadd.s32 s1;
	_ =	sdelay $0x1  }
0x9e: {  	s21 =	simm.s32 $0x1B8B  }
0x9f: {  	_ =	swait.ge [sflag:s21], $0x1  }
0xa0: {  	[sflag:s21] =	ssyncset.done $0x0  }
0xa1: {  	s23 =	simm.s32 $0x1B8E;
	s22 =	sld [smem:$0x3FFE];
	[sflag:s21] =	ssyncadd.s32 $0xFFFFFFFF  }
0xa2: {  	s24 =	simm.s32 $execute0_lowered;
	[smem:$0x3FD2] =	sst s23  }
0xa3: {  	s2 =	sshll.u32 s24, $0x1;
	_ =	strace $0x8000004C;
	[dreg:$0x1] =	wrdreg $0xFFFFFFFF  }
0xa4: {  	s25 =	simm.s32 $_size_execute0_lowered;
	s0 =	sadd.s32 s0, s2;
	[dreg:$0x0] =	wrdreg $0x0  }
0xa5: {  	s2 =	sshll.u32 s25, $0x1;
	[dreg:$0x2] =	wrdreg s0  }
0xa6: {  	[dreg:$0x3] =	wrdreg s2  }
0xa7: {  	[dreg:$0x4] =	wrdreg $0xC0  }
0xa8: {  	_ =	task [dreg:s4], $0x5FFFF  }
0xa9: {  	[dreg:$0x1] =	wrdreg $0xFFFFFFFF  }
0xaa: {  	[dreg:$0x0] =	wrdreg $0x60  }
0xab: {  	[dreg:$0x2] =	wrdreg s22  }
0xac: {  	[dreg:$0x3] =	wrdreg $0x9  }
0xad: {  	_ =	task.clear_ibuf [dreg:s4], $0x4FFFF;
	_ =	strace $0x9000004C  }
0xae: {  	s26 =	simm.s32 $0x9;
	_ =	strace $0x8000004E  }
0xaf: {  	_ =	swait.ge [sflag:s26], $0x1  }
0xb0: {  	[sflag:s26] =	ssyncadd.s32 $0xFFFFFFFF  }
0xb1: {  	_ =	strace $0x9000004E  }
0xb2: {  	_ =	sfence  }
0xb3: {  	s28 =	sld [smem:$0x0];
	_ =	sdelay $0x1  }
0xb4: {  	s29 =	srdreg.scid  }
0xb5: {  	s30 =	sshll.u32 s29, $0xD;
	s31 =	sshrl.u32 s29, $0x2  }
0xb6: {  	s1 =	sand.u32 $0x1, s29;
	s2 =	sand.u32 $0x4000, s30;
	s0 =	sadd.s32 s31, s28  }
0xb7: {  	s1 =	sor.u32 s2, s1;
	s0 =	sshll.u32 s0, $0x11  }
0xb8: {  	s0 =	sor.u32 s0, s1  }
0xb9: {  	s0 =	sadd.s32 $0x8F2B, s0  }
0xba: {  	[sflag:s0] =	ssyncadd.remote.s32 $0x1  }
0xbb: {  	_ =	sfence.sel $0xFFFF  }
0xbc: {  	[dreg:$0x0] =	wrdreg $0xFFFFFFFF;
	(pc) =	sbr.abs _section_cstart, $3  }
0xbd: {  	[dreg:$0x1] =	wrdreg $0xFFFFFFFF  }
0xbe: {  	_ =	task.clear_ibuf [dreg:s4], $0x2FFFF;
	_ =	strace $0x9FFFFFFF  }
0xbf: {  	(tm) =	ssettm $0x7FFFFFFF  }
tec
execute0_lowered:
.L_overlay_start_1:
0x0: {  	(tag) =	ssettag $0x1  }
0x1: {  	s0 =	rddreg [dreg:$0x0];
	_ =	strace $0x8000004D;
	s1 =	simm.s32 $0x1  }
0x2: {  	s8 =	simm.s32 $0x108;
	v0 =	vimm.s32 $0x0;
	[sflag:s1] =	ssyncpa.u1 $0x0  }
0x3: {  	[tilespmem:s8+$0x70] =	vst v0  }
0x4: {  	[tilespmem:s8+$0x60] =	vst v0  }
0x5: {  	[tilespmem:s8+$0x50] =	vst v0  }
0x6: {  	[tilespmem:s8+$0x40] =	vst v0  }
0x7: {  	[tilespmem:s8+$0x30] =	vst v0  }
0x8: {  	s2 =	simm.s32 $0x40;
	s1 =	sadd.s32 $0x551200, s0;
	[tilespmem:s8+$0x20] =	vst v0  }
0x9: {  	s3 =	sadd.s32 $0x53CE00, s0;
	s4 =	sadd.s32 $0x15000, s0;
	s5 =	sadd.s32 $0x547000, s0;
	[tilespmem:s8+$0x10] =	vst v0  }
.LBB2_1:
0xa: {  	s2 =	sadd.s32 $0x40, s2;
	[tilespmem:s8+$0x0] =	vst v0;
	s8 =	sadd.s32 $0x80, s8  }
0xb: {  	p0 =	slt.u32 s2, $0x3C40;
	[tilespmem:s8+$0x70] =	vst v0  }
0xc: {  	[tilespmem:s8+$0x60] =	vst v0  }
.Ltmp0:
0xd: {  	[tilespmem:s8+$0x50] =	vst v0;
	(pc) =	sbr.rel @p0 .LBB2_1-.Ltmp0, $4  }
0xe: {  	[tilespmem:s8+$0x40] =	vst v0  }
0xf: {  	[tilespmem:s8+$0x30] =	vst v0  }
0x10: {  	[tilespmem:s8+$0x20] =	vst v0  }
0x11: {  	[tilespmem:s8+$0x10] =	vst v0  }
0x12: {  	s13 =	stileid.u32  }
0x13: {  	s0 =	simm.s32 $0x4FB0;
	s6 =	smul.u32 $0x50A0, s13;
	p0 =	seq.s32 s13, $0xF  }
0x14: {  	s0 =	simm.s32 @!p0 $0x50A0  }
0x15: {  	s0 =	sadd.s32 s6, s0  }
0x16: {  	s7 =	smin.u32 s0, $0x50910  }
0x17: {  	s0 =	ssub.s32 s7, s6  }
0x18: {  	p0 =	sgt.s32 s0, $0x0  }
0x19: {  	s0 =	simm.s32 @!p0 $0x0  }
0x1a: {  	s2 =	simm.s32 $0x2;
	s9 =	simm.s32 $0x7;
	s31 =	smulhi.u32 $0x1111112, s0  }
0x1b: {  	s10 =	simm.s32 $0x8;
	s19 =	simm.s32 $0x0;
	s15 =	simm.s32 $0xA  }
0x1c: {  	s17 =	simm.s32 $0x0;
	s18 =	simm.s32 $0x0;
	s11 =	smul.u32 $0xF0, s31  }
.Ltmp1:
0x1d: {  	[tilespmem:s8+$0x0] =	vst v0;
	v0 =	vimm.s32 $0xFFFFFFFF;
	[sflag:s2] =	ssyncpa.u1 $0x0;
	s13 =	sshll.u32 s13, $0x8;
	(pc) =	sbr.rel .LBB2_3-.Ltmp1, $4  }
0x1e: {  	[tilespmem:$0xF208] =	vst v0;
	[sflag:s9] =	ssyncpa.u1 $0x0;
	p0 =	sne.s32 s0, s11;
	s0 =	simm.s32 $0x1  }
0x1f: {  	[sflag:s10] =	ssyncpa.u1 $0x0;
	s10 =	simm.s32 $0x9;
	s0 =	simm.s32 @!p0 $0x0  }
0x20: {  	s16 =	smov.u32 s6;
	[sflag:s10] =	ssyncpa.u1 $0x0;
	s12 =	sadd.s32 s0, s31  }
0x21: {  	v0 =	vlaneseq.u32;
	s11 =	simm.s32 $0x1;
	p0 =	por $0x0, $0x0;
	s14 =	sadd.s32 $0x1, s12  }
.LBB2_18:
0x22: {  	s0 =	sshrl.u32 s28, $0x2  }
.LBB2_20:
0x23: {  	_ =	swait.ge [sflag:s15], s0  }
0x24: {  	s31 =	ssub.s32 $0x0, s0;
	v1 =	vmov s21;
	vm0 =	veq.s32 v0, $0x0;
	[sflag:s15] =	ssyncset.done $0x0  }
0x25: {  	vm15 =	veq.s32 v0, $0x2;
	v1 =	vsel vm0, s26, v1;
	[sflag:s15] =	ssyncadd.s32 s31  }
0x26: {  	v1 =	vsel vm15, s19, v1;
	[sflag:s15] =	ssyncpa.u1 $0x1  }
0x27: {  	[tilespmem:$0xF208] =	vst v1  }
.LBB2_21:
0x28: {  	s0 =	sadd.s32 $0xF0, s16  }
0x29: {  	s2 =	smov.u32 s6;
	p1 =	slt.s32 s0, s7  }
0x2a: {  	s2 =	smov.u32 @p1 s0;
	p1 =	sne.s32 s18, s14  }
.Ltmp2:
0x2b: {  	_ = 	snop;
	(pc) =	sbr.rel @!p1 .LBB2_22-.Ltmp2, $3  }
0x2c: {  	_ =	sdelay $0x1  }
0x2d: {  	s19 =	smov.u32 s17;
	s31 =	sadd.s32 $0x1, s18;
	s17 =	smov.u32 s16  }
0x2e: {  	p0 =	por !p0, !p0;
	s18 =	smov.u32 s31;
	s16 =	smov.u32 s2  }
.LBB2_3:
0x2f: {  	p1 =	sge.u32 s18, s12  }
0x30: {  	s0 =	smulhi.u32 @!p1 $0xAAAAAAAB, s18  }
0x31: {  	s2 =	smov.u32 s16;
	p2 =	sgt.s32 @!p1 s16, $0x50820  }
0x32: {  	s20 =	sshra.s32 @!p1 s16, $0x1F;
	p2 =	por !p2, p1;
	s0 =	sshrl.u32 @!p1 s0, $0x1  }
0x33: {  	s20 =	sand.u32 @!p1 s20, s16;
	s2 =	simm.s32 @p2 $0x50820;
	s0 =	smul.u32 @!p1 $0x3, s0  }
0x34: {  	s2 =	ssub.s32 @!p1 s2, s20  }
0x35: {  	s2 =	sadd.s32 @!p1 $0xFFFAF7E0, s2;
	s0 =	ssub.s32 @!p1 s18, s0  }
0x36: {  	s20 =	sshll.u32 @!p1 s2, $0x2;
	p2 =	sgt.s32 @!p1 s2, $0xEF;
	s0 =	smul.u32 @!p1 $0x3C0, s0  }
0x37: {  	s21 =	sand.u32 @!p1 $0x7, s16;
	s2 =	ssub.s32 @!p1 $0x3C0, s20;
	p2 =	por !p2, p1  }
0x38: {  	s20 =	sshrl.u32 @!p1 s16, $0x3;
	s2 =	sshrl.u32 @!p1 s2, $0x2;
	s0 =	sshrl.u32 @!p1 s0, $0x2  }
0x39: {  	s20 =	sadd.s32 @!p1 s5, s20;
	s2 =	simm.s32 @!p2 $0x0;
	s0 =	sadd.s32 @!p1 $0x10238, s0  }
0x3a: {  	[tilespmem:s0], [sflag:$0x8] =	stream.linear.gather @!p1 [hbm4b:s20+s21], s2, $0x38;
	[tilespmem:$0x1F6E8] =	vst v63  }
0x3b: {  	s0 =	sadd.s32 $0xFFFFFFFF, s18  }
0x3c: {  	p1 =	sge.u32 s0, s12  }
0x3d: {  	p2 =	sgt.s32 @!p1 s17, $0x50820  }
0x3e: {  	s2 =	smov.u32 s17;
	s20 =	sshra.s32 @!p1 s17, $0x1F;
	p2 =	por !p2, p1  }
0x3f: {  	s20 =	sand.u32 @!p1 s20, s17;
	s2 =	simm.s32 @p2 $0x50820  }
0x40: {  	s2 =	ssub.s32 @!p1 s2, s20  }
0x41: {  	s2 =	sadd.s32 @!p1 $0xFFFAF7E0, s2  }
0x42: {  	s21 =	smulhi.u32 @!p1 $0xAAAAAAAB, s0;
	s22 =	sand.u32 @!p1 $0x1, s0;
	s20 =	sshll.u32 @!p1 s2, $0x2  }
0x43: {  	s24 =	smul.u32 @!p1 $0x3C0, s22;
	p2 =	sgt.s32 @!p1 s2, $0xEF;
	s2 =	ssub.s32 @!p1 $0x3C0, s20  }
0x44: {  	p2 =	por !p2, p1;
	s20 =	sshrl.u32 @!p1 s21, $0x1;
	s2 =	sshrl.u32 @!p1 s2, $0x2  }
0x45: {  	s21 =	simm.s32 @!p1 $0x8;
	s20 =	smul.u32 @!p1 $0x3, s20;
	s2 =	simm.s32 @!p2 $0x0  }
0x46: {  	s22 =	smul.u32 @!p1 $0x1E000, s22;
	_ =	swait.ge @!p1 [sflag:s21], s2;
	s23 =	ssub.s32 @!p1 $0x0, s2  }
0x47: {  	s0 =	ssub.s32 @!p1 s0, s20;
	s20 =	sshrl.u32 @!p1 s17, $0x3;
	[sflag:s21] =	ssyncset.done @!p1 $0x0  }
0x48: {  	s20 =	sadd.s32 @!p1 s3, s20;
	[sflag:s21] =	ssyncadd.s32 @!p1 s23;
	s21 =	sshrl.u32 @!p1 s24, $0x2  }
0x49: {  	s0 =	smul.u32 @!p1 $0x3C0, s0;
	s23 =	sand.u32 @!p1 $0x7, s17;
	s21 =	sor.u32 @!p1 $0x10508, s21  }
0x4a: {  	[tilespmem:s21], [sflag:$0x9] =	stream.linear.gather @!p1 [hbm4b:s20+s23], s2, $0x38;
	[tilespmem:$0x1F6E8] =	vst v63  }
0x4b: {  	s0 =	sshrl.u32 @!p1 s0, $0x2;
	s2 =	sshrl.u32 @!p1 s22, $0x2  }
0x4c: {  	s0 =	sadd.s32 @!p1 $0x10238, s0;
	s20 =	simm.s32 @!p1 $0xF0;
	s2 =	sor.u32 @!p1 $0x106E8, s2  }
0x4d: {  	[tilespmem:s2], [sflag:$0x7] =	stream.indirect.gather @!p1 [hbm4b:s4+s20], $0x80, s0, s20, $0xb8;
	[tilespmem:$0x1F6E8] =	vst v63  }
0x4e: {  	p1 =	slt.u32 s18, $0x2  }
.Ltmp3:
0x4f: {  	_ = 	snop;
	(pc) =	sbr.rel @p1 .LBB2_21-.Ltmp3, $1  }
0x50: {  	_ =	sdelay $0x3  }
0x51: {  	p1 =	sgt.s32 s19, $0x50820;
	s0 =	smov.u32 s19;
	s2 =	sshra.s32 s19, $0x1F  }
0x52: {  	s0 =	simm.s32 @!p1 $0x50820;
	s2 =	sand.u32 s2, s19  }
0x53: {  	s0 =	ssub.s32 s0, s2  }
0x54: {  	s0 =	sadd.s32 $0xFFFAF7E0, s0  }
0x55: {  	s30 =	sshll.u32 s0, $0x2  }
0x56: {  	_ =	swait.ge [sflag:s9], $0x7800;
	s2 =	ssub.s32 $0x3C0, s30  }
0x57: {  	[sflag:s9] =	ssyncset.done $0x0;
	p1 =	sgt.s32 s0, $0xEF;
	s0 =	sshrl.u32 s2, $0x2  }
0x58: {  	[sflag:s9] =	ssyncadd.s32 $0xFFFF8800;
	s0 =	simm.s32 @p1 $0x0  }
0x59: {  	_ =	swait.ge [sflag:s10], s0  }
0x5a: {  	s0 =	ssub.s32 $0x0, s0;
	[sflag:s10] =	ssyncset.done $0x0  }
0x5b: {  	[sflag:s10] =	ssyncadd.s32 s0  }
0x5c: {  	v1 =	vld [tilespmem:$0xF208];
	_ =	sdelay $0x4  }
0x5d: {  	(v2sf) =	vpush v1, $0x0  }
0x5e: {  	(v2sf) =	vpush v1, $0x1  }
0x5f: {  	(v2sf) =	vpush v1, $0x2;
	_ =	sdelay $0x3  }
0x60: {  	s0 =	sadd.s32 $0xF0, s19  }
0x61: {  	s2 =	ssub.s32 $0x50910, s19;
	p1 =	slt.s32 s7, s0  }
0x62: {  	s0 =	smov.u32 @p1 s7;
	p1 =	sgt.s32 s2, $0x0  }
0x63: {  	s23 =	ssub.s32 s0, s19;
	s2 =	simm.s32 @!p1 $0x0  }
0x64: {  	p1 =	slt.s32 s2, s23  }
0x65: {  	s23 =	smov.u32 @p1 s2  }
0x66: {  	s22 =	simm.s32 $0x1;
	p1 =	slt.s32 s23, $0x1  }
.Ltmp4:
0x67: {  	s22 =	simm.s32 @!p0 $0x0;
	(pc) =	sbr.rel @p1 .LBB2_8-.Ltmp4, $4  }
0x68: {  	s31 =	smul.u32 $0x3C0, s22  }
0x69: {  	s24 =	spop (v2sf)  }
0x6a: {  	s0 =	sshrl.u32 s31, $0x2;
	s26 =	spop (v2sf)  }
0x6b: {  	s20 =	sor.u32 $0x10508, s0;
	s19 =	spop (v2sf)  }
0x6c: {  	s0 =	smin.u32 s23, $0x10  }
0x6d: {  	v1 =	vmov s0  }
0x6e: {  	p2 =	sgt.s32 s23, $0x10;
	vm1 =	vgt.u32 v1, v0  }
.Ltmp5:
0x6f: {  	_ = 	snop;
	(pc) =	sbr.rel @!p2 .LBB2_7-.Ltmp5, $2  }
0x70: {  	_ =	sdelay $0x2  }
0x71: {  	s25 =	simm.s32 $0x10;
	s28 =	sadd.s32 $0xFFFFFFF0, s23;
	s21 =	smov.u32 s20;
	vm0 =	vmmov vm1  }
.LBB2_6:
0x72: {  	s0 =	smin.u32 s28, $0x10;
	s25 =	sadd.s32 $0x10, s25;
	v1 =	vld.msk [tilespmem:s21+$0x0 ss:$0x1], vm1  }
0x73: {  	v2 =	vmov s0;
	p2 =	slt.s32 s25, s23  }
0x74: {  	vm1 =	vgt.u32 v2, v0  }
.Ltmp6:
0x75: {  	(pc) =	sbr.rel @p2 .LBB2_6-.Ltmp6, $3  }
0x76: {  	_ =	sdelay $0x1  }
0x77: {  	v1 =	vshll.u32 v1, $0x4  }
0x78: {  	s28 =	sadd.s32 $0xFFFFFFF0, s28;
	[tilespmem:s21+$0x0] =	vst.msk vm0, v1;
	s21 =	sadd.s32 $0x10, s21;
	vm0 =	vmmov vm1  }
.LBB2_7:
0x79: {  	_ =	sdelay $0x4  }
0x7a: {  	v1 =	vld.msk [tilespmem:s21+$0x0 ss:$0x1], vm1;
	_ =	sdelay $0x4  }
0x7b: {  	v1 =	vshll.u32 v1, $0x4  }
0x7c: {  	[tilespmem:s21+$0x0] =	vst.msk vm0, v1  }
.LBB2_8:
0x7d: {  	s0 =	sand.u32 $0x1, s18  }
0x7e: {  	s0 =	smul.u32 $0xF0, s0  }
0x7f: {  	p2 =	sne.s32 s26, $0xFFFFFFFF  }
0x80: {  	v1 =	vld.msk @!p2 [tilespmem:s0+$0x10508], $0x1;
	_ =	sdelay $0x4  }
0x81: {  	(v2sf) =	vpush @!p2 v1, $0x0;
	_ =	sdelay $0xc  }
.Ltmp7:
0x82: {  	_ = 	snop;
	(pc) =	sbr.rel @p1 .LBB2_19-.Ltmp7, $4  }
0x83: {  	_ = 	snop  }
0x84: {  	s25 =	spop @!p2 (v2sf)  }
0x85: {  	s19 =	simm.s32 @!p2 $0x0;
	s21 =	smov.u32 s25  }
0x86: {  	[sflag:s15] =	ssyncpa.u1 $0x0;
	s25 =	smov.u32 @p2 s24;
	s21 =	smov.u32 @p2 s26  }
0x87: {  	v1 =	vld.msk [tilespmem:s20+$0x0], $0x1;
	_ =	sdelay $0x4  }
0x88: {  	(v2sf) =	vpush v1, $0x0;
	_ =	sdelay $0xe  }
0x89: {  	s0 =	smul.u32 $0x1E000, s22;
	s29 =	spop (v2sf)  }
0x8a: {  	s23 =	ssub.s32 $0x0, s23;
	p1 =	seq.s32 s25, s29  }
0x8b: {  	s26 =	sadd.s32 $0x1, s23;
	s0 =	sshrl.u32 s0, $0x2;
	p2 =	sgt.s32 @!p1 s25, $0x0  }
0x8c: {  	s22 =	sor.u32 $0x10728, s0;
	s0 =	smov.u32 s25;
	p2 =	por !p2, p1  }
0x8d: {  	s0 =	simm.s32 @p2 $0x0;
	p2 =	seq.s32 s26, $0x0  }
.Ltmp8:
0x8e: {  	_ = 	snop;
	(pc) =	sbr.rel @p2 .LBB2_11-.Ltmp8, $4  }
0x8f: {  	_ = 	snop  }
0x90: {  	s24 =	simm.s32 $0x0;
	s28 =	sadd.s32 $0x1, s20;
	s0 =	smin.u32 @!p1 s0, $0x270F0  }
0x91: {  	s30 =	simm.s32 @!p1 $0x1;
	s31 =	simm.s32 @!p1 $0x7988;
	s2 =	sand.u32 @!p1 $0x3FFF8, s0  }
0x92: {  	s30 =	smov.u32 @p1 s24;
	s0 =	sand.u32 @!p1 $0x7, s0;
	s2 =	sadd.s32 @!p1 s1, s2  }
.LBB2_10:
0x93: {  	s8 =	smov.u32 s30  }
0x94: {  	[tilespmem:s31], [sflag:$0x2] =	stream.linear.gather @!p1 [hbm4b:s2+s0], $0x80, $0x38;
	[tilespmem:$0x1F6E8] =	vst v63  }
0x95: {  	s26 =	sadd.s32 $0x1, s26;
	s0 =	smov.u32 s29;
	v1 =	vld.msk [tilespmem:s28+$0x0], $0x1  }
0x96: {  	p2 =	seq.s32 s26, $0x0;
	_ =	sdelay $0x3  }
0x97: {  	(v2sf) =	vpush v1, $0x0;
	_ =	sdelay $0xe  }
0x98: {  	s29 =	spop (v2sf)  }
0x99: {  	p1 =	seq.s32 s0, s29  }
0x9a: {  	p3 =	sgt.s32 @!p1 s0, $0x0;
	s2 =	sshll.u32 @!p1 s30, $0x9;
	s30 =	sadd.s32 @!p1 $0x1, s30  }
.Ltmp9:
0x9b: {  	p3 =	por !p3, p1;
	s2 =	sshra.s32 @!p1 s2, $0x2;
	(pc) =	sbr.rel @!p2 .LBB2_10-.Ltmp9, $4  }
0x9c: {  	s30 =	smov.u32 @p1 s8;
	s0 =	simm.s32 @p3 $0x0;
	s31 =	sadd.s32 @!p1 $0x7988, s2  }
0x9d: {  	s0 =	smin.u32 @!p1 s0, $0x270F0  }
0x9e: {  	s2 =	sand.u32 @!p1 $0x3FFF8, s0;
	s0 =	sand.u32 @!p1 $0x7, s0  }
0x9f: {  	s28 =	sadd.s32 $0x1, s28;
	s2 =	sadd.s32 @!p1 s1, s2  }
.LBB2_11:
0xa0: {  	[tilespmem:s31], [sflag:$0x2] =	stream.linear.gather @!p1 [hbm4b:s2+s0], $0x80, $0x38;
	[tilespmem:$0x1F6E8] =	vst v63  }
.Ltmp10:
0xa1: {  	s30 =	sshll.u32 s30, $0x7;
	(pc) =	sbr.rel .LBB2_12-.Ltmp10, $4  }
0xa2: {  	s31 =	simm.s32 $0x2;
	s0 =	sand.u32 $0x3FFFFF80, s30  }
0xa3: {  	_ =	swait.ge [sflag:s31], s0  }
0xa4: {  	s0 =	ssub.s32 $0x0, s0;
	[sflag:s31] =	ssyncset.done $0x0  }
0xa5: {  	s28 =	simm.s32 $0x0;
	[sflag:s31] =	ssyncadd.s32 s0  }
.LBB2_13:
0xa6: {  	v1 =	vld [tilespmem:s22+$0xFFFFFFC0];
	_ =	sdelay $0x3  }
0xa7: {  	s0 =	sshra.s32 s0, $0x2  }
0xa8: {  	[tilespmem:s0+$0x108] =	vst.add.f32.msk $0xffff, v1  }
0xa9: {  	v1 =	vld [tilespmem:s22+$0xFFFFFFD0];
	_ =	sdelay $0x4  }
0xaa: {  	[tilespmem:s0+$0x118] =	vst.add.f32.msk $0xffff, v1  }
0xab: {  	v1 =	vld [tilespmem:s22+$0xFFFFFFE0];
	_ =	sdelay $0x4  }
0xac: {  	[tilespmem:s0+$0x128] =	vst.add.f32.msk $0xffff, v1  }
0xad: {  	v1 =	vld [tilespmem:s22+$0xFFFFFFF0];
	_ =	sdelay $0x4  }
0xae: {  	[tilespmem:s0+$0x138] =	vst.add.f32.msk $0xffff, v1  }
0xaf: {  	v1 =	vld [tilespmem:s22+$0x0];
	_ =	sdelay $0x4  }
0xb0: {  	[tilespmem:s0+$0x148] =	vst.add.f32.msk $0xffff, v1  }
0xb1: {  	v1 =	vld [tilespmem:s22+$0x10];
	_ =	sdelay $0x4  }
0xb2: {  	[tilespmem:s0+$0x158] =	vst.add.f32.msk $0xffff, v1  }
0xb3: {  	v1 =	vld [tilespmem:s22+$0x20];
	_ =	sdelay $0x4  }
0xb4: {  	[tilespmem:s0+$0x168] =	vst.add.f32.msk $0xffff, v1  }
0xb5: {  	v1 =	vld [tilespmem:s22+$0x30];
	_ =	sdelay $0x4  }
0xb6: {  	[tilespmem:s0+$0x178] =	vst.add.f32.msk $0xffff, v1  }
.LBB2_17:
0xb7: {  	s23 =	sadd.s32 $0x1, s23  }
0xb8: {  	p1 =	seq.s32 s23, $0x0  }
.Ltmp11:
0xb9: {  	_ = 	snop;
	(pc) =	sbr.rel @p1 .LBB2_18-.Ltmp11, $2  }
0xba: {  	_ =	sdelay $0x2  }
0xbb: {  	s20 =	sadd.s32 $0x1, s20;
	s22 =	sadd.s32 $0x80, s22;
	s25 =	smov.u32 s26  }
.LBB2_12:
0xbc: {  	v1 =	vld.msk [tilespmem:s20+$0x0], $0x1;
	_ =	sdelay $0x4  }
0xbd: {  	(v2sf) =	vpush v1, $0x0;
	_ =	sdelay $0xe  }
0xbe: {  	s26 =	spop (v2sf)  }
0xbf: {  	p1 =	sne.s32 s25, s26  }
.Ltmp12:
0xc0: {  	_ = 	snop;
	(pc) =	sbr.rel @!p1 .LBB2_13-.Ltmp12, $2  }
0xc1: {  	_ =	sdelay $0x2  }
0xc2: {  	s0 =	sshll.u32 s19, $0x9  }
0xc3: {  	p1 =	seq.s32 s25, s21  }
.Ltmp13:
0xc4: {  	_ = 	snop;
	(pc) =	sbr.rel @!p1 .LBB2_15-.Ltmp13, $1  }
0xc5: {  	_ =	sdelay $0x3  }
0xc6: {  	s0 =	sshra.s32 s0, $0x2  }
.Ltmp14:
0xc7: {  	s0 =	sadd.s32 $0x108, s0;
	(pc) =	sbr.rel .LBB2_16-.Ltmp14, $4  }
0xc8: {  	[spmem:s13] =	stream.linear.scatter [tilespmem:s0], [sflag:$0x1], $0x80, $0x38;
	[tilespmem:$0x1F6E8] =	vst v63  }
0xc9: {  	_ =	swait.ge [sflag:s11], $0x80  }
0xca: {  	[sflag:s11] =	ssyncset.done $0x0  }
0xcb: {  	[sflag:s11] =	ssyncadd.s32 $0xFFFFFF80  }
.LBB2_15:
0xcc: {  	s2 =	sshll.u32 s24, $0x9  }
0xcd: {  	s2 =	sshra.s32 s2, $0x2  }
0xce: {  	v1 =	vld [tilespmem:s2+$0x7988];
	_ =	sdelay $0x3  }
0xcf: {  	s0 =	sshra.s32 s0, $0x2  }
0xd0: {  	[tilespmem:s0+$0x108] =	vst.add.f32.msk $0xffff, v1  }
0xd1: {  	v1 =	vld [tilespmem:s2+$0x7998];
	_ =	sdelay $0x4  }
0xd2: {  	[tilespmem:s0+$0x118] =	vst.add.f32.msk $0xffff, v1  }
0xd3: {  	v1 =	vld [tilespmem:s2+$0x79A8];
	_ =	sdelay $0x4  }
0xd4: {  	[tilespmem:s0+$0x128] =	vst.add.f32.msk $0xffff, v1  }
0xd5: {  	v1 =	vld [tilespmem:s2+$0x79B8];
	_ =	sdelay $0x4  }
0xd6: {  	[tilespmem:s0+$0x138] =	vst.add.f32.msk $0xffff, v1  }
0xd7: {  	v1 =	vld [tilespmem:s2+$0x79C8];
	_ =	sdelay $0x4  }
0xd8: {  	[tilespmem:s0+$0x148] =	vst.add.f32.msk $0xffff, v1  }
0xd9: {  	v1 =	vld [tilespmem:s2+$0x79D8];
	_ =	sdelay $0x4  }
0xda: {  	[tilespmem:s0+$0x158] =	vst.add.f32.msk $0xffff, v1  }
0xdb: {  	v1 =	vld [tilespmem:s2+$0x79E8];
	_ =	sdelay $0x4  }
0xdc: {  	[tilespmem:s0+$0x168] =	vst.add.f32.msk $0xffff, v1  }
0xdd: {  	v1 =	vld [tilespmem:s2+$0x79F8];
	_ =	sdelay $0x2  }
0xde: {  	p1 =	sgt.u32 s25, $0x270F0  }
0xdf: {  	s2 =	sand.u32 @!p1 $0x3FFF8, s25  }
0xe0: {  	s8 =	sadd.s32 $0x108, s0;
	[tilespmem:s0+$0x178] =	vst.add.f32.msk $0xffff, v1;
	s0 =	sadd.s32 @!p1 s1, s2;
	s2 =	sand.u32 @!p1 $0x7, s25  }
0xe1: {  	[hbm4b:s0+s2] =	stream.linear.scatter @!p1 [tilespmem:s8], [sflag:$0xA], $0x80, $0x38;
	[tilespmem:$0x1F6E8] =	vst v63  }
0xe2: {  	s0 =	simm.s32 $0x0  }
0xe3: {  	s0 =	simm.s32 @!p1 $0x200  }
0xe4: {  	s28 =	sadd.s32 s0, s28  }
.LBB2_16:
0xe5: {  	s0 =	sadd.s32 $0x1, s19  }
0xe6: {  	s2 =	smulhi.u32 $0x88888889, s0;
	_ =	sdelay $0x1  }
0xe7: {  	v1 =	vld [tilespmem:s22+$0xFFFFFFC0];
	s2 =	sshrl.u32 s2, $0x7  }
0xe8: {  	s2 =	smul.u32 $0xF0, s2;
	_ =	sdelay $0x1  }
0xe9: {  	s19 =	ssub.s32 s0, s2  }
0xea: {  	s0 =	sshll.u32 s19, $0x7  }
0xeb: {  	[tilespmem:s0+$0x108] =	vst v1  }
0xec: {  	v1 =	vld [tilespmem:s22+$0xFFFFFFD0];
	_ =	sdelay $0x4  }
0xed: {  	[tilespmem:s0+$0x118] =	vst v1  }
0xee: {  	v1 =	vld [tilespmem:s22+$0xFFFFFFE0];
	_ =	sdelay $0x4  }
0xef: {  	[tilespmem:s0+$0x128] =	vst v1  }
0xf0: {  	v1 =	vld [tilespmem:s22+$0xFFFFFFF0];
	_ =	sdelay $0x4  }
0xf1: {  	[tilespmem:s0+$0x138] =	vst v1  }
0xf2: {  	v1 =	vld [tilespmem:s22+$0x0];
	_ =	sdelay $0x4  }
0xf3: {  	[tilespmem:s0+$0x148] =	vst v1  }
0xf4: {  	v1 =	vld [tilespmem:s22+$0x10];
	_ =	sdelay $0x4  }
0xf5: {  	[tilespmem:s0+$0x158] =	vst v1  }
0xf6: {  	v1 =	vld [tilespmem:s22+$0x20];
	_ =	sdelay $0x4  }
0xf7: {  	[tilespmem:s0+$0x168] =	vst v1  }
0xf8: {  	v1 =	vld [tilespmem:s22+$0x30]  }
.Ltmp15:
0xf9: {  	_ = 	snop;
	(pc) =	sbr.rel .LBB2_17-.Ltmp15, $2  }
0xfa: {  	_ =	sdelay $0x2  }
0xfb: {  	s24 =	sadd.s32 $0x1, s24;
	[tilespmem:s0+$0x178] =	vst v1  }
.LBB2_19:
.Ltmp16:
0xfc: {  	(pc) =	sbr.rel .LBB2_20-.Ltmp16, $4  }
0xfd: {  	_ = 	snop  }
0xfe: {  	s0 =	simm.s32 $0x2  }
0xff: {  	_ =	swait.ge [sflag:s0], $0x0  }
0x100: {  	s26 =	smov.u32 s25;
	[sflag:s0] =	ssyncset.done $0x0;
	s0 =	simm.s32 $0x0  }
.LBB2_22:
0x101: {  	_ =	sfence.sel $0x180000  }
0x102: {  	s0 =	simm.s32 $0x7;
	[bflag:$0x0] =	sbarrier.arrive $0xFFFF  }
0x103: {  	s25 =	simm.s32 $0x8;
	[sflag:s0] =	ssyncpa.u1 $0x1  }
0x104: {  	s26 =	simm.s32 $0x9;
	[sflag:s25] =	ssyncpa.u1 $0x1  }
0x105: {  	s28 =	simm.s32 $0x2;
	[sflag:s26] =	ssyncpa.u1 $0x1  }
0x106: {  	[sflag:s28] =	ssyncpa.u1 $0x1  }
0x107: {  	v0 =	vld [tilespmem:$0xF208];
	_ =	sdelay $0x4  }
0x108: {  	(v2sf) =	vpush v0, $0x0  }
0x109: {  	(v2sf) =	vpush v0, $0x1;
	_ =	sdelay $0x1  }
0x10a: {  	(v2sf) =	vpush v0, $0x2;
	_ =	sdelay $0xb  }
0x10b: {  	s0 =	spop (v2sf)  }
0x10c: {  	s2 =	spop (v2sf)  }
0x10d: {  	s3 =	smov.u32 s0;
	p0 =	sne.s32 s0, s2  }
0x10e: {  	s4 =	spop (v2sf);
	s3 =	simm.s32 @!p0 $0xFFFFFFFF  }
0x10f: {  	v2 =	vimm.s32 $0x1;
	v3 =	vlaneseq.u32;
	p0 =	seq.s32 s4, $0xFFFFFFFF;
	v1 =	vmov s3  }
0x110: {  	s7 =	stileid.u32;
	v0 =	vperm.xlane v0, v2;
	p1 =	sne.s32 @!p0 s0, s2;
	v1 =	vperm.xlane v1, v3  }
0x111: {  	vm0 =	vcmask $0x3F04;
	s6 =	simm.s32 $0xF208;
	s0 =	simm.s32 @!p0 $0x1;
	p1 =	por !p1, p0  }
0x112: {  	s3 =	sshll.u32 s7, $0x1;
	s2 =	sshll.u32 @!p0 s4, $0x9;
	s0 =	simm.s32 @p1 $0x0;
	v0 =	vsel vm0, v1, v0  }
0x113: {  	s5 =	sor.u32 $0x1000, s3;
	s2 =	sshra.s32 @!p0 s2, $0x2;
	s0 =	sor.u32 @!p0 s0, s3;
	[tilespmem:$0xF208] =	vst v0  }
0x114: {  	[spmem:s5] =	stream.linear.scatter [tilespmem:s6], [sflag:$0x1], $0x2, $0x38;
	[tilespmem:$0x1F6E8] =	vst v63  }
0x115: {  	s2 =	sadd.s32 @!p0 $0x108, s2;
	s0 =	sshll.u32 @!p0 s0, $0x7  }
0x116: {  	[spmem:s0] =	stream.linear.scatter @!p0 [tilespmem:s2], [sflag:$0x1], $0x80, $0x38;
	[tilespmem:$0x1F6E8] =	vst v63  }
0x117: {  	s0 =	simm.s32 @!p0 $0x82  }
0x118: {  	s3 =	simm.s32 $0x1;
	s0 =	simm.s32 @p0 $0x2  }
0x119: {  	_ =	swait.ge [sflag:s3], s0  }
0x11a: {  	s0 =	ssub.s32 $0x0, s0;
	[sflag:s3] =	ssyncset.done $0x0  }
0x11b: {  	[sflag:s3] =	ssyncadd.s32 s0  }
0x11c: {  	_ =	sfence.stream.spmem  }
0x11d: {  	s29 =	simm.s32 $0x3;
	[bflag:$0x0] =	sbarrier.arrive $0xFFFF  }
0x11e: {  	s30 =	simm.s32 $0x4;
	[sflag:s29] =	ssyncpa.u1 $0x1  }
0x11f: {  	s31 =	simm.s32 $0x3C;
	[sflag:s30] =	ssyncpa.u1 $0x1  }
0x120: {  	p0 =	sne.s32 s7, $0x0;
	[sflag:s31] =	ssyncpa.u1 $0x1  }
0x121: {  	_ =	sfence @p0  }
0x122: {  	[sflag:s3] =	ssyncpa.u1 @p0 $0x1  }
0x123: {  	_ =	strace @p0 $0x9000004D  }
0x124: {  	[bflag:$0x2] =	sbarrier.arrive @p0 $0xFFFF  }
0x125: {  	_ =	shalt @p0  }
.LBB2_23:
0x126: {  	_ =	sfence.stream.spmem;
	s0 =	simm.s32 $0x5  }
0x127: {  	s2 =	simm.s32 $0x1000;
	s3 =	simm.s32 $0xF218;
	[sflag:s0] =	ssyncpa.u1 $0x0  }
0x128: {  	[tilespmem:s3], [sflag:$0x5] =	stream.linear.gather [spmem:s2], $0x20, $0x38;
	[tilespmem:$0x1F6E8] =	vst v63  }
0x129: {  	s30 =	simm.s32 $0xF238;
	s2 =	simm.s32 $0x0  }
0x12a: {  	[tilespmem:s30], [sflag:$0x5] =	stream.linear.gather [spmem:s2], $0x1000, $0x38;
	[tilespmem:$0x1F6E8] =	vst v63  }
.Ltmp17:
0x12b: {  	_ = 	snop;
	(pc) =	sbr.rel .LBB2_24-.Ltmp17, $4  }
0x12c: {  	_ =	swait.ge [sflag:s0], $0x1020  }
0x12d: {  	[sflag:s0] =	ssyncset.done $0x0  }
0x12e: {  	s31 =	simm.s32 $0x6;
	[sflag:s0] =	ssyncadd.s32 $0xFFFFEFE0  }
0x12f: {  	s3 =	simm.s32 $0x0;
	[sflag:s31] =	ssyncpa.u1 $0x0  }
.LBB2_30:
0x130: {  	p0 =	slt.u32 s4, $0x270F1  }
0x131: {  	s0 =	sand.u32 @p0 $0x3FFF8, s4  }
0x132: {  	s4 =	sand.u32 @p0 $0x7, s4;
	s5 =	simm.s32 @p0 $0xF188;
	s0 =	sadd.s32 @p0 s1, s0  }
0x133: {  	[tilespmem:s5], [sflag:$0x6] =	stream.linear.gather @p0 [hbm4b:s0+s4], $0x80, $0x38;
	[tilespmem:$0x1F6E8] =	vst v63  }
0x134: {  	s0 =	simm.s32 @p0 $0x6  }
0x135: {  	_ =	swait.ge @p0 [sflag:s0], $0x80  }
0x136: {  	[sflag:s0] =	ssyncset.done @p0 $0x0  }
0x137: {  	[sflag:s0] =	ssyncadd.s32 @p0 $0xFFFFFF80  }
0x138: {  	v1 =	vld @p0 [tilespmem:$0xF188];
	_ =	sdelay $0x2  }
0x139: {  	s0 =	sshll.u32 @p0 s3, $0x9  }
0x13a: {  	s4 =	sshrl.u32 @p0 s0, $0x2  }
0x13b: {  	[tilespmem:s4+$0xF238] =	vst.add.f32.msk @p0 $0xffff, v1  }
0x13c: {  	v1 =	vld @p0 [tilespmem:$0xF198];
	_ =	sdelay $0x4  }
0x13d: {  	[tilespmem:s4+$0xF248] =	vst.add.f32.msk @p0 $0xffff, v1  }
0x13e: {  	v1 =	vld @p0 [tilespmem:$0xF1A8];
	_ =	sdelay $0x4  }
0x13f: {  	[tilespmem:s4+$0xF258] =	vst.add.f32.msk @p0 $0xffff, v1  }
0x140: {  	v1 =	vld @p0 [tilespmem:$0xF1B8];
	_ =	sdelay $0x4  }
0x141: {  	[tilespmem:s4+$0xF268] =	vst.add.f32.msk @p0 $0xffff, v1  }
0x142: {  	v1 =	vld @p0 [tilespmem:$0xF1C8];
	_ =	sdelay $0x4  }
0x143: {  	[tilespmem:s4+$0xF278] =	vst.add.f32.msk @p0 $0xffff, v1  }
0x144: {  	v1 =	vld @p0 [tilespmem:$0xF1D8];
	_ =	sdelay $0x4  }
0x145: {  	[tilespmem:s4+$0xF288] =	vst.add.f32.msk @p0 $0xffff, v1  }
0x146: {  	v1 =	vld @p0 [tilespmem:$0xF1E8];
	_ =	sdelay $0x4  }
0x147: {  	[tilespmem:s4+$0xF298] =	vst.add.f32.msk @p0 $0xffff, v1  }
0x148: {  	v1 =	vld @p0 [tilespmem:$0xF1F8];
	_ =	sdelay $0x3  }
0x149: {  	s5 =	sshll.u32 @!p0 s3, $0x9  }
0x14a: {  	s5 =	smov.u32 @p0 s0;
	[tilespmem:s4+$0xF2A8] =	vst.add.f32.msk @p0 $0xffff, v1  }
0x14b: {  	s0 =	sshrl.u32 s5, $0x2;
	[tilespmem:s2+$0xF218] =	vst.msk $0x1, v0  }
0x14c: {  	v0 =	vld [tilespmem:s0+$0xF238];
	_ =	sdelay $0x2  }
0x14d: {  	s31 =	sshll.u32 s2, $0x9  }
0x14e: {  	s4 =	sshra.s32 s31, $0x2  }
0x14f: {  	[tilespmem:s4+$0xF238] =	vst v0  }
0x150: {  	v0 =	vld [tilespmem:s0+$0xF248];
	_ =	sdelay $0x4  }
0x151: {  	[tilespmem:s4+$0xF248] =	vst v0  }
0x152: {  	v0 =	vld [tilespmem:s0+$0xF258];
	_ =	sdelay $0x4  }
0x153: {  	[tilespmem:s4+$0xF258] =	vst v0  }
0x154: {  	v0 =	vld [tilespmem:s0+$0xF268];
	_ =	sdelay $0x4  }
0x155: {  	[tilespmem:s4+$0xF268] =	vst v0  }
0x156: {  	v0 =	vld [tilespmem:s0+$0xF278];
	_ =	sdelay $0x4  }
0x157: {  	[tilespmem:s4+$0xF278] =	vst v0  }
0x158: {  	v0 =	vld [tilespmem:s0+$0xF288];
	_ =	sdelay $0x4  }
0x159: {  	[tilespmem:s4+$0xF288] =	vst v0  }
0x15a: {  	v0 =	vld [tilespmem:s0+$0xF298];
	_ =	sdelay $0x4  }
0x15b: {  	[tilespmem:s4+$0xF298] =	vst v0  }
0x15c: {  	v0 =	vld [tilespmem:s0+$0xF2A8];
	_ =	sdelay $0x4  }
0x15d: {  	s2 =	sadd.s32 $0x1, s2;
	[tilespmem:s4+$0xF2A8] =	vst v0  }
.LBB2_31:
0x15e: {  	s3 =	sadd.s32 $0x1, s3  }
0x15f: {  	p0 =	sne.s32 s3, $0x20  }
.Ltmp18:
0x160: {  	_ = 	snop;
	(pc) =	sbr.rel @!p0 .LBB2_32-.Ltmp18, $1  }
0x161: {  	_ =	sdelay $0x3  }
.LBB2_24:
0x162: {  	v0 =	vld.msk [tilespmem:s3+$0xF218], $0x1;
	_ =	sdelay $0x4  }
0x163: {  	(v2sf) =	vpush v0, $0x0;
	_ =	sdelay $0xe  }
0x164: {  	s4 =	spop (v2sf)  }
0x165: {  	p0 =	seq.s32 s4, $0xFFFFFFFF  }
.Ltmp19:
0x166: {  	_ = 	snop;
	(pc) =	sbr.rel @p0 .LBB2_31-.Ltmp19, $1  }
0x167: {  	_ =	sdelay $0x3  }
0x168: {  	p0 =	slt.s32 s2, $0x1  }
.Ltmp20:
0x169: {  	_ = 	snop;
	(pc) =	sbr.rel @p0 .LBB2_30-.Ltmp20, $1  }
0x16a: {  	_ =	sdelay $0x3  }
0x16b: {  	s5 =	simm.s32 $0xF218;
	p0 =	por $0x0, $0x0  }
0x16c: {  	v1 =	vld.msk @!p0 [tilespmem:s5+$0x0], $0x1;
	_ =	sdelay $0x4  }
0x16d: {  	(v2sf) =	vpush @!p0 v1, $0x0;
	_ =	sdelay $0xd  }
0x16e: {  	p2 =	sne.s32 s2, $0x1  }
.Ltmp21:
0x16f: {  	s0 =	spop @!p0 (v2sf);
	(pc) =	sbr.rel @!p2 .LBB2_28-.Ltmp21, $4  }
0x170: {  	p1 =	seq.s32 @!p0 s4, s0  }
0x171: {  	s6 =	simm.s32 $0x0;
	p1 =	por !p1, p0  }
0x172: {  	s0 =	simm.s32 $0xFFFFFFFF;
	s6 =	simm.s32 @p1 $0xFFFFFFFF  }
0x173: {  	s7 =	simm.s32 $0x1;
	s6 =	smov.u32 @p0 s0  }
.LBB2_27:
0x174: {  	s0 =	smov.u32 s6;
	p0 =	sne.s32 s6, $0xFFFFFFFF  }
0x175: {  	s5 =	sadd.s32 $0x1, s5;
	s6 =	smov.u32 s7;
	s7 =	sadd.s32 $0x1, s7  }
0x176: {  	p1 =	sne.s32 s2, s7;
	v1 =	vld.msk @!p0 [tilespmem:s5+$0x0], $0x1;
	_ =	sdelay $0x4  }
0x177: {  	(v2sf) =	vpush @!p0 v1, $0x0;
	_ =	sdelay $0xe  }
.Ltmp22:
0x178: {  	s8 =	spop @!p0 (v2sf);
	(pc) =	sbr.rel @p1 .LBB2_27-.Ltmp22, $4  }
0x179: {  	p2 =	seq.s32 @!p0 s4, s8  }
0x17a: {  	p2 =	por !p2, p0  }
0x17b: {  	s6 =	simm.s32 @p2 $0xFFFFFFFF  }
0x17c: {  	s6 =	smov.u32 @p0 s0  }
.LBB2_28:
0x17d: {  	p0 =	seq.s32 s6, $0xFFFFFFFF  }
.Ltmp23:
0x17e: {  	_ = 	snop;
	(pc) =	sbr.rel @p0 .LBB2_30-.Ltmp23, $1  }
0x17f: {  	_ =	sdelay $0x3  }
0x180: {  	s0 =	sshll.u32 s3, $0x7  }
0x181: {  	s0 =	sand.u32 $0x3FFFFF80, s0  }
0x182: {  	v0 =	vld [tilespmem:s0+$0xF238];
	_ =	sdelay $0x2  }
0x183: {  	s4 =	sshll.u32 s6, $0x9  }
0x184: {  	s4 =	sshra.s32 s4, $0x2  }
0x185: {  	[tilespmem:s4+$0xF238] =	vst.add.f32.msk $0xffff, v0  }
0x186: {  	v0 =	vld [tilespmem:s0+$0xF248];
	_ =	sdelay $0x4  }
0x187: {  	[tilespmem:s4+$0xF248] =	vst.add.f32.msk $0xffff, v0  }
0x188: {  	v0 =	vld [tilespmem:s0+$0xF258];
	_ =	sdelay $0x4  }
0x189: {  	[tilespmem:s4+$0xF258] =	vst.add.f32.msk $0xffff, v0  }
0x18a: {  	v0 =	vld [tilespmem:s0+$0xF268];
	_ =	sdelay $0x4  }
0x18b: {  	[tilespmem:s4+$0xF268] =	vst.add.f32.msk $0xffff, v0  }
0x18c: {  	v0 =	vld [tilespmem:s0+$0xF278];
	_ =	sdelay $0x4  }
0x18d: {  	[tilespmem:s4+$0xF278] =	vst.add.f32.msk $0xffff, v0  }
0x18e: {  	v0 =	vld [tilespmem:s0+$0xF288];
	_ =	sdelay $0x4  }
0x18f: {  	[tilespmem:s4+$0xF288] =	vst.add.f32.msk $0xffff, v0  }
0x190: {  	v0 =	vld [tilespmem:s0+$0xF298];
	_ =	sdelay $0x4  }
0x191: {  	[tilespmem:s4+$0xF298] =	vst.add.f32.msk $0xffff, v0  }
0x192: {  	v0 =	vld [tilespmem:s0+$0xF2A8]  }
.Ltmp24:
0x193: {  	_ = 	snop;
	(pc) =	sbr.rel .LBB2_31-.Ltmp24, $2  }
0x194: {  	_ =	sdelay $0x2  }
0x195: {  	[tilespmem:s4+$0xF2A8] =	vst.add.f32.msk $0xffff, v0  }
.LBB2_32:
0x196: {  	p0 =	slt.s32 s2, $0x1  }
.Ltmp25:
0x197: {  	_ = 	snop;
	(pc) =	sbr.rel @p0 .LBB2_36-.Ltmp25, $3  }
0x198: {  	_ =	sdelay $0x1  }
0x199: {  	s0 =	simm.s32 $0x6  }
0x19a: {  	s3 =	simm.s32 $0x0;
	[sflag:s0] =	ssyncpa.u1 $0x1  }
0x19b: {  	s0 =	simm.s32 $0xF218  }
0x19c: {  	v0 =	vld.msk [tilespmem:s0+$0x0], $0x1;
	_ =	sdelay $0x4  }
0x19d: {  	(v2sf) =	vpush v0, $0x0;
	_ =	sdelay $0xd  }
0x19e: {  	s2 =	sadd.s32 $0xFFFFFFFF, s2  }
0x19f: {  	p1 =	sne.s32 s2, $0x0;
	s0 =	spop (v2sf)  }
.Ltmp26:
0x1a0: {  	p0 =	sgt.u32 s0, $0x270F0;
	(pc) =	sbr.rel @!p1 .LBB2_35-.Ltmp26, $4  }
0x1a1: {  	s4 =	simm.s32 $0xF238;
	s5 =	sand.u32 @!p0 $0x3FFF8, s0  }
0x1a2: {  	s6 =	simm.s32 $0x0;
	s0 =	sand.u32 @!p0 $0x7, s0;
	s5 =	sadd.s32 @!p0 s1, s5  }
0x1a3: {  	[hbm4b:s5+s0] =	stream.linear.scatter @!p0 [tilespmem:s4], [sflag:$0x5], $0x80, $0x38;
	[tilespmem:$0x1F6E8] =	vst v63  }
0x1a4: {  	s6 =	simm.s32 @!p0 $0x200;
	s5 =	simm.s32 $0xF219  }
.LBB2_34:
0x1a5: {  	v0 =	vld.msk [tilespmem:s5+$0x0], $0x1;
	s2 =	sadd.s32 $0xFFFFFFFF, s2;
	s3 =	sadd.s32 s3, s6  }
0x1a6: {  	p0 =	sne.s32 s2, $0x0;
	_ =	sdelay $0x3  }
0x1a7: {  	(v2sf) =	vpush v0, $0x0;
	_ =	sdelay $0xe  }
.Ltmp27:
0x1a8: {  	s0 =	spop (v2sf);
	(pc) =	sbr.rel @p0 .LBB2_34-.Ltmp27, $4  }
0x1a9: {  	s6 =	simm.s32 $0x0;
	p1 =	sgt.u32 s0, $0x270F0  }
0x1aa: {  	s4 =	sadd.s32 $0x80, s4;
	s6 =	simm.s32 @!p1 $0x200;
	s7 =	sand.u32 @!p1 $0x3FFF8, s0  }
0x1ab: {  	s5 =	sadd.s32 $0x1, s5;
	s0 =	sand.u32 @!p1 $0x7, s0;
	s7 =	sadd.s32 @!p1 s1, s7  }
0x1ac: {  	[hbm4b:s7+s0] =	stream.linear.scatter @!p1 [tilespmem:s4], [sflag:$0x5], $0x80, $0x38;
	[tilespmem:$0x1F6E8] =	vst v63  }
.LBB2_35:
0x1ad: {  	s0 =	sadd.s32 s3, s6  }
0x1ae: {  	s3 =	sshrl.u32 s0, $0x2  }
.LBB2_36:
0x1af: {  	s0 =	simm.s32 $0x5  }
0x1b0: {  	_ =	swait.ge [sflag:s0], s3  }
0x1b1: {  	s1 =	ssub.s32 $0x0, s3;
	[sflag:s0] =	ssyncset.done $0x0  }
0x1b2: {  	[sflag:s0] =	ssyncadd.s32 s1  }
0x1b3: {  	[sflag:s0] =	ssyncpa.u1 $0x1  }
0x1b4: {  	s30 =	simm.s32 $0x1;
	_ =	sfence  }
0x1b5: {  	[sflag:s30] =	ssyncpa.u1 $0x1  }
0x1b6: {  	_ =	strace $0x9000004D  }
0x1b7: {  	[bflag:$0x2] =	sbarrier.arrive $0xFFFF  }
0x1b8: {  	s31 =	rddreg [dreg:$0x1]  }
0x1b9: {  	s0 =	sadd.s32 $0x100000, s31  }
0x1ba: {  	[sflag:s0] =	ssyncadd.tile.s32 $0x1;
	_ =	shalt  }
.Lfunc_end2:
_tile_overlayer_lowered:
.L_overlay_start_2:
0x1bb: {  	(tag) =	ssettag $0x2  }
0x1bc: {  	s0 =	rddreg [dreg:$0x0];
	s2 =	stileid.u32  }
0x1bd: {  	s1 =	rddreg [dreg:$0x1];
	p0 =	sne.s32 s2, $0x0  }
0x1be: {  	s3 =	rddreg [dreg:$0x2];
	[bflag:$0x3] =	sbarrier.arrive $0xFFFF;
	s2 =	simm.s32 @!p0 $0x1C01  }
0x1bf: {  	[timem:s3], [sflag:s2] =	dma.local @!p0 [hbm:s0], s1  }
0x1c0: {  	s0 =	simm.s32 @!p0 $0x1  }
0x1c1: {  	_ =	swait.ge @!p0 [sflag:s0], s1  }
0x1c2: {  	s1 =	ssub.s32 @!p0 $0x0, s1;
	[sflag:s0] =	ssyncset.done @!p0 $0x0  }
0x1c3: {  	[sflag:s0] =	ssyncadd.s32 @!p0 s1  }
0x1c4: {  	[bflag:$0x3] =	sbarrier.arrive $0xFFFF  }
0x1c5: {  	_ =	shalt  }

// kernel: scatter_offload_async_start.3
scs
__scs_entry_jumppad:
0x0: {  	(pc) =	sbr.rel $0x88, $3  }
0x1: {  	(tag) =	ssettag $0x0;
	lr =	simm.s32 $0x1  }
0x2: {  	[smem:$0x3F91] =	sst lr;
	_ =	strace $0xD0000000  }
0x3: {  	_ = 	snop  }
0x4: {  	_ = 	snop  }
0x5: {  	_ = 	snop  }
0x6: {  	_ = 	snop  }
0x7: {  	_ = 	snop  }
__scs_overlays_trampoline_lowered:
0x8: {  	[smem:$0x3FA0] =	sst s0  }
0x9: {  	[smem:$0x3FA1] =	sst s1  }
0xa: {  	[smem:$0x3FA2] =	sst s2  }
0xb: {  	[smem:$0x3FA3] =	sst s3  }
0xc: {  	[smem:$0x3FA4] =	sst s4  }
0xd: {  	[smem:$0x3FA5] =	sst s5  }
0xe: {  	[smem:$0x3FA6] =	sst s6  }
0xf: {  	[smem:$0x3FA7] =	sst s7  }
0x10: {  	[smem:$0x3FA8] =	sst s8  }
0x11: {  	[smem:$0x3FA9] =	sst s9;
	s0 =	simm.s32 @!p0 $0x0  }
0x12: {  	s1 =	sld [smem:$0x3F8F];
	s0 =	simm.s32 @p0 $0x1  }
0x13: {  	[smem:$0x3FAA] =	sst s0;
	s0 =	simm.s32 @!p1 $0x0  }
0x14: {  	s2 =	sld [smem:$0x3F8E];
	s0 =	simm.s32 @p1 $0x1  }
0x15: {  	[smem:$0x3FAB] =	sst s0;
	s0 =	simm.s32 @!p2 $0x0  }
0x16: {  	s3 =	sld [smem:$0x3FDB];
	s0 =	simm.s32 @p2 $0x1  }
0x17: {  	s4 =	simm.s32 $0x1BF5;
	[smem:$0x3FAD] =	sst s0  }
0x18: {  	s0 =	sld [smem:$0x3F90];
	_ =	swait.ge [sflag:s4], $0x0  }
0x19: {  	s7 =	sld [smem:$0x3F91]  }
0x1a: {  	s8 =	sadd.s32 $0xFFFFE003, lr  }
0x1b: {  	s9 =	sadd.s32 $0xFFFFFEF7, lr;
	s5 =	simm.s32 $0xFFFFFFFF;
	p2 =	slt.u32 s8, $0xFFFFF086  }
0x1c: {  	p1 =	slt.u32 s9, $0xF7A;
	s5 =	simm.s32 @!p2 $0x0  }
0x1d: {  	s5 =	simm.s32 @p1 $0x1;
	p0 =	seq.s32 s7, s2  }
0x1e: {  	s7 =	smul.u32 @!p0 $0xF7A, s2;
	p2 =	seq.s32 @!p0 s5, $0x0  }
0x1f: {  	s9 =	smul.u32 $0xF7A, s1;
	s8 =	simm.s32 @!p0 $0x1BF5;
	p2 =	por !p2, p0  }
0x20: {  	[sflag:s8] =	ssyncset.s32 @!p0 $0xFFFFF086;
	s6 =	sadd.s32 @!p0 s3, s7;
	s7 =	simm.s32 @!p0 $0x108  }
0x21: {  	s3 =	sadd.s32 s3, s9;
	s6 =	sadd.s32 @!p0 $0x88, s6;
	s7 =	simm.s32 @p2 $0x1082  }
0x22: {  	[simem:s7], [sflag:s8] =	dma.local @!p0 [hbm:s6], $0xF7A  }
0x23: {  	s9 =	sor.u32 $0xD0000000, s2;
	s6 =	simm.s32 $0x108;
	_ =	swait.ge @!p0 [sflag:s8], $0x0  }
0x24: {  	s3 =	sadd.s32 $0x88, s3;
	s6 =	simm.s32 @!p1 $0x1082;
	[sflag:s4] =	ssyncset.s32 $0xFFFFF086  }
0x25: {  	[simem:s6], [sflag:s4] =	dma.local [hbm:s3], $0xF7A  }
0x26: {  	[smem:$0x3F91] =	sst s1;
	(tag) =	ssettag s2;
	_ =	strace s9  }
0x27: {  	s1 =	sld [smem:$0x3FA1]  }
0x28: {  	s2 =	sld [smem:$0x3FA2]  }
0x29: {  	s4 =	sld [smem:$0x3FA4]  }
0x2a: {  	p0 =	seq.s32 s5, $0x0;
	s5 =	sld [smem:$0x3FA5]  }
0x2b: {  	s6 =	sld [smem:$0x3FA6]  }
0x2c: {  	s7 =	sld [smem:$0x3FA7]  }
0x2d: {  	s3 =	simm.s32 $0x108;
	s8 =	sld [smem:$0x3FA8]  }
0x2e: {  	s3 =	simm.s32 @!p0 $0x1082;
	s9 =	sld [smem:$0x3FA9]  }
0x2f: {  	lr =	sadd.s32 s0, s3;
	s0 =	sld [smem:$0x3FA0]  }
0x30: {  	s3 =	sld [smem:$0x3FA3]  }
0x31: {  	[smem:$0x3FAC] =	sst s10  }
0x32: {  	s10 =	sld [smem:$0x3FAA];
	_ =	sdelay $0x3  }
0x33: {  	p0 =	seq.s32 s10, $0x1;
	s10 =	sld [smem:$0x3FAC];
	_ =	sdelay $0x3  }
0x34: {  	[smem:$0x3FAC] =	sst s10  }
0x35: {  	s10 =	sld [smem:$0x3FAB];
	_ =	sdelay $0x3  }
0x36: {  	p1 =	seq.s32 s10, $0x1;
	s10 =	sld [smem:$0x3FAC];
	_ =	sdelay $0x3  }
0x37: {  	[smem:$0x3FAC] =	sst s10  }
0x38: {  	s10 =	sld [smem:$0x3FAD]  }
0x39: {  	_ = 	snop;
	(pc) =	sbr.ind lr, $3  }
0x3a: {  	_ = 	snop  }
0x3b: {  	_ = 	snop  }
0x3c: {  	p2 =	seq.s32 s10, $0x1;
	s10 =	sld [smem:$0x3FAC]  }
0x3d: {  	_ =	shalt  }
0x3e: {  	_ =	shalt  }
0x3f: {  	_ =	shalt  }
0x40: {  	_ =	shalt  }
0x41: {  	_ =	shalt  }
0x42: {  	_ =	shalt  }
0x43: {  	_ =	shalt  }
0x44: {  	_ =	shalt  }
0x45: {  	_ =	shalt  }
0x46: {  	_ =	shalt  }
0x47: {  	_ =	shalt  }
0x48: {  	_ =	shalt  }
0x49: {  	_ =	shalt  }
0x4a: {  	_ =	shalt  }
0x4b: {  	_ =	shalt  }
0x4c: {  	_ =	shalt  }
0x4d: {  	_ =	shalt  }
0x4e: {  	_ =	shalt  }
0x4f: {  	_ =	shalt  }
0x50: {  	_ =	shalt  }
0x51: {  	_ =	shalt  }
0x52: {  	_ =	shalt  }
0x53: {  	_ =	shalt  }
0x54: {  	_ =	shalt  }
0x55: {  	_ =	shalt  }
0x56: {  	_ =	shalt  }
0x57: {  	_ =	shalt  }
0x58: {  	_ =	shalt  }
0x59: {  	_ =	shalt  }
0x5a: {  	_ =	shalt  }
0x5b: {  	_ =	shalt  }
0x5c: {  	_ =	shalt  }
0x5d: {  	_ =	shalt  }
0x5e: {  	_ =	shalt  }
0x5f: {  	_ =	shalt  }
0x60: {  	_ =	shalt  }
0x61: {  	_ =	shalt  }
0x62: {  	_ =	shalt  }
0x63: {  	_ =	shalt  }
0x64: {  	_ =	shalt  }
0x65: {  	_ =	shalt  }
0x66: {  	_ =	shalt  }
0x67: {  	_ =	shalt  }
0x68: {  	_ =	shalt  }
0x69: {  	_ =	shalt  }
0x6a: {  	_ =	shalt  }
0x6b: {  	_ =	shalt  }
0x6c: {  	_ =	shalt  }
0x6d: {  	_ =	shalt  }
0x6e: {  	_ =	shalt  }
0x6f: {  	_ =	shalt  }
0x70: {  	_ =	shalt  }
0x71: {  	_ =	shalt  }
0x72: {  	_ =	shalt  }
0x73: {  	_ =	shalt  }
0x74: {  	_ =	shalt  }
0x75: {  	_ =	shalt  }
0x76: {  	_ =	shalt  }
0x77: {  	_ =	shalt  }
0x78: {  	_ =	shalt  }
0x79: {  	_ =	shalt  }
0x7a: {  	_ =	shalt  }
0x7b: {  	_ =	shalt  }
0x7c: {  	_ =	shalt  }
0x7d: {  	_ =	shalt  }
0x7e: {  	_ =	shalt  }
0x7f: {  	_ =	shalt  }
0x80: {  	_ =	shalt  }
0x81: {  	_ =	shalt  }
0x82: {  	_ =	shalt  }
0x83: {  	_ =	shalt  }
0x84: {  	_ =	shalt  }
0x85: {  	_ =	shalt  }
0x86: {  	_ =	shalt  }
0x87: {  	_ =	shalt  }
.Lfunc_end0:
.L_simem_size_0:
called_computation.3_lowered:
.L_overlay_start_0:
0x88: {  	s0 =	sld [smem:$0x3FD9]  }
0x89: {  	s1 =	sld [smem:$0x3FFE];
	_ =	sdelay $0x3  }
0x8a: {  	s0 =	sadd.s32 s1, s0  }
0x8b: {  	[smem:$0x3FB8] =	sst s0  }
0x8c: {  	_ = 	snop  }
0x8d: {  	(tm) =	ssettm $0x1  }
0x8e: {  	s15 =	sld [smem:$0x3FFB];
	_ =	sdelay $0x3  }
0x8f: {  	_ =	strace s15  }
0x90: {  	s0 =	sld [smem:$0x3FFC];
	_ =	sdelay $0x3  }
0x91: {  	_ =	strace s0  }
0x92: {  	s0 =	sld [smem:$0x3FFD];
	_ =	sdelay $0x3  }
0x93: {  	_ =	strace s0  }
0x94: {  	_ =	strace $0x8FFFFFFF  }
0x95: {  	s16 =	sld [smem:$0x3FDB];
	_ =	sdelay $0x1  }
0x96: {  	s17 =	simm.s32 $_scs_section_size  }
0x97: {  	s2 =	simm.s32 $_size__tile_overlayer_lowered;
	s3 =	simm.s32 $_tile_overlayer_lowered  }
0x98: {  	s20 =	simm.s32 $0x1BFF;
	s19 =	sshll.u32 s3, $0x1;
	s0 =	sadd.s32 s17, s16  }
0x99: {  	s4 =	simm.s32 $0x0;
	s18 =	sshll.u32 s2, $0x1;
	s2 =	sadd.s32 s19, s0  }
0x9a: {  	[timem:s4], [sflag:s20] =	dma.local [hbm:s2], s18  }
0x9b: {  	_ =	swait.ge [sflag:s20], s18  }
0x9c: {  	s1 =	ssub.s32 $0x0, s18;
	[sflag:s20] =	ssyncset.done $0x0  }
0x9d: {  	[sflag:s20] =	ssyncadd.s32 s1;
	_ =	sdelay $0x1  }
0x9e: {  	s21 =	simm.s32 $0x1B8B  }
0x9f: {  	_ =	swait.ge [sflag:s21], $0x1  }
0xa0: {  	[sflag:s21] =	ssyncset.done $0x0  }
0xa1: {  	s23 =	simm.s32 $0x1B8E;
	s22 =	sld [smem:$0x3FFE];
	[sflag:s21] =	ssyncadd.s32 $0xFFFFFFFF  }
0xa2: {  	s24 =	simm.s32 $execute0_lowered;
	[smem:$0x3FD2] =	sst s23  }
0xa3: {  	s2 =	sshll.u32 s24, $0x1;
	_ =	strace $0x8000004F;
	[dreg:$0x1] =	wrdreg $0xFFFFFFFF  }
0xa4: {  	s25 =	simm.s32 $_size_execute0_lowered;
	s0 =	sadd.s32 s0, s2;
	[dreg:$0x0] =	wrdreg $0x0  }
0xa5: {  	s2 =	sshll.u32 s25, $0x1;
	[dreg:$0x2] =	wrdreg s0  }
0xa6: {  	[dreg:$0x3] =	wrdreg s2  }
0xa7: {  	[dreg:$0x4] =	wrdreg $0xC0  }
0xa8: {  	_ =	task [dreg:s4], $0x5FFFF  }
0xa9: {  	[dreg:$0x1] =	wrdreg $0xFFFFFFFF  }
0xaa: {  	[dreg:$0x0] =	wrdreg $0x60  }
0xab: {  	[dreg:$0x2] =	wrdreg s22  }
0xac: {  	[dreg:$0x3] =	wrdreg $0x9  }
0xad: {  	_ =	task.clear_ibuf [dreg:s4], $0x4FFFF;
	_ =	strace $0x9000004F  }
0xae: {  	s26 =	simm.s32 $0x9;
	_ =	strace $0x80000051  }
0xaf: {  	_ =	swait.ge [sflag:s26], $0x1  }
0xb0: {  	[sflag:s26] =	ssyncadd.s32 $0xFFFFFFFF  }
0xb1: {  	_ =	strace $0x90000051  }
0xb2: {  	_ =	sfence  }
0xb3: {  	s28 =	sld [smem:$0x0];
	_ =	sdelay $0x1  }
0xb4: {  	s29 =	srdreg.scid  }
0xb5: {  	s30 =	sshll.u32 s29, $0xD;
	s31 =	sshrl.u32 s29, $0x2  }
0xb6: {  	s1 =	sand.u32 $0x1, s29;
	s2 =	sand.u32 $0x4000, s30;
	s0 =	sadd.s32 s31, s28  }
0xb7: {  	s1 =	sor.u32 s2, s1;
	s0 =	sshll.u32 s0, $0x11  }
0xb8: {  	s0 =	sor.u32 s0, s1  }
0xb9: {  	s0 =	sadd.s32 $0x8F2B, s0  }
0xba: {  	[sflag:s0] =	ssyncadd.remote.s32 $0x1  }
0xbb: {  	_ =	sfence.sel $0xFFFF  }
0xbc: {  	[dreg:$0x0] =	wrdreg $0xFFFFFFFF;
	(pc) =	sbr.abs _section_cstart, $3  }
0xbd: {  	[dreg:$0x1] =	wrdreg $0xFFFFFFFF  }
0xbe: {  	_ =	task.clear_ibuf [dreg:s4], $0x2FFFF;
	_ =	strace $0x9FFFFFFF  }
0xbf: {  	(tm) =	ssettm $0x7FFFFFFF  }
tec
execute0_lowered:
.L_overlay_start_1:
0x0: {  	(tag) =	ssettag $0x1  }
0x1: {  	s0 =	rddreg [dreg:$0x0];
	_ =	strace $0x80000050;
	s1 =	simm.s32 $0x1  }
0x2: {  	s8 =	simm.s32 $0x108;
	v0 =	vimm.s32 $0x0;
	[sflag:s1] =	ssyncpa.u1 $0x0  }
0x3: {  	[tilespmem:s8+$0x70] =	vst v0  }
0x4: {  	[tilespmem:s8+$0x60] =	vst v0  }
0x5: {  	[tilespmem:s8+$0x50] =	vst v0  }
0x6: {  	[tilespmem:s8+$0x40] =	vst v0  }
0x7: {  	[tilespmem:s8+$0x30] =	vst v0  }
0x8: {  	s2 =	simm.s32 $0x40;
	s1 =	sadd.s32 $0x514000, s0;
	[tilespmem:s8+$0x20] =	vst v0  }
0x9: {  	s3 =	sadd.s32 $0x53CE00, s0;
	s4 =	sadd.s32 $0xAE00, s0;
	s5 =	sadd.s32 $0x547000, s0;
	[tilespmem:s8+$0x10] =	vst v0  }
.LBB2_1:
0xa: {  	s2 =	sadd.s32 $0x40, s2;
	[tilespmem:s8+$0x0] =	vst v0;
	s8 =	sadd.s32 $0x80, s8  }
0xb: {  	p0 =	slt.u32 s2, $0x3C40;
	[tilespmem:s8+$0x70] =	vst v0  }
0xc: {  	[tilespmem:s8+$0x60] =	vst v0  }
.Ltmp0:
0xd: {  	[tilespmem:s8+$0x50] =	vst v0;
	(pc) =	sbr.rel @p0 .LBB2_1-.Ltmp0, $4  }
0xe: {  	[tilespmem:s8+$0x40] =	vst v0  }
0xf: {  	[tilespmem:s8+$0x30] =	vst v0  }
0x10: {  	[tilespmem:s8+$0x20] =	vst v0  }
0x11: {  	[tilespmem:s8+$0x10] =	vst v0  }
0x12: {  	s13 =	stileid.u32  }
0x13: {  	s0 =	simm.s32 $0x4FB0;
	s6 =	smul.u32 $0x50A0, s13;
	p0 =	seq.s32 s13, $0xF  }
0x14: {  	s0 =	simm.s32 @!p0 $0x50A0  }
0x15: {  	s0 =	sadd.s32 s6, s0  }
0x16: {  	s7 =	smin.u32 s0, $0x50910  }
0x17: {  	s0 =	ssub.s32 s7, s6  }
0x18: {  	p0 =	sgt.s32 s0, $0x0  }
0x19: {  	s0 =	simm.s32 @!p0 $0x0  }
0x1a: {  	s2 =	simm.s32 $0x2;
	s9 =	simm.s32 $0x7;
	s31 =	smulhi.u32 $0x1111112, s0  }
0x1b: {  	s10 =	simm.s32 $0x8;
	s19 =	simm.s32 $0x0;
	s15 =	simm.s32 $0xA  }
0x1c: {  	s17 =	simm.s32 $0x0;
	s18 =	simm.s32 $0x0;
	s11 =	smul.u32 $0xF0, s31  }
.Ltmp1:
0x1d: {  	[tilespmem:s8+$0x0] =	vst v0;
	v0 =	vimm.s32 $0xFFFFFFFF;
	[sflag:s2] =	ssyncpa.u1 $0x0;
	s13 =	sshll.u32 s13, $0x8;
	(pc) =	sbr.rel .LBB2_3-.Ltmp1, $4  }
0x1e: {  	[tilespmem:$0xF208] =	vst v0;
	[sflag:s9] =	ssyncpa.u1 $0x0;
	p0 =	sne.s32 s0, s11;
	s0 =	simm.s32 $0x1  }
0x1f: {  	[sflag:s10] =	ssyncpa.u1 $0x0;
	s10 =	simm.s32 $0x9;
	s0 =	simm.s32 @!p0 $0x0  }
0x20: {  	s16 =	smov.u32 s6;
	[sflag:s10] =	ssyncpa.u1 $0x0;
	s12 =	sadd.s32 s0, s31  }
0x21: {  	v0 =	vlaneseq.u32;
	s11 =	simm.s32 $0x1;
	p0 =	por $0x0, $0x0;
	s14 =	sadd.s32 $0x1, s12  }
.LBB2_18:
0x22: {  	s0 =	sshrl.u32 s28, $0x2  }
.LBB2_20:
0x23: {  	_ =	swait.ge [sflag:s15], s0  }
0x24: {  	s31 =	ssub.s32 $0x0, s0;
	v1 =	vmov s21;
	vm0 =	veq.s32 v0, $0x0;
	[sflag:s15] =	ssyncset.done $0x0  }
0x25: {  	vm15 =	veq.s32 v0, $0x2;
	v1 =	vsel vm0, s26, v1;
	[sflag:s15] =	ssyncadd.s32 s31  }
0x26: {  	v1 =	vsel vm15, s19, v1;
	[sflag:s15] =	ssyncpa.u1 $0x1  }
0x27: {  	[tilespmem:$0xF208] =	vst v1  }
.LBB2_21:
0x28: {  	s0 =	sadd.s32 $0xF0, s16  }
0x29: {  	s2 =	smov.u32 s6;
	p1 =	slt.s32 s0, s7  }
0x2a: {  	s2 =	smov.u32 @p1 s0;
	p1 =	sne.s32 s18, s14  }
.Ltmp2:
0x2b: {  	_ = 	snop;
	(pc) =	sbr.rel @!p1 .LBB2_22-.Ltmp2, $3  }
0x2c: {  	_ =	sdelay $0x1  }
0x2d: {  	s19 =	smov.u32 s17;
	s31 =	sadd.s32 $0x1, s18;
	s17 =	smov.u32 s16  }
0x2e: {  	p0 =	por !p0, !p0;
	s18 =	smov.u32 s31;
	s16 =	smov.u32 s2  }
.LBB2_3:
0x2f: {  	p1 =	sge.u32 s18, s12  }
0x30: {  	s0 =	smulhi.u32 @!p1 $0xAAAAAAAB, s18  }
0x31: {  	s2 =	smov.u32 s16;
	p2 =	sgt.s32 @!p1 s16, $0x50820  }
0x32: {  	s20 =	sshra.s32 @!p1 s16, $0x1F;
	p2 =	por !p2, p1;
	s0 =	sshrl.u32 @!p1 s0, $0x1  }
0x33: {  	s20 =	sand.u32 @!p1 s20, s16;
	s2 =	simm.s32 @p2 $0x50820;
	s0 =	smul.u32 @!p1 $0x3, s0  }
0x34: {  	s2 =	ssub.s32 @!p1 s2, s20  }
0x35: {  	s2 =	sadd.s32 @!p1 $0xFFFAF7E0, s2;
	s0 =	ssub.s32 @!p1 s18, s0  }
0x36: {  	s20 =	sshll.u32 @!p1 s2, $0x2;
	p2 =	sgt.s32 @!p1 s2, $0xEF;
	s0 =	smul.u32 @!p1 $0x3C0, s0  }
0x37: {  	s21 =	sand.u32 @!p1 $0x7, s16;
	s2 =	ssub.s32 @!p1 $0x3C0, s20;
	p2 =	por !p2, p1  }
0x38: {  	s20 =	sshrl.u32 @!p1 s16, $0x3;
	s2 =	sshrl.u32 @!p1 s2, $0x2;
	s0 =	sshrl.u32 @!p1 s0, $0x2  }
0x39: {  	s20 =	sadd.s32 @!p1 s5, s20;
	s2 =	simm.s32 @!p2 $0x0;
	s0 =	sadd.s32 @!p1 $0x10238, s0  }
0x3a: {  	[tilespmem:s0], [sflag:$0x8] =	stream.linear.gather @!p1 [hbm4b:s20+s21], s2, $0x38;
	[tilespmem:$0x1F6E8] =	vst v63  }
0x3b: {  	s0 =	sadd.s32 $0xFFFFFFFF, s18  }
0x3c: {  	p1 =	sge.u32 s0, s12  }
0x3d: {  	p2 =	sgt.s32 @!p1 s17, $0x50820  }
0x3e: {  	s2 =	smov.u32 s17;
	s20 =	sshra.s32 @!p1 s17, $0x1F;
	p2 =	por !p2, p1  }
0x3f: {  	s20 =	sand.u32 @!p1 s20, s17;
	s2 =	simm.s32 @p2 $0x50820  }
0x40: {  	s2 =	ssub.s32 @!p1 s2, s20  }
0x41: {  	s2 =	sadd.s32 @!p1 $0xFFFAF7E0, s2  }
0x42: {  	s21 =	smulhi.u32 @!p1 $0xAAAAAAAB, s0;
	s22 =	sand.u32 @!p1 $0x1, s0;
	s20 =	sshll.u32 @!p1 s2, $0x2  }
0x43: {  	s24 =	smul.u32 @!p1 $0x3C0, s22;
	p2 =	sgt.s32 @!p1 s2, $0xEF;
	s2 =	ssub.s32 @!p1 $0x3C0, s20  }
0x44: {  	p2 =	por !p2, p1;
	s20 =	sshrl.u32 @!p1 s21, $0x1;
	s2 =	sshrl.u32 @!p1 s2, $0x2  }
0x45: {  	s21 =	simm.s32 @!p1 $0x8;
	s20 =	smul.u32 @!p1 $0x3, s20;
	s2 =	simm.s32 @!p2 $0x0  }
0x46: {  	s22 =	smul.u32 @!p1 $0x1E000, s22;
	_ =	swait.ge @!p1 [sflag:s21], s2;
	s23 =	ssub.s32 @!p1 $0x0, s2  }
0x47: {  	s0 =	ssub.s32 @!p1 s0, s20;
	s20 =	sshrl.u32 @!p1 s17, $0x3;
	[sflag:s21] =	ssyncset.done @!p1 $0x0  }
0x48: {  	s20 =	sadd.s32 @!p1 s3, s20;
	[sflag:s21] =	ssyncadd.s32 @!p1 s23;
	s21 =	sshrl.u32 @!p1 s24, $0x2  }
0x49: {  	s0 =	smul.u32 @!p1 $0x3C0, s0;
	s23 =	sand.u32 @!p1 $0x7, s17;
	s21 =	sor.u32 @!p1 $0x10508, s21  }
0x4a: {  	[tilespmem:s21], [sflag:$0x9] =	stream.linear.gather @!p1 [hbm4b:s20+s23], s2, $0x38;
	[tilespmem:$0x1F6E8] =	vst v63  }
0x4b: {  	s0 =	sshrl.u32 @!p1 s0, $0x2;
	s2 =	sshrl.u32 @!p1 s22, $0x2  }
0x4c: {  	s0 =	sadd.s32 @!p1 $0x10238, s0;
	s20 =	simm.s32 @!p1 $0xF0;
	s2 =	sor.u32 @!p1 $0x106E8, s2  }
0x4d: {  	[tilespmem:s2], [sflag:$0x7] =	stream.indirect.gather @!p1 [hbm4b:s4+s20], $0x80, s0, s20, $0xb8;
	[tilespmem:$0x1F6E8] =	vst v63  }
0x4e: {  	p1 =	slt.u32 s18, $0x2  }
.Ltmp3:
0x4f: {  	_ = 	snop;
	(pc) =	sbr.rel @p1 .LBB2_21-.Ltmp3, $1  }
0x50: {  	_ =	sdelay $0x3  }
0x51: {  	p1 =	sgt.s32 s19, $0x50820;
	s0 =	smov.u32 s19;
	s2 =	sshra.s32 s19, $0x1F  }
0x52: {  	s0 =	simm.s32 @!p1 $0x50820;
	s2 =	sand.u32 s2, s19  }
0x53: {  	s0 =	ssub.s32 s0, s2  }
0x54: {  	s0 =	sadd.s32 $0xFFFAF7E0, s0  }
0x55: {  	s30 =	sshll.u32 s0, $0x2  }
0x56: {  	_ =	swait.ge [sflag:s9], $0x7800;
	s2 =	ssub.s32 $0x3C0, s30  }
0x57: {  	[sflag:s9] =	ssyncset.done $0x0;
	p1 =	sgt.s32 s0, $0xEF;
	s0 =	sshrl.u32 s2, $0x2  }
0x58: {  	[sflag:s9] =	ssyncadd.s32 $0xFFFF8800;
	s0 =	simm.s32 @p1 $0x0  }
0x59: {  	_ =	swait.ge [sflag:s10], s0  }
0x5a: {  	s0 =	ssub.s32 $0x0, s0;
	[sflag:s10] =	ssyncset.done $0x0  }
0x5b: {  	[sflag:s10] =	ssyncadd.s32 s0  }
0x5c: {  	v1 =	vld [tilespmem:$0xF208];
	_ =	sdelay $0x4  }
0x5d: {  	(v2sf) =	vpush v1, $0x0  }
0x5e: {  	(v2sf) =	vpush v1, $0x1  }
0x5f: {  	(v2sf) =	vpush v1, $0x2;
	_ =	sdelay $0x3  }
0x60: {  	s0 =	sadd.s32 $0xF0, s19  }
0x61: {  	s2 =	ssub.s32 $0x50910, s19;
	p1 =	slt.s32 s7, s0  }
0x62: {  	s0 =	smov.u32 @p1 s7;
	p1 =	sgt.s32 s2, $0x0  }
0x63: {  	s23 =	ssub.s32 s0, s19;
	s2 =	simm.s32 @!p1 $0x0  }
0x64: {  	p1 =	slt.s32 s2, s23  }
0x65: {  	s23 =	smov.u32 @p1 s2  }
0x66: {  	s22 =	simm.s32 $0x1;
	p1 =	slt.s32 s23, $0x1  }
.Ltmp4:
0x67: {  	s22 =	simm.s32 @!p0 $0x0;
	(pc) =	sbr.rel @p1 .LBB2_8-.Ltmp4, $4  }
0x68: {  	s31 =	smul.u32 $0x3C0, s22  }
0x69: {  	s24 =	spop (v2sf)  }
0x6a: {  	s0 =	sshrl.u32 s31, $0x2;
	s26 =	spop (v2sf)  }
0x6b: {  	s20 =	sor.u32 $0x10508, s0;
	s19 =	spop (v2sf)  }
0x6c: {  	s0 =	smin.u32 s23, $0x10  }
0x6d: {  	v1 =	vmov s0  }
0x6e: {  	p2 =	sgt.s32 s23, $0x10;
	vm1 =	vgt.u32 v1, v0  }
.Ltmp5:
0x6f: {  	_ = 	snop;
	(pc) =	sbr.rel @!p2 .LBB2_7-.Ltmp5, $2  }
0x70: {  	_ =	sdelay $0x2  }
0x71: {  	s25 =	simm.s32 $0x10;
	s28 =	sadd.s32 $0xFFFFFFF0, s23;
	s21 =	smov.u32 s20;
	vm0 =	vmmov vm1  }
.LBB2_6:
0x72: {  	s0 =	smin.u32 s28, $0x10;
	s25 =	sadd.s32 $0x10, s25;
	v1 =	vld.msk [tilespmem:s21+$0x0 ss:$0x1], vm1  }
0x73: {  	v2 =	vmov s0;
	p2 =	slt.s32 s25, s23  }
0x74: {  	vm1 =	vgt.u32 v2, v0  }
.Ltmp6:
0x75: {  	(pc) =	sbr.rel @p2 .LBB2_6-.Ltmp6, $3  }
0x76: {  	_ =	sdelay $0x1  }
0x77: {  	v1 =	vshll.u32 v1, $0x4  }
0x78: {  	s28 =	sadd.s32 $0xFFFFFFF0, s28;
	[tilespmem:s21+$0x0] =	vst.msk vm0, v1;
	s21 =	sadd.s32 $0x10, s21;
	vm0 =	vmmov vm1  }
.LBB2_7:
0x79: {  	_ =	sdelay $0x4  }
0x7a: {  	v1 =	vld.msk [tilespmem:s21+$0x0 ss:$0x1], vm1;
	_ =	sdelay $0x4  }
0x7b: {  	v1 =	vshll.u32 v1, $0x4  }
0x7c: {  	[tilespmem:s21+$0x0] =	vst.msk vm0, v1  }
.LBB2_8:
0x7d: {  	s0 =	sand.u32 $0x1, s18  }
0x7e: {  	s0 =	smul.u32 $0xF0, s0  }
0x7f: {  	p2 =	sne.s32 s26, $0xFFFFFFFF  }
0x80: {  	v1 =	vld.msk @!p2 [tilespmem:s0+$0x10508], $0x1;
	_ =	sdelay $0x4  }
0x81: {  	(v2sf) =	vpush @!p2 v1, $0x0;
	_ =	sdelay $0xc  }
.Ltmp7:
0x82: {  	_ = 	snop;
	(pc) =	sbr.rel @p1 .LBB2_19-.Ltmp7, $4  }
0x83: {  	_ = 	snop  }
0x84: {  	s25 =	spop @!p2 (v2sf)  }
0x85: {  	s19 =	simm.s32 @!p2 $0x0;
	s21 =	smov.u32 s25  }
0x86: {  	[sflag:s15] =	ssyncpa.u1 $0x0;
	s25 =	smov.u32 @p2 s24;
	s21 =	smov.u32 @p2 s26  }
0x87: {  	v1 =	vld.msk [tilespmem:s20+$0x0], $0x1;
	_ =	sdelay $0x4  }
0x88: {  	(v2sf) =	vpush v1, $0x0;
	_ =	sdelay $0xe  }
0x89: {  	s0 =	smul.u32 $0x1E000, s22;
	s29 =	spop (v2sf)  }
0x8a: {  	s23 =	ssub.s32 $0x0, s23;
	p1 =	seq.s32 s25, s29  }
0x8b: {  	s26 =	sadd.s32 $0x1, s23;
	s0 =	sshrl.u32 s0, $0x2;
	p2 =	sgt.s32 @!p1 s25, $0x0  }
0x8c: {  	s22 =	sor.u32 $0x10728, s0;
	s0 =	smov.u32 s25;
	p2 =	por !p2, p1  }
0x8d: {  	s0 =	simm.s32 @p2 $0x0;
	p2 =	seq.s32 s26, $0x0  }
.Ltmp8:
0x8e: {  	_ = 	snop;
	(pc) =	sbr.rel @p2 .LBB2_11-.Ltmp8, $4  }
0x8f: {  	_ = 	snop  }
0x90: {  	s24 =	simm.s32 $0x0;
	s28 =	sadd.s32 $0x1, s20;
	s0 =	smin.u32 @!p1 s0, $0x270F0  }
0x91: {  	s30 =	simm.s32 @!p1 $0x1;
	s31 =	simm.s32 @!p1 $0x7988;
	s2 =	sand.u32 @!p1 $0x3FFF8, s0  }
0x92: {  	s30 =	smov.u32 @p1 s24;
	s0 =	sand.u32 @!p1 $0x7, s0;
	s2 =	sadd.s32 @!p1 s1, s2  }
.LBB2_10:
0x93: {  	s8 =	smov.u32 s30  }
0x94: {  	[tilespmem:s31], [sflag:$0x2] =	stream.linear.gather @!p1 [hbm4b:s2+s0], $0x80, $0x38;
	[tilespmem:$0x1F6E8] =	vst v63  }
0x95: {  	s26 =	sadd.s32 $0x1, s26;
	s0 =	smov.u32 s29;
	v1 =	vld.msk [tilespmem:s28+$0x0], $0x1  }
0x96: {  	p2 =	seq.s32 s26, $0x0;
	_ =	sdelay $0x3  }
0x97: {  	(v2sf) =	vpush v1, $0x0;
	_ =	sdelay $0xe  }
0x98: {  	s29 =	spop (v2sf)  }
0x99: {  	p1 =	seq.s32 s0, s29  }
0x9a: {  	p3 =	sgt.s32 @!p1 s0, $0x0;
	s2 =	sshll.u32 @!p1 s30, $0x9;
	s30 =	sadd.s32 @!p1 $0x1, s30  }
.Ltmp9:
0x9b: {  	p3 =	por !p3, p1;
	s2 =	sshra.s32 @!p1 s2, $0x2;
	(pc) =	sbr.rel @!p2 .LBB2_10-.Ltmp9, $4  }
0x9c: {  	s30 =	smov.u32 @p1 s8;
	s0 =	simm.s32 @p3 $0x0;
	s31 =	sadd.s32 @!p1 $0x7988, s2  }
0x9d: {  	s0 =	smin.u32 @!p1 s0, $0x270F0  }
0x9e: {  	s2 =	sand.u32 @!p1 $0x3FFF8, s0;
	s0 =	sand.u32 @!p1 $0x7, s0  }
0x9f: {  	s28 =	sadd.s32 $0x1, s28;
	s2 =	sadd.s32 @!p1 s1, s2  }
.LBB2_11:
0xa0: {  	[tilespmem:s31], [sflag:$0x2] =	stream.linear.gather @!p1 [hbm4b:s2+s0], $0x80, $0x38;
	[tilespmem:$0x1F6E8] =	vst v63  }
.Ltmp10:
0xa1: {  	s30 =	sshll.u32 s30, $0x7;
	(pc) =	sbr.rel .LBB2_12-.Ltmp10, $4  }
0xa2: {  	s31 =	simm.s32 $0x2;
	s0 =	sand.u32 $0x3FFFFF80, s30  }
0xa3: {  	_ =	swait.ge [sflag:s31], s0  }
0xa4: {  	s0 =	ssub.s32 $0x0, s0;
	[sflag:s31] =	ssyncset.done $0x0  }
0xa5: {  	s28 =	simm.s32 $0x0;
	[sflag:s31] =	ssyncadd.s32 s0  }
.LBB2_13:
0xa6: {  	v1 =	vld [tilespmem:s22+$0xFFFFFFC0];
	_ =	sdelay $0x3  }
0xa7: {  	s0 =	sshra.s32 s0, $0x2  }
0xa8: {  	[tilespmem:s0+$0x108] =	vst.add.f32.msk $0xffff, v1  }
0xa9: {  	v1 =	vld [tilespmem:s22+$0xFFFFFFD0];
	_ =	sdelay $0x4  }
0xaa: {  	[tilespmem:s0+$0x118] =	vst.add.f32.msk $0xffff, v1  }
0xab: {  	v1 =	vld [tilespmem:s22+$0xFFFFFFE0];
	_ =	sdelay $0x4  }
0xac: {  	[tilespmem:s0+$0x128] =	vst.add.f32.msk $0xffff, v1  }
0xad: {  	v1 =	vld [tilespmem:s22+$0xFFFFFFF0];
	_ =	sdelay $0x4  }
0xae: {  	[tilespmem:s0+$0x138] =	vst.add.f32.msk $0xffff, v1  }
0xaf: {  	v1 =	vld [tilespmem:s22+$0x0];
	_ =	sdelay $0x4  }
0xb0: {  	[tilespmem:s0+$0x148] =	vst.add.f32.msk $0xffff, v1  }
0xb1: {  	v1 =	vld [tilespmem:s22+$0x10];
	_ =	sdelay $0x4  }
0xb2: {  	[tilespmem:s0+$0x158] =	vst.add.f32.msk $0xffff, v1  }
0xb3: {  	v1 =	vld [tilespmem:s22+$0x20];
	_ =	sdelay $0x4  }
0xb4: {  	[tilespmem:s0+$0x168] =	vst.add.f32.msk $0xffff, v1  }
0xb5: {  	v1 =	vld [tilespmem:s22+$0x30];
	_ =	sdelay $0x4  }
0xb6: {  	[tilespmem:s0+$0x178] =	vst.add.f32.msk $0xffff, v1  }
.LBB2_17:
0xb7: {  	s23 =	sadd.s32 $0x1, s23  }
0xb8: {  	p1 =	seq.s32 s23, $0x0  }
.Ltmp11:
0xb9: {  	_ = 	snop;
	(pc) =	sbr.rel @p1 .LBB2_18-.Ltmp11, $2  }
0xba: {  	_ =	sdelay $0x2  }
0xbb: {  	s20 =	sadd.s32 $0x1, s20;
	s22 =	sadd.s32 $0x80, s22;
	s25 =	smov.u32 s26  }
.LBB2_12:
0xbc: {  	v1 =	vld.msk [tilespmem:s20+$0x0], $0x1;
	_ =	sdelay $0x4  }
0xbd: {  	(v2sf) =	vpush v1, $0x0;
	_ =	sdelay $0xe  }
0xbe: {  	s26 =	spop (v2sf)  }
0xbf: {  	p1 =	sne.s32 s25, s26  }
.Ltmp12:
0xc0: {  	_ = 	snop;
	(pc) =	sbr.rel @!p1 .LBB2_13-.Ltmp12, $2  }
0xc1: {  	_ =	sdelay $0x2  }
0xc2: {  	s0 =	sshll.u32 s19, $0x9  }
0xc3: {  	p1 =	seq.s32 s25, s21  }
.Ltmp13:
0xc4: {  	_ = 	snop;
	(pc) =	sbr.rel @!p1 .LBB2_15-.Ltmp13, $1  }
0xc5: {  	_ =	sdelay $0x3  }
0xc6: {  	s0 =	sshra.s32 s0, $0x2  }
.Ltmp14:
0xc7: {  	s0 =	sadd.s32 $0x108, s0;
	(pc) =	sbr.rel .LBB2_16-.Ltmp14, $4  }
0xc8: {  	[spmem:s13] =	stream.linear.scatter [tilespmem:s0], [sflag:$0x1], $0x80, $0x38;
	[tilespmem:$0x1F6E8] =	vst v63  }
0xc9: {  	_ =	swait.ge [sflag:s11], $0x80  }
0xca: {  	[sflag:s11] =	ssyncset.done $0x0  }
0xcb: {  	[sflag:s11] =	ssyncadd.s32 $0xFFFFFF80  }
.LBB2_15:
0xcc: {  	s2 =	sshll.u32 s24, $0x9  }
0xcd: {  	s2 =	sshra.s32 s2, $0x2  }
0xce: {  	v1 =	vld [tilespmem:s2+$0x7988];
	_ =	sdelay $0x3  }
0xcf: {  	s0 =	sshra.s32 s0, $0x2  }
0xd0: {  	[tilespmem:s0+$0x108] =	vst.add.f32.msk $0xffff, v1  }
0xd1: {  	v1 =	vld [tilespmem:s2+$0x7998];
	_ =	sdelay $0x4  }
0xd2: {  	[tilespmem:s0+$0x118] =	vst.add.f32.msk $0xffff, v1  }
0xd3: {  	v1 =	vld [tilespmem:s2+$0x79A8];
	_ =	sdelay $0x4  }
0xd4: {  	[tilespmem:s0+$0x128] =	vst.add.f32.msk $0xffff, v1  }
0xd5: {  	v1 =	vld [tilespmem:s2+$0x79B8];
	_ =	sdelay $0x4  }
0xd6: {  	[tilespmem:s0+$0x138] =	vst.add.f32.msk $0xffff, v1  }
0xd7: {  	v1 =	vld [tilespmem:s2+$0x79C8];
	_ =	sdelay $0x4  }
0xd8: {  	[tilespmem:s0+$0x148] =	vst.add.f32.msk $0xffff, v1  }
0xd9: {  	v1 =	vld [tilespmem:s2+$0x79D8];
	_ =	sdelay $0x4  }
0xda: {  	[tilespmem:s0+$0x158] =	vst.add.f32.msk $0xffff, v1  }
0xdb: {  	v1 =	vld [tilespmem:s2+$0x79E8];
	_ =	sdelay $0x4  }
0xdc: {  	[tilespmem:s0+$0x168] =	vst.add.f32.msk $0xffff, v1  }
0xdd: {  	v1 =	vld [tilespmem:s2+$0x79F8];
	_ =	sdelay $0x2  }
0xde: {  	p1 =	sgt.u32 s25, $0x270F0  }
0xdf: {  	s2 =	sand.u32 @!p1 $0x3FFF8, s25  }
0xe0: {  	s8 =	sadd.s32 $0x108, s0;
	[tilespmem:s0+$0x178] =	vst.add.f32.msk $0xffff, v1;
	s0 =	sadd.s32 @!p1 s1, s2;
	s2 =	sand.u32 @!p1 $0x7, s25  }
0xe1: {  	[hbm4b:s0+s2] =	stream.linear.scatter @!p1 [tilespmem:s8], [sflag:$0xA], $0x80, $0x38;
	[tilespmem:$0x1F6E8] =	vst v63  }
0xe2: {  	s0 =	simm.s32 $0x0  }
0xe3: {  	s0 =	simm.s32 @!p1 $0x200  }
0xe4: {  	s28 =	sadd.s32 s0, s28  }
.LBB2_16:
0xe5: {  	s0 =	sadd.s32 $0x1, s19  }
0xe6: {  	s2 =	smulhi.u32 $0x88888889, s0;
	_ =	sdelay $0x1  }
0xe7: {  	v1 =	vld [tilespmem:s22+$0xFFFFFFC0];
	s2 =	sshrl.u32 s2, $0x7  }
0xe8: {  	s2 =	smul.u32 $0xF0, s2;
	_ =	sdelay $0x1  }
0xe9: {  	s19 =	ssub.s32 s0, s2  }
0xea: {  	s0 =	sshll.u32 s19, $0x7  }
0xeb: {  	[tilespmem:s0+$0x108] =	vst v1  }
0xec: {  	v1 =	vld [tilespmem:s22+$0xFFFFFFD0];
	_ =	sdelay $0x4  }
0xed: {  	[tilespmem:s0+$0x118] =	vst v1  }
0xee: {  	v1 =	vld [tilespmem:s22+$0xFFFFFFE0];
	_ =	sdelay $0x4  }
0xef: {  	[tilespmem:s0+$0x128] =	vst v1  }
0xf0: {  	v1 =	vld [tilespmem:s22+$0xFFFFFFF0];
	_ =	sdelay $0x4  }
0xf1: {  	[tilespmem:s0+$0x138] =	vst v1  }
0xf2: {  	v1 =	vld [tilespmem:s22+$0x0];
	_ =	sdelay $0x4  }
0xf3: {  	[tilespmem:s0+$0x148] =	vst v1  }
0xf4: {  	v1 =	vld [tilespmem:s22+$0x10];
	_ =	sdelay $0x4  }
0xf5: {  	[tilespmem:s0+$0x158] =	vst v1  }
0xf6: {  	v1 =	vld [tilespmem:s22+$0x20];
	_ =	sdelay $0x4  }
0xf7: {  	[tilespmem:s0+$0x168] =	vst v1  }
0xf8: {  	v1 =	vld [tilespmem:s22+$0x30]  }
.Ltmp15:
0xf9: {  	_ = 	snop;
	(pc) =	sbr.rel .LBB2_17-.Ltmp15, $2  }
0xfa: {  	_ =	sdelay $0x2  }
0xfb: {  	s24 =	sadd.s32 $0x1, s24;
	[tilespmem:s0+$0x178] =	vst v1  }
.LBB2_19:
.Ltmp16:
0xfc: {  	(pc) =	sbr.rel .LBB2_20-.Ltmp16, $4  }
0xfd: {  	_ = 	snop  }
0xfe: {  	s0 =	simm.s32 $0x2  }
0xff: {  	_ =	swait.ge [sflag:s0], $0x0  }
0x100: {  	s26 =	smov.u32 s25;
	[sflag:s0] =	ssyncset.done $0x0;
	s0 =	simm.s32 $0x0  }
.LBB2_22:
0x101: {  	_ =	sfence.sel $0x180000  }
0x102: {  	s0 =	simm.s32 $0x7;
	[bflag:$0x0] =	sbarrier.arrive $0xFFFF  }
0x103: {  	s25 =	simm.s32 $0x8;
	[sflag:s0] =	ssyncpa.u1 $0x1  }
0x104: {  	s26 =	simm.s32 $0x9;
	[sflag:s25] =	ssyncpa.u1 $0x1  }
0x105: {  	s28 =	simm.s32 $0x2;
	[sflag:s26] =	ssyncpa.u1 $0x1  }
0x106: {  	[sflag:s28] =	ssyncpa.u1 $0x1  }
0x107: {  	v0 =	vld [tilespmem:$0xF208];
	_ =	sdelay $0x4  }
0x108: {  	(v2sf) =	vpush v0, $0x0  }
0x109: {  	(v2sf) =	vpush v0, $0x1;
	_ =	sdelay $0x1  }
0x10a: {  	(v2sf) =	vpush v0, $0x2;
	_ =	sdelay $0xb  }
0x10b: {  	s0 =	spop (v2sf)  }
0x10c: {  	s2 =	spop (v2sf)  }
0x10d: {  	s3 =	smov.u32 s0;
	p0 =	sne.s32 s0, s2  }
0x10e: {  	s4 =	spop (v2sf);
	s3 =	simm.s32 @!p0 $0xFFFFFFFF  }
0x10f: {  	v2 =	vimm.s32 $0x1;
	v3 =	vlaneseq.u32;
	p0 =	seq.s32 s4, $0xFFFFFFFF;
	v1 =	vmov s3  }
0x110: {  	s7 =	stileid.u32;
	v0 =	vperm.xlane v0, v2;
	p1 =	sne.s32 @!p0 s0, s2;
	v1 =	vperm.xlane v1, v3  }
0x111: {  	vm0 =	vcmask $0x3F04;
	s6 =	simm.s32 $0xF208;
	s0 =	simm.s32 @!p0 $0x1;
	p1 =	por !p1, p0  }
0x112: {  	s3 =	sshll.u32 s7, $0x1;
	s2 =	sshll.u32 @!p0 s4, $0x9;
	s0 =	simm.s32 @p1 $0x0;
	v0 =	vsel vm0, v1, v0  }
0x113: {  	s5 =	sor.u32 $0x1000, s3;
	s2 =	sshra.s32 @!p0 s2, $0x2;
	s0 =	sor.u32 @!p0 s0, s3;
	[tilespmem:$0xF208] =	vst v0  }
0x114: {  	[spmem:s5] =	stream.linear.scatter [tilespmem:s6], [sflag:$0x1], $0x2, $0x38;
	[tilespmem:$0x1F6E8] =	vst v63  }
0x115: {  	s2 =	sadd.s32 @!p0 $0x108, s2;
	s0 =	sshll.u32 @!p0 s0, $0x7  }
0x116: {  	[spmem:s0] =	stream.linear.scatter @!p0 [tilespmem:s2], [sflag:$0x1], $0x80, $0x38;
	[tilespmem:$0x1F6E8] =	vst v63  }
0x117: {  	s0 =	simm.s32 @!p0 $0x82  }
0x118: {  	s3 =	simm.s32 $0x1;
	s0 =	simm.s32 @p0 $0x2  }
0x119: {  	_ =	swait.ge [sflag:s3], s0  }
0x11a: {  	s0 =	ssub.s32 $0x0, s0;
	[sflag:s3] =	ssyncset.done $0x0  }
0x11b: {  	[sflag:s3] =	ssyncadd.s32 s0  }
0x11c: {  	_ =	sfence.stream.spmem  }
0x11d: {  	s29 =	simm.s32 $0x3;
	[bflag:$0x0] =	sbarrier.arrive $0xFFFF  }
0x11e: {  	s30 =	simm.s32 $0x4;
	[sflag:s29] =	ssyncpa.u1 $0x1  }
0x11f: {  	s31 =	simm.s32 $0x3C;
	[sflag:s30] =	ssyncpa.u1 $0x1  }
0x120: {  	p0 =	sne.s32 s7, $0x0;
	[sflag:s31] =	ssyncpa.u1 $0x1  }
0x121: {  	_ =	sfence @p0  }
0x122: {  	[sflag:s3] =	ssyncpa.u1 @p0 $0x1  }
0x123: {  	_ =	strace @p0 $0x90000050  }
0x124: {  	[bflag:$0x2] =	sbarrier.arrive @p0 $0xFFFF  }
0x125: {  	_ =	shalt @p0  }
.LBB2_23:
0x126: {  	_ =	sfence.stream.spmem;
	s0 =	simm.s32 $0x5  }
0x127: {  	s2 =	simm.s32 $0x1000;
	s3 =	simm.s32 $0xF218;
	[sflag:s0] =	ssyncpa.u1 $0x0  }
0x128: {  	[tilespmem:s3], [sflag:$0x5] =	stream.linear.gather [spmem:s2], $0x20, $0x38;
	[tilespmem:$0x1F6E8] =	vst v63  }
0x129: {  	s30 =	simm.s32 $0xF238;
	s2 =	simm.s32 $0x0  }
0x12a: {  	[tilespmem:s30], [sflag:$0x5] =	stream.linear.gather [spmem:s2], $0x1000, $0x38;
	[tilespmem:$0x1F6E8] =	vst v63  }
.Ltmp17:
0x12b: {  	_ = 	snop;
	(pc) =	sbr.rel .LBB2_24-.Ltmp17, $4  }
0x12c: {  	_ =	swait.ge [sflag:s0], $0x1020  }
0x12d: {  	[sflag:s0] =	ssyncset.done $0x0  }
0x12e: {  	s31 =	simm.s32 $0x6;
	[sflag:s0] =	ssyncadd.s32 $0xFFFFEFE0  }
0x12f: {  	s3 =	simm.s32 $0x0;
	[sflag:s31] =	ssyncpa.u1 $0x0  }
.LBB2_30:
0x130: {  	p0 =	slt.u32 s4, $0x270F1  }
0x131: {  	s0 =	sand.u32 @p0 $0x3FFF8, s4  }
0x132: {  	s4 =	sand.u32 @p0 $0x7, s4;
	s5 =	simm.s32 @p0 $0xF188;
	s0 =	sadd.s32 @p0 s1, s0  }
0x133: {  	[tilespmem:s5], [sflag:$0x6] =	stream.linear.gather @p0 [hbm4b:s0+s4], $0x80, $0x38;
	[tilespmem:$0x1F6E8] =	vst v63  }
0x134: {  	s0 =	simm.s32 @p0 $0x6  }
0x135: {  	_ =	swait.ge @p0 [sflag:s0], $0x80  }
0x136: {  	[sflag:s0] =	ssyncset.done @p0 $0x0  }
0x137: {  	[sflag:s0] =	ssyncadd.s32 @p0 $0xFFFFFF80  }
0x138: {  	v1 =	vld @p0 [tilespmem:$0xF188];
	_ =	sdelay $0x2  }
0x139: {  	s0 =	sshll.u32 @p0 s3, $0x9  }
0x13a: {  	s4 =	sshrl.u32 @p0 s0, $0x2  }
0x13b: {  	[tilespmem:s4+$0xF238] =	vst.add.f32.msk @p0 $0xffff, v1  }
0x13c: {  	v1 =	vld @p0 [tilespmem:$0xF198];
	_ =	sdelay $0x4  }
0x13d: {  	[tilespmem:s4+$0xF248] =	vst.add.f32.msk @p0 $0xffff, v1  }
0x13e: {  	v1 =	vld @p0 [tilespmem:$0xF1A8];
	_ =	sdelay $0x4  }
0x13f: {  	[tilespmem:s4+$0xF258] =	vst.add.f32.msk @p0 $0xffff, v1  }
0x140: {  	v1 =	vld @p0 [tilespmem:$0xF1B8];
	_ =	sdelay $0x4  }
0x141: {  	[tilespmem:s4+$0xF268] =	vst.add.f32.msk @p0 $0xffff, v1  }
0x142: {  	v1 =	vld @p0 [tilespmem:$0xF1C8];
	_ =	sdelay $0x4  }
0x143: {  	[tilespmem:s4+$0xF278] =	vst.add.f32.msk @p0 $0xffff, v1  }
0x144: {  	v1 =	vld @p0 [tilespmem:$0xF1D8];
	_ =	sdelay $0x4  }
0x145: {  	[tilespmem:s4+$0xF288] =	vst.add.f32.msk @p0 $0xffff, v1  }
0x146: {  	v1 =	vld @p0 [tilespmem:$0xF1E8];
	_ =	sdelay $0x4  }
0x147: {  	[tilespmem:s4+$0xF298] =	vst.add.f32.msk @p0 $0xffff, v1  }
0x148: {  	v1 =	vld @p0 [tilespmem:$0xF1F8];
	_ =	sdelay $0x3  }
0x149: {  	s5 =	sshll.u32 @!p0 s3, $0x9  }
0x14a: {  	s5 =	smov.u32 @p0 s0;
	[tilespmem:s4+$0xF2A8] =	vst.add.f32.msk @p0 $0xffff, v1  }
0x14b: {  	s0 =	sshrl.u32 s5, $0x2;
	[tilespmem:s2+$0xF218] =	vst.msk $0x1, v0  }
0x14c: {  	v0 =	vld [tilespmem:s0+$0xF238];
	_ =	sdelay $0x2  }
0x14d: {  	s31 =	sshll.u32 s2, $0x9  }
0x14e: {  	s4 =	sshra.s32 s31, $0x2  }
0x14f: {  	[tilespmem:s4+$0xF238] =	vst v0  }
0x150: {  	v0 =	vld [tilespmem:s0+$0xF248];
	_ =	sdelay $0x4  }
0x151: {  	[tilespmem:s4+$0xF248] =	vst v0  }
0x152: {  	v0 =	vld [tilespmem:s0+$0xF258];
	_ =	sdelay $0x4  }
0x153: {  	[tilespmem:s4+$0xF258] =	vst v0  }
0x154: {  	v0 =	vld [tilespmem:s0+$0xF268];
	_ =	sdelay $0x4  }
0x155: {  	[tilespmem:s4+$0xF268] =	vst v0  }
0x156: {  	v0 =	vld [tilespmem:s0+$0xF278];
	_ =	sdelay $0x4  }
0x157: {  	[tilespmem:s4+$0xF278] =	vst v0  }
0x158: {  	v0 =	vld [tilespmem:s0+$0xF288];
	_ =	sdelay $0x4  }
0x159: {  	[tilespmem:s4+$0xF288] =	vst v0  }
0x15a: {  	v0 =	vld [tilespmem:s0+$0xF298];
	_ =	sdelay $0x4  }
0x15b: {  	[tilespmem:s4+$0xF298] =	vst v0  }
0x15c: {  	v0 =	vld [tilespmem:s0+$0xF2A8];
	_ =	sdelay $0x4  }
0x15d: {  	s2 =	sadd.s32 $0x1, s2;
	[tilespmem:s4+$0xF2A8] =	vst v0  }
.LBB2_31:
0x15e: {  	s3 =	sadd.s32 $0x1, s3  }
0x15f: {  	p0 =	sne.s32 s3, $0x20  }
.Ltmp18:
0x160: {  	_ = 	snop;
	(pc) =	sbr.rel @!p0 .LBB2_32-.Ltmp18, $1  }
0x161: {  	_ =	sdelay $0x3  }
.LBB2_24:
0x162: {  	v0 =	vld.msk [tilespmem:s3+$0xF218], $0x1;
	_ =	sdelay $0x4  }
0x163: {  	(v2sf) =	vpush v0, $0x0;
	_ =	sdelay $0xe  }
0x164: {  	s4 =	spop (v2sf)  }
0x165: {  	p0 =	seq.s32 s4, $0xFFFFFFFF  }
.Ltmp19:
0x166: {  	_ = 	snop;
	(pc) =	sbr.rel @p0 .LBB2_31-.Ltmp19, $1  }
0x167: {  	_ =	sdelay $0x3  }
0x168: {  	p0 =	slt.s32 s2, $0x1  }
.Ltmp20:
0x169: {  	_ = 	snop;
	(pc) =	sbr.rel @p0 .LBB2_30-.Ltmp20, $1  }
0x16a: {  	_ =	sdelay $0x3  }
0x16b: {  	s5 =	simm.s32 $0xF218;
	p0 =	por $0x0, $0x0  }
0x16c: {  	v1 =	vld.msk @!p0 [tilespmem:s5+$0x0], $0x1;
	_ =	sdelay $0x4  }
0x16d: {  	(v2sf) =	vpush @!p0 v1, $0x0;
	_ =	sdelay $0xd  }
0x16e: {  	p2 =	sne.s32 s2, $0x1  }
.Ltmp21:
0x16f: {  	s0 =	spop @!p0 (v2sf);
	(pc) =	sbr.rel @!p2 .LBB2_28-.Ltmp21, $4  }
0x170: {  	p1 =	seq.s32 @!p0 s4, s0  }
0x171: {  	s6 =	simm.s32 $0x0;
	p1 =	por !p1, p0  }
0x172: {  	s0 =	simm.s32 $0xFFFFFFFF;
	s6 =	simm.s32 @p1 $0xFFFFFFFF  }
0x173: {  	s7 =	simm.s32 $0x1;
	s6 =	smov.u32 @p0 s0  }
.LBB2_27:
0x174: {  	s0 =	smov.u32 s6;
	p0 =	sne.s32 s6, $0xFFFFFFFF  }
0x175: {  	s5 =	sadd.s32 $0x1, s5;
	s6 =	smov.u32 s7;
	s7 =	sadd.s32 $0x1, s7  }
0x176: {  	p1 =	sne.s32 s2, s7;
	v1 =	vld.msk @!p0 [tilespmem:s5+$0x0], $0x1;
	_ =	sdelay $0x4  }
0x177: {  	(v2sf) =	vpush @!p0 v1, $0x0;
	_ =	sdelay $0xe  }
.Ltmp22:
0x178: {  	s8 =	spop @!p0 (v2sf);
	(pc) =	sbr.rel @p1 .LBB2_27-.Ltmp22, $4  }
0x179: {  	p2 =	seq.s32 @!p0 s4, s8  }
0x17a: {  	p2 =	por !p2, p0  }
0x17b: {  	s6 =	simm.s32 @p2 $0xFFFFFFFF  }
0x17c: {  	s6 =	smov.u32 @p0 s0  }
.LBB2_28:
0x17d: {  	p0 =	seq.s32 s6, $0xFFFFFFFF  }
.Ltmp23:
0x17e: {  	_ = 	snop;
	(pc) =	sbr.rel @p0 .LBB2_30-.Ltmp23, $1  }
0x17f: {  	_ =	sdelay $0x3  }
0x180: {  	s0 =	sshll.u32 s3, $0x7  }
0x181: {  	s0 =	sand.u32 $0x3FFFFF80, s0  }
0x182: {  	v0 =	vld [tilespmem:s0+$0xF238];
	_ =	sdelay $0x2  }
0x183: {  	s4 =	sshll.u32 s6, $0x9  }
0x184: {  	s4 =	sshra.s32 s4, $0x2  }
0x185: {  	[tilespmem:s4+$0xF238] =	vst.add.f32.msk $0xffff, v0  }
0x186: {  	v0 =	vld [tilespmem:s0+$0xF248];
	_ =	sdelay $0x4  }
0x187: {  	[tilespmem:s4+$0xF248] =	vst.add.f32.msk $0xffff, v0  }
0x188: {  	v0 =	vld [tilespmem:s0+$0xF258];
	_ =	sdelay $0x4  }
0x189: {  	[tilespmem:s4+$0xF258] =	vst.add.f32.msk $0xffff, v0  }
0x18a: {  	v0 =	vld [tilespmem:s0+$0xF268];
	_ =	sdelay $0x4  }
0x18b: {  	[tilespmem:s4+$0xF268] =	vst.add.f32.msk $0xffff, v0  }
0x18c: {  	v0 =	vld [tilespmem:s0+$0xF278];
	_ =	sdelay $0x4  }
0x18d: {  	[tilespmem:s4+$0xF278] =	vst.add.f32.msk $0xffff, v0  }
0x18e: {  	v0 =	vld [tilespmem:s0+$0xF288];
	_ =	sdelay $0x4  }
0x18f: {  	[tilespmem:s4+$0xF288] =	vst.add.f32.msk $0xffff, v0  }
0x190: {  	v0 =	vld [tilespmem:s0+$0xF298];
	_ =	sdelay $0x4  }
0x191: {  	[tilespmem:s4+$0xF298] =	vst.add.f32.msk $0xffff, v0  }
0x192: {  	v0 =	vld [tilespmem:s0+$0xF2A8]  }
.Ltmp24:
0x193: {  	_ = 	snop;
	(pc) =	sbr.rel .LBB2_31-.Ltmp24, $2  }
0x194: {  	_ =	sdelay $0x2  }
0x195: {  	[tilespmem:s4+$0xF2A8] =	vst.add.f32.msk $0xffff, v0  }
.LBB2_32:
0x196: {  	p0 =	slt.s32 s2, $0x1  }
.Ltmp25:
0x197: {  	_ = 	snop;
	(pc) =	sbr.rel @p0 .LBB2_36-.Ltmp25, $3  }
0x198: {  	_ =	sdelay $0x1  }
0x199: {  	s0 =	simm.s32 $0x6  }
0x19a: {  	s3 =	simm.s32 $0x0;
	[sflag:s0] =	ssyncpa.u1 $0x1  }
0x19b: {  	s0 =	simm.s32 $0xF218  }
0x19c: {  	v0 =	vld.msk [tilespmem:s0+$0x0], $0x1;
	_ =	sdelay $0x4  }
0x19d: {  	(v2sf) =	vpush v0, $0x0;
	_ =	sdelay $0xd  }
0x19e: {  	s2 =	sadd.s32 $0xFFFFFFFF, s2  }
0x19f: {  	p1 =	sne.s32 s2, $0x0;
	s0 =	spop (v2sf)  }
.Ltmp26:
0x1a0: {  	p0 =	sgt.u32 s0, $0x270F0;
	(pc) =	sbr.rel @!p1 .LBB2_35-.Ltmp26, $4  }
0x1a1: {  	s4 =	simm.s32 $0xF238;
	s5 =	sand.u32 @!p0 $0x3FFF8, s0  }
0x1a2: {  	s6 =	simm.s32 $0x0;
	s0 =	sand.u32 @!p0 $0x7, s0;
	s5 =	sadd.s32 @!p0 s1, s5  }
0x1a3: {  	[hbm4b:s5+s0] =	stream.linear.scatter @!p0 [tilespmem:s4], [sflag:$0x5], $0x80, $0x38;
	[tilespmem:$0x1F6E8] =	vst v63  }
0x1a4: {  	s6 =	simm.s32 @!p0 $0x200;
	s5 =	simm.s32 $0xF219  }
.LBB2_34:
0x1a5: {  	v0 =	vld.msk [tilespmem:s5+$0x0], $0x1;
	s2 =	sadd.s32 $0xFFFFFFFF, s2;
	s3 =	sadd.s32 s3, s6  }
0x1a6: {  	p0 =	sne.s32 s2, $0x0;
	_ =	sdelay $0x3  }
0x1a7: {  	(v2sf) =	vpush v0, $0x0;
	_ =	sdelay $0xe  }
.Ltmp27:
0x1a8: {  	s0 =	spop (v2sf);
	(pc) =	sbr.rel @p0 .LBB2_34-.Ltmp27, $4  }
0x1a9: {  	s6 =	simm.s32 $0x0;
	p1 =	sgt.u32 s0, $0x270F0  }
0x1aa: {  	s4 =	sadd.s32 $0x80, s4;
	s6 =	simm.s32 @!p1 $0x200;
	s7 =	sand.u32 @!p1 $0x3FFF8, s0  }
0x1ab: {  	s5 =	sadd.s32 $0x1, s5;
	s0 =	sand.u32 @!p1 $0x7, s0;
	s7 =	sadd.s32 @!p1 s1, s7  }
0x1ac: {  	[hbm4b:s7+s0] =	stream.linear.scatter @!p1 [tilespmem:s4], [sflag:$0x5], $0x80, $0x38;
	[tilespmem:$0x1F6E8] =	vst v63  }
.LBB2_35:
0x1ad: {  	s0 =	sadd.s32 s3, s6  }
0x1ae: {  	s3 =	sshrl.u32 s0, $0x2  }
.LBB2_36:
0x1af: {  	s0 =	simm.s32 $0x5  }
0x1b0: {  	_ =	swait.ge [sflag:s0], s3  }
0x1b1: {  	s1 =	ssub.s32 $0x0, s3;
	[sflag:s0] =	ssyncset.done $0x0  }
0x1b2: {  	[sflag:s0] =	ssyncadd.s32 s1  }
0x1b3: {  	[sflag:s0] =	ssyncpa.u1 $0x1  }
0x1b4: {  	s30 =	simm.s32 $0x1;
	_ =	sfence  }
0x1b5: {  	[sflag:s30] =	ssyncpa.u1 $0x1  }
0x1b6: {  	_ =	strace $0x90000050  }
0x1b7: {  	[bflag:$0x2] =	sbarrier.arrive $0xFFFF  }
0x1b8: {  	s31 =	rddreg [dreg:$0x1]  }
0x1b9: {  	s0 =	sadd.s32 $0x100000, s31  }
0x1ba: {  	[sflag:s0] =	ssyncadd.tile.s32 $0x1;
	_ =	shalt  }
.Lfunc_end2:
_tile_overlayer_lowered:
.L_overlay_start_2:
0x1bb: {  	(tag) =	ssettag $0x2  }
0x1bc: {  	s0 =	rddreg [dreg:$0x0];
	s2 =	stileid.u32  }
0x1bd: {  	s1 =	rddreg [dreg:$0x1];
	p0 =	sne.s32 s2, $0x0  }
0x1be: {  	s3 =	rddreg [dreg:$0x2];
	[bflag:$0x3] =	sbarrier.arrive $0xFFFF;
	s2 =	simm.s32 @!p0 $0x1C01  }
0x1bf: {  	[timem:s3], [sflag:s2] =	dma.local @!p0 [hbm:s0], s1  }
0x1c0: {  	s0 =	simm.s32 @!p0 $0x1  }
0x1c1: {  	_ =	swait.ge @!p0 [sflag:s0], s1  }
0x1c2: {  	s1 =	ssub.s32 @!p0 $0x0, s1;
	[sflag:s0] =	ssyncset.done @!p0 $0x0  }
0x1c3: {  	[sflag:s0] =	ssyncadd.s32 @!p0 s1  }
0x1c4: {  	[bflag:$0x3] =	sbarrier.arrive $0xFFFF  }
0x1c5: {  	_ =	shalt  }

// kernel: scatter_offload_async_start
scs
__scs_entry_jumppad:
0x0: {  	(pc) =	sbr.rel $0x88, $3  }
0x1: {  	(tag) =	ssettag $0x0;
	lr =	simm.s32 $0x1  }
0x2: {  	[smem:$0x3F91] =	sst lr;
	_ =	strace $0xD0000000  }
0x3: {  	_ = 	snop  }
0x4: {  	_ = 	snop  }
0x5: {  	_ = 	snop  }
0x6: {  	_ = 	snop  }
0x7: {  	_ = 	snop  }
__scs_overlays_trampoline_lowered:
0x8: {  	[smem:$0x3FA0] =	sst s0  }
0x9: {  	[smem:$0x3FA1] =	sst s1  }
0xa: {  	[smem:$0x3FA2] =	sst s2  }
0xb: {  	[smem:$0x3FA3] =	sst s3  }
0xc: {  	[smem:$0x3FA4] =	sst s4  }
0xd: {  	[smem:$0x3FA5] =	sst s5  }
0xe: {  	[smem:$0x3FA6] =	sst s6  }
0xf: {  	[smem:$0x3FA7] =	sst s7  }
0x10: {  	[smem:$0x3FA8] =	sst s8  }
0x11: {  	[smem:$0x3FA9] =	sst s9;
	s0 =	simm.s32 @!p0 $0x0  }
0x12: {  	s1 =	sld [smem:$0x3F8F];
	s0 =	simm.s32 @p0 $0x1  }
0x13: {  	[smem:$0x3FAA] =	sst s0;
	s0 =	simm.s32 @!p1 $0x0  }
0x14: {  	s2 =	sld [smem:$0x3F8E];
	s0 =	simm.s32 @p1 $0x1  }
0x15: {  	[smem:$0x3FAB] =	sst s0;
	s0 =	simm.s32 @!p2 $0x0  }
0x16: {  	s3 =	sld [smem:$0x3FDB];
	s0 =	simm.s32 @p2 $0x1  }
0x17: {  	s4 =	simm.s32 $0x1BF5;
	[smem:$0x3FAD] =	sst s0  }
0x18: {  	s0 =	sld [smem:$0x3F90];
	_ =	swait.ge [sflag:s4], $0x0  }
0x19: {  	s7 =	sld [smem:$0x3F91]  }
0x1a: {  	s8 =	sadd.s32 $0xFFFFE003, lr  }
0x1b: {  	s9 =	sadd.s32 $0xFFFFFEF7, lr;
	s5 =	simm.s32 $0xFFFFFFFF;
	p2 =	slt.u32 s8, $0xFFFFF086  }
0x1c: {  	p1 =	slt.u32 s9, $0xF7A;
	s5 =	simm.s32 @!p2 $0x0  }
0x1d: {  	s5 =	simm.s32 @p1 $0x1;
	p0 =	seq.s32 s7, s2  }
0x1e: {  	s7 =	smul.u32 @!p0 $0xF7A, s2;
	p2 =	seq.s32 @!p0 s5, $0x0  }
0x1f: {  	s9 =	smul.u32 $0xF7A, s1;
	s8 =	simm.s32 @!p0 $0x1BF5;
	p2 =	por !p2, p0  }
0x20: {  	[sflag:s8] =	ssyncset.s32 @!p0 $0xFFFFF086;
	s6 =	sadd.s32 @!p0 s3, s7;
	s7 =	simm.s32 @!p0 $0x108  }
0x21: {  	s3 =	sadd.s32 s3, s9;
	s6 =	sadd.s32 @!p0 $0x88, s6;
	s7 =	simm.s32 @p2 $0x1082  }
0x22: {  	[simem:s7], [sflag:s8] =	dma.local @!p0 [hbm:s6], $0xF7A  }
0x23: {  	s9 =	sor.u32 $0xD0000000, s2;
	s6 =	simm.s32 $0x108;
	_ =	swait.ge @!p0 [sflag:s8], $0x0  }
0x24: {  	s3 =	sadd.s32 $0x88, s3;
	s6 =	simm.s32 @!p1 $0x1082;
	[sflag:s4] =	ssyncset.s32 $0xFFFFF086  }
0x25: {  	[simem:s6], [sflag:s4] =	dma.local [hbm:s3], $0xF7A  }
0x26: {  	[smem:$0x3F91] =	sst s1;
	(tag) =	ssettag s2;
	_ =	strace s9  }
0x27: {  	s1 =	sld [smem:$0x3FA1]  }
0x28: {  	s2 =	sld [smem:$0x3FA2]  }
0x29: {  	s4 =	sld [smem:$0x3FA4]  }
0x2a: {  	p0 =	seq.s32 s5, $0x0;
	s5 =	sld [smem:$0x3FA5]  }
0x2b: {  	s6 =	sld [smem:$0x3FA6]  }
0x2c: {  	s7 =	sld [smem:$0x3FA7]  }
0x2d: {  	s3 =	simm.s32 $0x108;
	s8 =	sld [smem:$0x3FA8]  }
0x2e: {  	s3 =	simm.s32 @!p0 $0x1082;
	s9 =	sld [smem:$0x3FA9]  }
0x2f: {  	lr =	sadd.s32 s0, s3;
	s0 =	sld [smem:$0x3FA0]  }
0x30: {  	s3 =	sld [smem:$0x3FA3]  }
0x31: {  	[smem:$0x3FAC] =	sst s10  }
0x32: {  	s10 =	sld [smem:$0x3FAA];
	_ =	sdelay $0x3  }
0x33: {  	p0 =	seq.s32 s10, $0x1;
	s10 =	sld [smem:$0x3FAC];
	_ =	sdelay $0x3  }
0x34: {  	[smem:$0x3FAC] =	sst s10  }
0x35: {  	s10 =	sld [smem:$0x3FAB];
	_ =	sdelay $0x3  }
0x36: {  	p1 =	seq.s32 s10, $0x1;
	s10 =	sld [smem:$0x3FAC];
	_ =	sdelay $0x3  }
0x37: {  	[smem:$0x3FAC] =	sst s10  }
0x38: {  	s10 =	sld [smem:$0x3FAD]  }
0x39: {  	_ = 	snop;
	(pc) =	sbr.ind lr, $3  }
0x3a: {  	_ = 	snop  }
0x3b: {  	_ = 	snop  }
0x3c: {  	p2 =	seq.s32 s10, $0x1;
	s10 =	sld [smem:$0x3FAC]  }
0x3d: {  	_ =	shalt  }
0x3e: {  	_ =	shalt  }
0x3f: {  	_ =	shalt  }
0x40: {  	_ =	shalt  }
0x41: {  	_ =	shalt  }
0x42: {  	_ =	shalt  }
0x43: {  	_ =	shalt  }
0x44: {  	_ =	shalt  }
0x45: {  	_ =	shalt  }
0x46: {  	_ =	shalt  }
0x47: {  	_ =	shalt  }
0x48: {  	_ =	shalt  }
0x49: {  	_ =	shalt  }
0x4a: {  	_ =	shalt  }
0x4b: {  	_ =	shalt  }
0x4c: {  	_ =	shalt  }
0x4d: {  	_ =	shalt  }
0x4e: {  	_ =	shalt  }
0x4f: {  	_ =	shalt  }
0x50: {  	_ =	shalt  }
0x51: {  	_ =	shalt  }
0x52: {  	_ =	shalt  }
0x53: {  	_ =	shalt  }
0x54: {  	_ =	shalt  }
0x55: {  	_ =	shalt  }
0x56: {  	_ =	shalt  }
0x57: {  	_ =	shalt  }
0x58: {  	_ =	shalt  }
0x59: {  	_ =	shalt  }
0x5a: {  	_ =	shalt  }
0x5b: {  	_ =	shalt  }
0x5c: {  	_ =	shalt  }
0x5d: {  	_ =	shalt  }
0x5e: {  	_ =	shalt  }
0x5f: {  	_ =	shalt  }
0x60: {  	_ =	shalt  }
0x61: {  	_ =	shalt  }
0x62: {  	_ =	shalt  }
0x63: {  	_ =	shalt  }
0x64: {  	_ =	shalt  }
0x65: {  	_ =	shalt  }
0x66: {  	_ =	shalt  }
0x67: {  	_ =	shalt  }
0x68: {  	_ =	shalt  }
0x69: {  	_ =	shalt  }
0x6a: {  	_ =	shalt  }
0x6b: {  	_ =	shalt  }
0x6c: {  	_ =	shalt  }
0x6d: {  	_ =	shalt  }
0x6e: {  	_ =	shalt  }
0x6f: {  	_ =	shalt  }
0x70: {  	_ =	shalt  }
0x71: {  	_ =	shalt  }
0x72: {  	_ =	shalt  }
0x73: {  	_ =	shalt  }
0x74: {  	_ =	shalt  }
0x75: {  	_ =	shalt  }
0x76: {  	_ =	shalt  }
0x77: {  	_ =	shalt  }
0x78: {  	_ =	shalt  }
0x79: {  	_ =	shalt  }
0x7a: {  	_ =	shalt  }
0x7b: {  	_ =	shalt  }
0x7c: {  	_ =	shalt  }
0x7d: {  	_ =	shalt  }
0x7e: {  	_ =	shalt  }
0x7f: {  	_ =	shalt  }
0x80: {  	_ =	shalt  }
0x81: {  	_ =	shalt  }
0x82: {  	_ =	shalt  }
0x83: {  	_ =	shalt  }
0x84: {  	_ =	shalt  }
0x85: {  	_ =	shalt  }
0x86: {  	_ =	shalt  }
0x87: {  	_ =	shalt  }
.Lfunc_end0:
.L_simem_size_0:
called_computation_lowered:
.L_overlay_start_0:
0x88: {  	s0 =	sld [smem:$0x3FD9]  }
0x89: {  	s1 =	sld [smem:$0x3FFE];
	_ =	sdelay $0x3  }
0x8a: {  	s0 =	sadd.s32 s1, s0  }
0x8b: {  	[smem:$0x3FB8] =	sst s0  }
0x8c: {  	_ = 	snop  }
0x8d: {  	(tm) =	ssettm $0x1  }
0x8e: {  	s15 =	sld [smem:$0x3FFB];
	_ =	sdelay $0x3  }
0x8f: {  	_ =	strace s15  }
0x90: {  	s0 =	sld [smem:$0x3FFC];
	_ =	sdelay $0x3  }
0x91: {  	_ =	strace s0  }
0x92: {  	s0 =	sld [smem:$0x3FFD];
	_ =	sdelay $0x3  }
0x93: {  	_ =	strace s0  }
0x94: {  	_ =	strace $0x8FFFFFFF  }
0x95: {  	s16 =	sld [smem:$0x3FDB];
	_ =	sdelay $0x1  }
0x96: {  	s17 =	simm.s32 $_scs_section_size  }
0x97: {  	s2 =	simm.s32 $_size__tile_overlayer_lowered;
	s3 =	simm.s32 $_tile_overlayer_lowered  }
0x98: {  	s20 =	simm.s32 $0x1BFF;
	s19 =	sshll.u32 s3, $0x1;
	s0 =	sadd.s32 s17, s16  }
0x99: {  	s4 =	simm.s32 $0x0;
	s18 =	sshll.u32 s2, $0x1;
	s2 =	sadd.s32 s19, s0  }
0x9a: {  	[timem:s4], [sflag:s20] =	dma.local [hbm:s2], s18  }
0x9b: {  	_ =	swait.ge [sflag:s20], s18  }
0x9c: {  	s1 =	ssub.s32 $0x0, s18;
	[sflag:s20] =	ssyncset.done $0x0  }
0x9d: {  	[sflag:s20] =	ssyncadd.s32 s1;
	_ =	sdelay $0x1  }
0x9e: {  	s21 =	simm.s32 $0x1B8B  }
0x9f: {  	_ =	swait.ge [sflag:s21], $0x1  }
0xa0: {  	[sflag:s21] =	ssyncset.done $0x0  }
0xa1: {  	s23 =	simm.s32 $0x1B8E;
	s22 =	sld [smem:$0x3FFE];
	[sflag:s21] =	ssyncadd.s32 $0xFFFFFFFF  }
0xa2: {  	s24 =	simm.s32 $execute0_lowered;
	[smem:$0x3FD2] =	sst s23  }
0xa3: {  	s2 =	sshll.u32 s24, $0x1;
	_ =	strace $0x80000046;
	[dreg:$0x1] =	wrdreg $0xFFFFFFFF  }
0xa4: {  	s25 =	simm.s32 $_size_execute0_lowered;
	s0 =	sadd.s32 s0, s2;
	[dreg:$0x0] =	wrdreg $0x0  }
0xa5: {  	s2 =	sshll.u32 s25, $0x1;
	[dreg:$0x2] =	wrdreg s0  }
0xa6: {  	[dreg:$0x3] =	wrdreg s2  }
0xa7: {  	[dreg:$0x4] =	wrdreg $0xC0  }
0xa8: {  	_ =	task [dreg:s4], $0x5FFFF  }
0xa9: {  	[dreg:$0x1] =	wrdreg $0xFFFFFFFF  }
0xaa: {  	[dreg:$0x0] =	wrdreg $0x60  }
0xab: {  	[dreg:$0x2] =	wrdreg s22  }
0xac: {  	[dreg:$0x3] =	wrdreg $0x9  }
0xad: {  	_ =	task.clear_ibuf [dreg:s4], $0x4FFFF;
	_ =	strace $0x90000046  }
0xae: {  	s26 =	simm.s32 $0x9;
	_ =	strace $0x80000048  }
0xaf: {  	_ =	swait.ge [sflag:s26], $0x1  }
0xb0: {  	[sflag:s26] =	ssyncadd.s32 $0xFFFFFFFF  }
0xb1: {  	_ =	strace $0x90000048  }
0xb2: {  	_ =	sfence  }
0xb3: {  	s28 =	sld [smem:$0x0];
	_ =	sdelay $0x1  }
0xb4: {  	s29 =	srdreg.scid  }
0xb5: {  	s30 =	sshll.u32 s29, $0xD;
	s31 =	sshrl.u32 s29, $0x2  }
0xb6: {  	s1 =	sand.u32 $0x1, s29;
	s2 =	sand.u32 $0x4000, s30;
	s0 =	sadd.s32 s31, s28  }
0xb7: {  	s1 =	sor.u32 s2, s1;
	s0 =	sshll.u32 s0, $0x11  }
0xb8: {  	s0 =	sor.u32 s0, s1  }
0xb9: {  	s0 =	sadd.s32 $0x8F2B, s0  }
0xba: {  	[sflag:s0] =	ssyncadd.remote.s32 $0x1  }
0xbb: {  	_ =	sfence.sel $0xFFFF  }
0xbc: {  	[dreg:$0x0] =	wrdreg $0xFFFFFFFF;
	(pc) =	sbr.abs _section_cstart, $3  }
0xbd: {  	[dreg:$0x1] =	wrdreg $0xFFFFFFFF  }
0xbe: {  	_ =	task.clear_ibuf [dreg:s4], $0x2FFFF;
	_ =	strace $0x9FFFFFFF  }
0xbf: {  	(tm) =	ssettm $0x7FFFFFFF  }
tec
execute0_lowered:
.L_overlay_start_1:
0x0: {  	(tag) =	ssettag $0x1  }
0x1: {  	s0 =	rddreg [dreg:$0x0]  }
0x2: {  	s6 =	stileid.u32;
	_ =	strace $0x80000047;
	s2 =	simm.s32 $0x1  }
0x3: {  	v1 =	vimm.s32 $0xFFFFFFFF;
	s1 =	smul.u32 $0x3, s6;
	[sflag:s2] =	ssyncpa.u1 $0x0  }
0x4: {  	s3 =	smin.u32 s6, $0x7;
	[tilespmem:$0x10] =	vst v1  }
0x5: {  	v0 =	vimm.f32 $0.0e+00;
	[tilespmem:$0x20] =	vst v1;
	s1 =	sadd.s32 s3, s1  }
0x6: {  	p0 =	slt.u32 s6, $0x7;
	[tilespmem:$0x30] =	vst v0;
	s3 =	smul.u32 $0x1770, s1;
	s1 =	simm.s32 $0x5DC0  }
0x7: {  	[tilespmem:$0x40] =	vst v0;
	s1 =	simm.s32 @!p0 $0x4650  }
0x8: {  	[tilespmem:$0x50] =	vst v0;
	s1 =	sadd.s32 s1, s3  }
0x9: {  	[tilespmem:$0x60] =	vst v1;
	s4 =	smin.u32 s1, $0x50910  }
0xa: {  	s7 =	simm.s32 $0x2;
	[tilespmem:$0x70] =	vst v1;
	s9 =	ssub.s32 s4, s3  }
0xb: {  	s8 =	simm.s32 $0x8;
	s31 =	simm.s32 $0x9;
	[tilespmem:$0x80] =	vst v1;
	p0 =	sgt.s32 s9, $0x0  }
0xc: {  	s16 =	simm.s32 $0x0;
	s17 =	simm.s32 $0xF0;
	v1 =	vimm.s32 $0x0;
	[tilespmem:$0xB0] =	vst v0;
	s9 =	simm.s32 @!p0 $0x0  }
0xd: {  	s18 =	simm.s32 $0xFFFFFFFF;
	s19 =	simm.s32 $0xFFFFD220;
	[tilespmem:$0x90] =	vst v1;
	s5 =	smulhi.u32 $0x57619F1, s9  }
0xe: {  	s20 =	simm.s32 $0xFFFFFFFE;
	[tilespmem:$0xA0] =	vst v1;
	[sflag:s7] =	ssyncpa.u1 $0x0;
	s7 =	simm.s32 $0x7  }
0xf: {  	s21 =	simm.s32 $0xF;
	[sflag:s7] =	ssyncpa.u1 $0x0;
	s10 =	sshrl.u32 s5, $0x7  }
0x10: {  	s25 =	simm.s32 $0x0;
	[sflag:s8] =	ssyncpa.u1 $0x0;
	s11 =	smul.u32 $0x1770, s10  }
0x11: {  	s24 =	simm.s32 $0x0;
	s14 =	sshllo.u32 s6, $0x1;
	[sflag:s31] =	ssyncpa.u1 $0x0  }
.Ltmp0:
0x12: {  	s1 =	sadd.s32 $0x53C800, s0;
	p0 =	sne.s32 s9, s11;
	(pc) =	sbr.rel .LBB2_1-.Ltmp0, $4  }
0x13: {  	s5 =	sadd.s32 $0x1F200, s0;
	s0 =	sadd.s32 $0x29400, s0;
	s2 =	simm.s32 @!p0 $0x0  }
0x14: {  	s23 =	smov.u32 s3;
	[dreg:$0x2] =	wrdreg s0;
	s9 =	sadd.s32 s2, s10  }
0x15: {  	vm0 =	vmmov $0xffff;
	v2 =	vlaneseq.u32;
	p0 =	por $0x0, $0x0;
	s10 =	sshll.u32 s6, $0x1;
	s11 =	sadd.s32 $0x1, s9  }
0x16: {  	vm1 =	vmxor vm1, vm1;
	vm2 =	vmmov $0x1;
	vm3 =	vcmask $0x3F3C;
	s12 =	sadd.s32 $0x2, s9;
	s13 =	sor.u32 $0x81, s10;
	s15 =	sor.u32 $0x80, s10  }
.LBB2_9:
0x17: {  	p1 =	slt.u32 s24, $0x3  }
0x18: {  	s0 =	simm.s32 @!p1 $0x2  }
0x19: {  	_ =	swait.ge @!p1 [sflag:s0], $0x1770  }
0x1a: {  	[sflag:s0] =	ssyncset.done @!p1 $0x0  }
0x1b: {  	[sflag:s0] =	ssyncadd.s32 @!p1 $0xFFFFE890;
	s0 =	simm.s32 @!p1 $0x9  }
0x1c: {  	_ =	swait.ge @!p1 [sflag:s0], $0x10  }
0x1d: {  	[sflag:s0] =	ssyncset.done @!p1 $0x0  }
0x1e: {  	[sflag:s0] =	ssyncadd.s32 @!p1 $0xFFFFFFF0;
	p1 =	sne.s32 s24, s12  }
.Ltmp1:
0x1f: {  	s2 =	sadd.s32 $0x1770, s23;
	(pc) =	sbr.rel @!p1 .LBB2_10-.Ltmp1, $4  }
0x20: {  	s6 =	smov.u32 s3;
	s31 =	sadd.s32 $0x1, s24;
	s17 =	sadd.s32 $0x1770, s17  }
0x21: {  	s18 =	sadd.s32 $0x1, s18;
	s25 =	smov.u32 s23;
	p2 =	slt.s32 s2, s4  }
0x22: {  	p0 =	por !p0, !p0;
	s19 =	sadd.s32 $0x1770, s19;
	s6 =	smov.u32 @p2 s2  }
0x23: {  	s20 =	sadd.s32 $0x1, s20;
	s23 =	smov.u32 s6;
	s24 =	smov.u32 s31  }
.LBB2_1:
0x24: {  	p1 =	sge.u32 s24, s9  }
0x25: {  	s0 =	smulhi.u32 @!p1 $0xAAAAAAAB, s24;
	_ =	sdelay $0x1  }
0x26: {  	s0 =	sshrl.u32 @!p1 s0, $0x1  }
0x27: {  	s0 =	smul.u32 @!p1 $0x3, s0;
	_ =	sdelay $0x1  }
0x28: {  	s0 =	ssub.s32 @!p1 s24, s0  }
0x29: {  	s0 =	smul.u32 @!p1 $0x5DC0, s0;
	_ =	sdelay $0x1  }
0x2a: {  	s2 =	sshrl.u32 @!p1 s23, $0x3;
	s0 =	sshrl.u32 @!p1 s0, $0x2  }
0x2b: {  	s22 =	sand.u32 @!p1 $0x7, s23;
	s2 =	sadd.s32 @!p1 s5, s2;
	s0 =	sadd.s32 @!p1 $0x100, s0  }
0x2c: {  	[tilespmem:s0], [sflag:$0x7] =	stream.linear.gather @!p1 [hbm4b:s2+s22], $0x1770, $0x38;
	[tilespmem:$0xD410] =	vst v63  }
0x2d: {  	s0 =	sadd.s32 $0xFFFFFFFF, s24  }
0x2e: {  	p1 =	sge.u32 s0, s9  }
.Ltmp2:
0x2f: {  	_ = 	snop;
	(pc) =	sbr.rel @p1 .LBB2_5-.Ltmp2, $1  }
0x30: {  	_ =	sdelay $0x3  }
0x31: {  	s2 =	smulhi.u32 $0xAAAAAAAB, s0;
	_ =	sdelay $0x1  }
0x32: {  	s2 =	sshrl.u32 s2, $0x1  }
0x33: {  	s2 =	smul.u32 $0x3, s2;
	_ =	sdelay $0x1  }
0x34: {  	s2 =	ssub.s32 s0, s2  }
0x35: {  	s2 =	smul.u32 $0x5DC0, s2  }
0x36: {  	_ =	swait.ge [sflag:s7], $0x1770  }
0x37: {  	[sflag:s7] =	ssyncset.done $0x0;
	s2 =	sshrl.u32 s2, $0x2  }
0x38: {  	[sflag:s7] =	ssyncadd.s32 $0xFFFFE890;
	(ifvalue) =	ssetifvalue $0xFFFFFFFF;
	v3 =	vld.msk [tilespmem:s2+$0x100 ss:$0x1], $0xffff;
	_ =	sdelay $0x2  }
0x39: {  	s30 =	smulhi.u32 $0xAAAAAAAB, s18;
	p1 =	sne.s32 s24, $0x1  }
0x3a: {  	v4 =	vimm.s32 @!p1 $0x0  }
0x3b: {  	s2 =	sshrl.u32 s30, $0x1;
	v4 =	vperm.xlane @!p1 v3, v4  }
0x3c: {  	s22 =	sshll.u32 s24, $0x4;
	s2 =	smul.u32 $0xFFFEE6C0, s2;
	vm4 =	vlt.u32 v3, $0x2800  }
0x3d: {  	s22 =	sand.u32 $0x10, s22;
	v3 =	vnsel vm4, $0xFFFFFFFE, v3;
	vm4 =	vlt.u32 @!p1 v4, $0x2800  }
0x3e: {  	s2 =	sshra.s32 s2, $0x2;
	[tilespmem:s22+$0x60] =	vst v3;
	v3 =	vnsel @!p1 vm4, $0xFFFFFFFE, v4  }
0x3f: {  	s28 =	sadd.s32 s2, s17;
	[tilespmem:$0x80] =	vst @!p1 v3  }
0x40: {  	v3 =	vld.msk [tilespmem:s28+$0x0 ss:$0x1], $0xffff;
	_ =	sdelay $0x4  }
0x41: {  	(xrf1) =	vunique.msk.u32 $0xffff, v3;
	_ =	sdelay $0xd  }
0x42: {  	v4 =	vimm.s32 $0xFFFFFFFF;
	v5, _, _ =	vpop (xrf1)  }
0x43: {  	vm5 =	vne.s32 v3, v4;
	vm4 =	veq.s32 v5, v2  }
0x44: {  	vm6 =	vlt.u32 v3, $0x2800;
	vm4 =	vmand vm5, vm4  }
0x45: {  	vm4 =	vmand vm6, vm4  }
0x46: {  	v4 =	vnsel vm4, $0xFFFFFFFF, v3  }
0x47: {  	s31 =	sand.u32 $0x1, s0  }
0x48: {  	s0 =	simm.s32 $0x1770;
	p1 =	seq.s32 s31, $0x1  }
0x49: {  	s0 =	simm.s32 @!p1 $0x0  }
0x4a: {  	s26 =	sadd.s32 $0x5EB0, s0;
	(ifvalue) =	ssetifvalue $0xFFFFFFFF  }
0x4b: {  	v3 =	vperm.xlane v3, v1;
	[tilespmem:s26], [sflag:$0x8] =	stream.indirect_vreg.gather [hbm4b:s1+s16], $0x1, v4, vm0, $0x4038;
	v4 =	vnsel vm6, $0xFFFFFFFE, v4;
	[tilespmem:$0xD410] =	vst v63  }
0x4c: {  	s2 =	simm.s32 $0x0;
	s22 =	sadd.s32 $0xFFFFFFF0, s28;
	[tilespmem:s28+$0x0] =	vst v4  }
.LBB2_3:
0x4d: {  	v4 =	vld.msk [tilespmem:s22+$0x0 ss:$0x1], $0xffff;
	s2 =	sadd.s32 $0x10, s2;
	v5 =	vmov v3;
	s28 =	smov.u32 s22  }
0x4e: {  	p1 =	slt.u32 s2, $0x1760;
	_ =	sdelay $0x4  }
0x4f: {  	v3 =	vperm.xlane v4, v1;
	(xrf1) =	vunique.msk.u32 $0xffff, v4;
	_ =	sdelay $0xd  }
0x50: {  	v6, _, _ =	vpop (xrf1)  }
0x51: {  	vm5 =	vne.s32 v4, v5;
	vm4 =	veq.s32 v6, v2  }
0x52: {  	vm6 =	vlt.u32 v4, $0x2800;
	vm4 =	vmand vm5, vm4  }
0x53: {  	vm4 =	vmand vm6, vm4  }
0x54: {  	v4 =	vnsel vm4, $0xFFFFFFFF, v4  }
.Ltmp3:
0x55: {  	v5 =	vnsel vm6, $0xFFFFFFFE, v4;
	(pc) =	sbr.rel @p1 .LBB2_3-.Ltmp3, $3  }
0x56: {  	_ =	sdelay $0x1  }
0x57: {  	s22 =	sadd.s32 $0xFFFFFFF0, s22;
	s26 =	sadd.s32 $0xFFFFFFF0, s26;
	(ifvalue) =	ssetifvalue $0xFFFFFFFF  }
0x58: {  	[tilespmem:s26], [sflag:$0x8] =	stream.indirect_vreg.gather [hbm4b:s1+s16], $0x1, v4, vm0, $0x4038;
	[tilespmem:s28+$0x0] =	vst v5  }
0x59: {  	s2 =	sshrl.u32 s25, $0x3;
	s6 =	rddreg [dreg:$0x2]  }
0x5a: {  	s0 =	sadd.s32 $0x7630, s0;
	s2 =	sadd.s32 s6, s2  }
0x5b: {  	[tilespmem:s0], [sflag:$0x8] =	stream.linear.gather [hbm:s2], $0x1770, $0x38;
	[tilespmem:$0xD410] =	vst v63  }
.LBB2_5:
0x5c: {  	p1 =	slt.u32 s24, $0x2  }
0x5d: {  	p2 =	sge.u32 @!p1 s24, s12  }
0x5e: {  	p1 =	por p1, p2  }
.Ltmp4:
0x5f: {  	_ = 	snop;
	(pc) =	sbr.rel @p1 .LBB2_9-.Ltmp4, $1  }
0x60: {  	_ =	sdelay $0x3  }
0x61: {  	s0 =	sadd.s32 $0xFFFFFFFE, s24  }
0x62: {  	s2 =	smulhi.u32 $0xAAAAAAAB, s0;
	_ =	sdelay $0x1  }
0x63: {  	s2 =	sshrl.u32 s2, $0x1  }
0x64: {  	s2 =	smul.u32 $0x3, s2;
	_ =	sdelay $0x1  }
0x65: {  	s0 =	ssub.s32 s0, s2  }
0x66: {  	_ =	swait.ge [sflag:s8], $0x2EE0;
	s0 =	smul.u32 $0x1770, s0  }
0x67: {  	p1 =	sne.s32 s24, s11;
	[sflag:s8] =	ssyncset.done $0x0  }
0x68: {  	[sflag:s8] =	ssyncadd.s32 $0xFFFFD120;
	s2 =	sadd.s32 @!p1 $0x186F, s0  }
0x69: {  	[spmem:s13] =	stream.linear.scatter @!p1 [tilespmem:s2], [sflag:$0x1], $0x1, $0x38;
	[tilespmem:$0xD410] =	vst v63  }
0x6a: {  	s2 =	simm.s32 @!p1 $0x1  }
0x6b: {  	_ =	swait.ge @!p1 [sflag:s2], $0x1  }
0x6c: {  	s22 =	sshll.u32 s24, $0x4;
	[sflag:s2] =	ssyncset.done @!p1 $0x0  }
0x6d: {  	s25 =	sand.u32 $0x10, s22;
	[sflag:s2] =	ssyncadd.s32 @!p1 $0xFFFFFFFF  }
0x6e: {  	s2 =	sxor.u32 $0x10, s25;
	v4 =	vld [tilespmem:s25+$0x10]  }
0x6f: {  	v5 =	vld [tilespmem:s2+$0x60]  }
0x70: {  	v3 =	vld [tilespmem:$0x80];
	_ =	sdelay $0x2  }
0x71: {  	(v2sf) =	vpush v4, $0x0  }
0x72: {  	(v2sf) =	vpush v5, $0x0  }
0x73: {  	(v2sf) =	vpush v3, $0x0;
	_ =	sdelay $0xc  }
0x74: {  	s6 =	spop (v2sf)  }
0x75: {  	s28 =	spop (v2sf)  }
0x76: {  	s26 =	spop (v2sf)  }
0x77: {  	p2 =	seq.s32 s6, s28;
	p3 =	seq.s32 s26, s6  }
0x78: {  	p3 =	por p2, p3  }
0x79: {  	s6 =	sand.u32 $0x1, s24;
	v4 =	vpsel p3, $0xFFFFFFFF, v4  }
0x7a: {  	s28 =	smul.u32 $0x1770, s6;
	[tilespmem:s25+$0x10] =	vst.msk $0x1, v4  }
0x7b: {  	v4 =	vld [tilespmem:$0x30]  }
0x7c: {  	v5 =	vld [tilespmem:s28+$0x7630]  }
0x7d: {  	v6 =	vld [tilespmem:s25+$0x40];
	_ =	sdelay $0x3  }
0x7e: {  	vm4 =	vmmov vm1;
	v5 =	vadd.f32 v5, v4  }
0x7f: {  	vm5 =	vmmov vm2;
	vm4 =	vmmov @p2 vm2;
	v4 =	vadd.f32 v6, v4  }
0x80: {  	s22 =	sshll.u32 s6, $0x4;
	vm5 =	vmmov @p3 vm1;
	[tilespmem:s28+$0x7630] =	vst.msk vm4, v5  }
0x81: {  	[tilespmem:s22+$0xD3F0] =	vst.msk vm5, v4  }
0x82: {  	v4 =	vld [tilespmem:s28+$0x5EB0];
	_ =	sdelay $0x3  }
0x83: {  	v5 =	vimm.f32 $0.0e+00  }
0x84: {  	v4 =	vshift.insert v4, v5, s21  }
0x85: {  	s29 =	sor.u32 $0x40, s2  }
0x86: {  	[tilespmem:s29+$0x0] =	vst.msk $0x1, v4  }
0x87: {  	[tilespmem:s28+$0x5EBF] =	vst.msk $0x1, v5  }
0x88: {  	v4 =	vld [tilespmem:s0+$0x1860];
	_ =	sdelay $0x1  }
0x89: {  	s29 =	smulhi.u32 $0xAAAAAAAB, s20;
	s0 =	simm.s32 $0x1  }
0x8a: {  	s0 =	simm.s32 @!p0 $0x0  }
0x8b: {  	s29 =	sshrl.u32 s29, $0x1;
	s0 =	smul.u32 $0x5DC0, s0  }
0x8c: {  	s29 =	smul.u32 $0xFFFEE6C0, s29;
	v4 =	vshift.insert v4, v1, s21  }
0x8d: {  	s0 =	sshrl.u32 s0, $0x2  }
0x8e: {  	s29 =	sshra.s32 s29, $0x2;
	s30 =	sadd.s32 $0x7630, s0;
	[tilespmem:s2+$0x10] =	vst.msk $0x1, v4  }
0x8f: {  	s6 =	sadd.s32 s29, s19;
	v6 =	vld [tilespmem:s30+$0x0]  }
0x90: {  	v7 =	vld [tilespmem:s6+$0x0];
	_ =	sdelay $0x3  }
0x91: {  	v5 =	vadd.f32 v6, v5  }
0x92: {  	vm4 =	vne.s32 v7, $0xFFFFFFFF  }
0x93: {  	(xrf2) =	vadd.seg.scan.f32 vm4, v5;
	_ =	sdelay $0x3  }
0x94: {  	s31 =	sadd.s32 $0x4750, s0;
	v5 =	vperm.xlane v4, v1  }
0x95: {  	v6 =	vld [tilespmem:s31+$0x0]  }
0x96: {  	vm5 =	veq.s32 v7, v3;
	vm6 =	veq.s32 v7, v5  }
0x97: {  	vm7 =	vgt.u32 v7, $0xFFFFFFFD;
	vm6 =	vmor vm6, vm5  }
0x98: {  	vm6 =	vmor vm6, vm7  }
0x99: {  	v9 =	vld [tilespmem:$0xA0];
	v7 =	vsel vm6, $0xFFFFFFFF, v7  }
0x9a: {  	v10 =	vld [tilespmem:$0x90];
	v6 =	vsel vm5, $0x0, v6;
	v8, _, _ =	vpop (xrf2)  }
0x9b: {  	v6 =	vadd.f32 v8, v6  }
0x9c: {  	s0 =	sadd.s32 $0xA510, s0  }
0x9d: {  	vm4 =	vmand vm4, vm3;
	[tilespmem:s0+$0x0] =	vst v6;
	(ifvalue) =	ssetifvalue $0xFFFFFFFF  }
0x9e: {  	vm6 =	veq.s32 v9, $0x1;
	[hbm4b:s1+s16] =	stream.indirect_vreg.scatter [tilespmem:s0], [sflag:$0x2], $0x1, v7, vm0, $0x4038;
	v7 =	vsel vm4, $0x0, v8;
	[tilespmem:$0xD410] =	vst v63  }
0x9f: {  	s29 =	sadd.s32 $0xD3F0, s22;
	s22 =	sadd.s32 $0x10, s6;
	s2 =	simm.s32 $0x0;
	vm4 =	vmor vm6, vm5;
	v6 =	vsel vm5, v8, v10;
	v7 =	vshift.insert v7, v0, s21  }
.LBB2_7:
0xa0: {  	v8 =	vld [tilespmem:s22+$0x0];
	s30 =	sadd.s32 $0x10, s30  }
0xa1: {  	s31 =	sadd.s32 $0x10, s31;
	v9 =	vld [tilespmem:s30+$0x0]  }
0xa2: {  	s2 =	sadd.s32 $0x10, s2;
	v10 =	vld [tilespmem:s31+$0x0]  }
0xa3: {  	p2 =	slt.u32 s2, $0x1760;
	_ =	sdelay $0x2  }
0xa4: {  	v7 =	vadd.f32 v9, v7  }
0xa5: {  	vm5 =	vne.s32 v8, $0xFFFFFFFF  }
0xa6: {  	vm6 =	vmand vm5, vm3;
	(xrf2) =	vadd.seg.scan.f32 vm5, v7;
	_ =	sdelay $0x5  }
0xa7: {  	vm7 =	veq.s32 v8, v5;
	vm5 =	veq.s32 v8, v3  }
0xa8: {  	vm8 =	vgt.u32 v8, $0xFFFFFFFD;
	vm4 =	vmor vm4, vm5;
	vm7 =	vmor vm7, vm5  }
0xa9: {  	vm7 =	vmor vm7, vm8  }
0xaa: {  	v8 =	vsel vm7, $0xFFFFFFFF, v8  }
.Ltmp5:
0xab: {  	v7 =	vsel vm5, $0x0, v10;
	v9, _, _ =	vpop (xrf2);
	(pc) =	sbr.rel @p2 .LBB2_7-.Ltmp5, $4  }
0xac: {  	v6 =	vsel vm5, v9, v6;
	v10 =	vadd.f32 v9, v7;
	v7 =	vsel vm6, $0x0, v9  }
0xad: {  	s0 =	sadd.s32 $0x10, s0;
	v7 =	vshift.insert v7, v0, s21  }
0xae: {  	s22 =	sadd.s32 $0x10, s22;
	[tilespmem:s0+$0x0] =	vst v10;
	(ifvalue) =	ssetifvalue $0xFFFFFFFF  }
0xaf: {  	[hbm4b:s1+s16] =	stream.indirect_vreg.scatter [tilespmem:s0], [sflag:$0x2], $0x1, v8, vm0, $0x4038;
	[tilespmem:$0xD410] =	vst v63  }
0xb0: {  	v3 =	vld [tilespmem:s28+$0xBC70];
	_ =	sdelay $0x4  }
0xb1: {  	v3 =	vshift.insert v3, v0, s21  }
0xb2: {  	s0 =	simm.s32 $0x30  }
0xb3: {  	[tilespmem:s0+$0x0] =	vst.msk $0x1, v3  }
0xb4: {  	v3 =	vsel vm4, $0x1, v1;
	[tilespmem:$0x90] =	vst v6  }
0xb5: {  	s0 =	sadd.s32 @!p1 $0xBC7F, s28;
	[tilespmem:$0xA0] =	vst v3  }
0xb6: {  	[spmem:s14] =	stream.linear.scatter @!p1 [tilespmem:s0], [sflag:$0x1], $0x1, $0x38;
	[tilespmem:$0xD410] =	vst v63  }
0xb7: {  	s0 =	simm.s32 @!p1 $0x1  }
0xb8: {  	v3 =	vmctz.xlane @!p1 vm4;
	_ =	swait.ge @!p1 [sflag:s0], $0x1  }
0xb9: {  	(v2sf) =	vpush @!p1 v4, $0x0  }
0xba: {  	(v2sf) =	vpush @!p1 v3, $0x0;
	_ =	sdelay $0xd  }
0xbb: {  	s2 =	spop @!p1 (v2sf)  }
0xbc: {  	s6 =	spop @!p1 (v2sf)  }
0xbd: {  	p2 =	sne.s32 @!p1 s26, s2;
	p3 =	slt.s32 @!p1 s6, $0xF  }
0xbe: {  	[sflag:s0] =	ssyncset.done @!p1 $0x0;
	p2 =	por p2, p1;
	p3 =	por !p3, p1  }
0xbf: {  	[sflag:s0] =	ssyncadd.s32 @!p1 $0xFFFFFFFF;
	v3 =	vimm.s32 @!p2 $0xFFFFFFFF;
	s6 =	simm.s32 @p3 $0xF  }
0xc0: {  	[tilespmem:$0x80] =	vst @!p2 v3;
	s2 =	sadd.s32 @!p1 $0x90, s6  }
0xc1: {  	[spmem:s10] =	stream.linear.scatter @!p1 [tilespmem:s2], [sflag:$0x1], $0x1, $0x38;
	[tilespmem:$0xD410] =	vst v63  }
0xc2: {  	_ =	swait.ge @!p1 [sflag:s0], $0x1  }
0xc3: {  	[sflag:s0] =	ssyncset.done @!p1 $0x0  }
0xc4: {  	s2 =	simm.s32 @!p1 $0x80;
	[sflag:s0] =	ssyncadd.s32 @!p1 $0xFFFFFFFF  }
0xc5: {  	[spmem:s15] =	stream.linear.scatter @!p1 [tilespmem:s2], [sflag:$0x1], $0x1, $0x38;
	[tilespmem:$0xD410] =	vst v63  }
0xc6: {  	_ =	swait.ge @!p1 [sflag:s0], $0x1  }
0xc7: {  	[sflag:s0] =	ssyncset.done @!p1 $0x0  }
0xc8: {  	[sflag:s0] =	ssyncadd.s32 @!p1 $0xFFFFFFFF;
	(ifvalue) =	ssetifvalue $0xFFFFFFFF;
	v3 =	vld [tilespmem:s25+$0x10];
	_ =	sdelay $0x3  }
.Ltmp6:
0xc9: {  	_ = 	snop;
	(pc) =	sbr.rel .LBB2_9-.Ltmp6, $3  }
0xca: {  	_ =	sdelay $0x1  }
0xcb: {  	(ifvalue) =	ssetifvalue $0xFFFFFFFF  }
0xcc: {  	[hbm4b:s1+s16] =	stream.indirect_vreg.scatter [tilespmem:s29], [sflag:$0x9], $0x1, v3, vm0, $0x4038;
	[tilespmem:$0xD410] =	vst v63  }
.LBB2_10:
0xcd: {  	_ =	sfence.sel $0x180000  }
0xce: {  	s0 =	simm.s32 $0x7;
	[bflag:$0x0] =	sbarrier.arrive $0xFFFF  }
0xcf: {  	s26 =	simm.s32 $0x8;
	[sflag:s0] =	ssyncpa.u1 $0x1  }
0xd0: {  	s28 =	simm.s32 $0x9;
	[sflag:s26] =	ssyncpa.u1 $0x1  }
0xd1: {  	[sflag:s28] =	ssyncpa.u1 $0x1  }
0xd2: {  	_ =	sfence.stream.spmem  }
0xd3: {  	s29 =	simm.s32 $0x3;
	[bflag:$0x0] =	sbarrier.arrive $0xFFFF  }
0xd4: {  	s30 =	simm.s32 $0x4;
	[sflag:s29] =	ssyncpa.u1 $0x1  }
0xd5: {  	s31 =	simm.s32 $0x3C;
	s2 =	stileid.u32;
	[sflag:s30] =	ssyncpa.u1 $0x1  }
0xd6: {  	p0 =	sne.s32 s2, $0x0;
	[sflag:s31] =	ssyncpa.u1 $0x1  }
0xd7: {  	s0 =	simm.s32 @p0 $0x1;
	_ =	sfence @p0  }
0xd8: {  	[sflag:s0] =	ssyncpa.u1 @p0 $0x1;
	s0 =	simm.s32 @p0 $0x2  }
0xd9: {  	[sflag:s0] =	ssyncpa.u1 @p0 $0x1  }
0xda: {  	_ =	strace @p0 $0x90000047  }
0xdb: {  	[bflag:$0x2] =	sbarrier.arrive @p0 $0xFFFF  }
0xdc: {  	_ =	shalt @p0  }
.LBB2_11:
0xdd: {  	_ =	sfence.stream.spmem;
	s0 =	simm.s32 $0x5  }
0xde: {  	s2 =	simm.s32 $0x80;
	s3 =	simm.s32 $0xC0;
	[sflag:s0] =	ssyncpa.u1 $0x0  }
0xdf: {  	[tilespmem:s3], [sflag:$0x5] =	stream.linear.gather [spmem:s2], $0x20, $0x38;
	[tilespmem:$0xD410] =	vst v63  }
0xe0: {  	s2 =	simm.s32 $0x0;
	s3 =	simm.s32 $0xE0  }
0xe1: {  	[tilespmem:s3], [sflag:$0x5] =	stream.linear.gather [spmem:s2], $0x20, $0x38;
	[tilespmem:$0xD410] =	vst v63  }
.Ltmp7:
0xe2: {  	_ = 	snop;
	(pc) =	sbr.rel .LBB2_12-.Ltmp7, $4  }
0xe3: {  	_ =	swait.ge [sflag:s0], $0x40  }
0xe4: {  	[sflag:s0] =	ssyncset.done $0x0  }
0xe5: {  	s31 =	simm.s32 $0x6;
	[sflag:s0] =	ssyncadd.s32 $0xFFFFFFC0  }
0xe6: {  	s4 =	simm.s32 $0x0;
	[sflag:s31] =	ssyncpa.u1 $0x0  }
.LBB2_17:
0xe7: {  	p0 =	sgt.u32 s5, $0x27FF  }
0xe8: {  	s0 =	sshrl.u32 @!p0 s5, $0x3  }
0xe9: {  	s5 =	sand.u32 @!p0 $0x7, s5;
	s6 =	simm.s32 @!p0 $0xB0;
	s0 =	sadd.s32 @!p0 s1, s0  }
0xea: {  	[tilespmem:s6], [sflag:$0x6] =	stream.linear.gather @!p0 [hbm4b:s0+s5], $0x1, $0x38;
	[tilespmem:$0xD410] =	vst v63  }
0xeb: {  	s0 =	simm.s32 @!p0 $0x6  }
0xec: {  	_ =	swait.ge @!p0 [sflag:s0], $0x1  }
0xed: {  	[sflag:s0] =	ssyncset.done @!p0 $0x0  }
0xee: {  	[sflag:s0] =	ssyncadd.s32 @!p0 $0xFFFFFFFF  }
0xef: {  	v2 =	vmov @!p0 s4;
	v1 =	vld.msk @!p0 [tilespmem:$0xB0], $0x1;
	_ =	sdelay $0x3  }
0xf0: {  	s0 =	simm.s32 @!p0 $0xE0  }
0xf1: {  	[tilespmem:v2+s0+$0x0], v1 =	vst.idx.ret.add.f32.msk @!p0 $0x1, v1  }
0xf2: {  	[tilespmem:s2+$0xC0] =	vst.msk $0x1, v0  }
0xf3: {  	v0 =	vld.msk [tilespmem:s4+$0xE0], $0x1;
	_ =	sdelay $0x4  }
0xf4: {  	[tilespmem:s2+$0xE0] =	vst.msk $0x1, v0;
	s2 =	sadd.s32 $0x1, s2  }
.LBB2_19:
0xf5: {  	s4 =	sadd.s32 $0x1, s4  }
0xf6: {  	p0 =	sne.s32 s4, $0x20  }
.Ltmp8:
0xf7: {  	_ = 	snop;
	(pc) =	sbr.rel @!p0 .LBB2_20-.Ltmp8, $1  }
0xf8: {  	_ =	sdelay $0x3  }
.LBB2_12:
0xf9: {  	v0 =	vld.msk [tilespmem:s4+$0xC0], $0x1;
	_ =	sdelay $0x4  }
0xfa: {  	(v2sf) =	vpush v0, $0x0;
	_ =	sdelay $0xe  }
0xfb: {  	s5 =	spop (v2sf)  }
0xfc: {  	p0 =	seq.s32 s5, $0xFFFFFFFF  }
.Ltmp9:
0xfd: {  	_ = 	snop;
	(pc) =	sbr.rel @p0 .LBB2_19-.Ltmp9, $1  }
0xfe: {  	_ =	sdelay $0x3  }
0xff: {  	p0 =	slt.s32 s2, $0x1  }
.Ltmp10:
0x100: {  	_ = 	snop;
	(pc) =	sbr.rel @p0 .LBB2_17-.Ltmp10, $1  }
0x101: {  	_ =	sdelay $0x3  }
0x102: {  	s0 =	simm.s32 $0xC0;
	p0 =	por $0x0, $0x0  }
0x103: {  	v1 =	vld.msk @!p0 [tilespmem:s0+$0x0], $0x1;
	_ =	sdelay $0x4  }
0x104: {  	(v2sf) =	vpush @!p0 v1, $0x0;
	_ =	sdelay $0xd  }
0x105: {  	p2 =	sne.s32 s2, $0x1  }
.Ltmp11:
0x106: {  	s6 =	spop @!p0 (v2sf);
	(pc) =	sbr.rel @!p2 .LBB2_16-.Ltmp11, $4  }
0x107: {  	p1 =	seq.s32 @!p0 s5, s6  }
0x108: {  	s6 =	simm.s32 $0x0;
	p1 =	por !p1, p0  }
0x109: {  	s8 =	simm.s32 $0xFFFFFFFF;
	s6 =	simm.s32 @p1 $0xFFFFFFFF  }
0x10a: {  	s7 =	simm.s32 $0x1;
	s6 =	smov.u32 @p0 s8  }
.LBB2_15:
0x10b: {  	s8 =	smov.u32 s6;
	p0 =	sne.s32 s6, $0xFFFFFFFF  }
0x10c: {  	s0 =	sadd.s32 $0x1, s0;
	s6 =	smov.u32 s7;
	s7 =	sadd.s32 $0x1, s7  }
0x10d: {  	p1 =	sne.s32 s2, s7;
	v1 =	vld.msk @!p0 [tilespmem:s0+$0x0], $0x1;
	_ =	sdelay $0x4  }
0x10e: {  	(v2sf) =	vpush @!p0 v1, $0x0;
	_ =	sdelay $0xe  }
.Ltmp12:
0x10f: {  	s9 =	spop @!p0 (v2sf);
	(pc) =	sbr.rel @p1 .LBB2_15-.Ltmp12, $4  }
0x110: {  	p2 =	seq.s32 @!p0 s5, s9  }
0x111: {  	p2 =	por !p2, p0  }
0x112: {  	s6 =	simm.s32 @p2 $0xFFFFFFFF  }
0x113: {  	s6 =	smov.u32 @p0 s8  }
.LBB2_16:
0x114: {  	p0 =	sne.s32 s6, $0xFFFFFFFF  }
.Ltmp13:
0x115: {  	_ = 	snop;
	(pc) =	sbr.rel @!p0 .LBB2_17-.Ltmp13, $1  }
0x116: {  	_ =	sdelay $0x3  }
0x117: {  	v0 =	vld.msk [tilespmem:s4+$0xE0], $0x1;
	v1 =	vmov s6  }
.Ltmp14:
0x118: {  	_ = 	snop;
	(pc) =	sbr.rel .LBB2_19-.Ltmp14, $2  }
0x119: {  	_ =	sdelay $0x2  }
0x11a: {  	[tilespmem:v1+s3+$0x0], v0 =	vst.idx.ret.add.f32.msk $0x1, v0  }
.LBB2_20:
0x11b: {  	p0 =	slt.s32 s2, $0x1  }
.Ltmp15:
0x11c: {  	_ = 	snop;
	(pc) =	sbr.rel @p0 .LBB2_24-.Ltmp15, $3  }
0x11d: {  	_ =	sdelay $0x1  }
0x11e: {  	s0 =	simm.s32 $0x6  }
0x11f: {  	s3 =	simm.s32 $0x0;
	[sflag:s0] =	ssyncpa.u1 $0x1  }
0x120: {  	s0 =	simm.s32 $0xC0  }
0x121: {  	v0 =	vld.msk [tilespmem:s0+$0x0], $0x1;
	_ =	sdelay $0x4  }
0x122: {  	(v2sf) =	vpush v0, $0x0;
	_ =	sdelay $0xe  }
0x123: {  	s2 =	sadd.s32 $0xFFFFFFFF, s2;
	s4 =	spop (v2sf)  }
0x124: {  	p1 =	sne.s32 s2, $0x0;
	p0 =	sgt.u32 s4, $0x27FF  }
.Ltmp16:
0x125: {  	s5 =	sshrl.u32 @!p0 s4, $0x3;
	(pc) =	sbr.rel @!p1 .LBB2_23-.Ltmp16, $4  }
0x126: {  	s0 =	simm.s32 $0xE0;
	s4 =	sand.u32 @!p0 $0x7, s4;
	s5 =	sadd.s32 @!p0 s1, s5  }
0x127: {  	[hbm4b:s5+s4] =	stream.linear.scatter @!p0 [tilespmem:s0], [sflag:$0x5], $0x1, $0x38;
	[tilespmem:$0xD410] =	vst v63  }
0x128: {  	s5 =	simm.s32 $0x0  }
0x129: {  	s4 =	simm.s32 $0xC1;
	s5 =	simm.s32 @!p0 $0x4  }
.LBB2_22:
0x12a: {  	v0 =	vld.msk [tilespmem:s4+$0x0], $0x1;
	s2 =	sadd.s32 $0xFFFFFFFF, s2;
	s3 =	sadd.s32 s3, s5  }
0x12b: {  	p0 =	sne.s32 s2, $0x0;
	_ =	sdelay $0x3  }
0x12c: {  	(v2sf) =	vpush v0, $0x0;
	_ =	sdelay $0xe  }
.Ltmp17:
0x12d: {  	s6 =	spop (v2sf);
	(pc) =	sbr.rel @p0 .LBB2_22-.Ltmp17, $4  }
0x12e: {  	s5 =	simm.s32 $0x0;
	p1 =	sgt.u32 s6, $0x27FF  }
0x12f: {  	s0 =	sadd.s32 $0x1, s0;
	s5 =	simm.s32 @!p1 $0x4;
	s7 =	sshrl.u32 @!p1 s6, $0x3  }
0x130: {  	s4 =	sadd.s32 $0x1, s4;
	s6 =	sand.u32 @!p1 $0x7, s6;
	s7 =	sadd.s32 @!p1 s1, s7  }
0x131: {  	[hbm4b:s7+s6] =	stream.linear.scatter @!p1 [tilespmem:s0], [sflag:$0x5], $0x1, $0x38;
	[tilespmem:$0xD410] =	vst v63  }
.LBB2_23:
0x132: {  	s0 =	sadd.s32 s3, s5  }
0x133: {  	s3 =	sshrl.u32 s0, $0x2  }
.LBB2_24:
0x134: {  	s0 =	simm.s32 $0x5  }
0x135: {  	_ =	swait.ge [sflag:s0], s3  }
0x136: {  	s1 =	ssub.s32 $0x0, s3;
	[sflag:s0] =	ssyncset.done $0x0  }
0x137: {  	[sflag:s0] =	ssyncadd.s32 s1  }
0x138: {  	[sflag:s0] =	ssyncpa.u1 $0x1  }
0x139: {  	s29 =	simm.s32 $0x1;
	_ =	sfence  }
0x13a: {  	s30 =	simm.s32 $0x2;
	[sflag:s29] =	ssyncpa.u1 $0x1  }
0x13b: {  	[sflag:s30] =	ssyncpa.u1 $0x1  }
0x13c: {  	_ =	strace $0x90000047  }
0x13d: {  	[bflag:$0x2] =	sbarrier.arrive $0xFFFF  }
0x13e: {  	s31 =	rddreg [dreg:$0x1]  }
0x13f: {  	s0 =	sadd.s32 $0x100000, s31  }
0x140: {  	[sflag:s0] =	ssyncadd.tile.s32 $0x1;
	_ =	shalt  }
.Lfunc_end2:
_tile_overlayer_lowered:
.L_overlay_start_2:
0x141: {  	(tag) =	ssettag $0x2  }
0x142: {  	s0 =	rddreg [dreg:$0x0];
	s2 =	stileid.u32  }
0x143: {  	s1 =	rddreg [dreg:$0x1];
	p0 =	sne.s32 s2, $0x0  }
0x144: {  	s3 =	rddreg [dreg:$0x2];
	[bflag:$0x3] =	sbarrier.arrive $0xFFFF;
	s2 =	simm.s32 @!p0 $0x1C01  }
0x145: {  	[timem:s3], [sflag:s2] =	dma.local @!p0 [hbm:s0], s1  }
0x146: {  	s0 =	simm.s32 @!p0 $0x1  }
0x147: {  	_ =	swait.ge @!p0 [sflag:s0], s1  }
0x148: {  	s1 =	ssub.s32 @!p0 $0x0, s1;
	[sflag:s0] =	ssyncset.done @!p0 $0x0  }
0x149: {  	[sflag:s0] =	ssyncadd.s32 @!p0 s1  }
0x14a: {  	[bflag:$0x3] =	sbarrier.arrive $0xFFFF  }
0x14b: {  	_ =	shalt  }

</sc_bundles>
